<compile_context>
chip_gen: v7x
topology: tpu7x:2x2x1
jax: 0.10.2.dev20260603
libtpu: 0.0.44.dev20260713+nightly
codegen_flags: <defaults>
</compile_context>

<pallas_src>
import functools

import jax
import jax.numpy as jnp
from jax import lax
from jax.experimental import pallas as pl
from jax.experimental.pallas import tpu as pltpu
from jax.experimental.pallas import tpu_sc as plsc

Q = 1024
D = 128
N = 100000
KNB = 8
ADIM = 7
L = 2048
BH = 2
B = L * BH
NBLK = 25
NPADB = B * NBLK
RT = 256
NROWT = Q // RT
RTE = 64
NEXT = Q // RTE


def _stream_body(q_ref, a2_ref, k_ref, b2_ref,
                 m1, m2, m3, i1, i2, i3):
    j = pl.program_id(1)

    @pl.when(j == 0)
    def _init():
        inf = jnp.full((RT, L), jnp.inf, jnp.float32)
        zero = jnp.zeros((RT, L), jnp.int32)
        m1[0] = inf
        m2[0] = inf
        m3[0] = inf
        i1[0] = zero
        i2[0] = zero
        i3[0] = zero

    qv = q_ref[0]
    kv = k_ref[...]
    ab = lax.dot_general(qv, kv, (((1,), (1,)), ((), ())),
                         preferred_element_type=jnp.float32)
    f = (a2_ref[0] + b2_ref[...]) - 2.0 * ab

    om1 = m1[0]
    om2 = m2[0]
    om3 = m3[0]
    oi1 = i1[0]
    oi2 = i2[0]
    oi3 = i3[0]
    for h in range(BH):
        x = f[:, h * L:(h + 1) * L]
        p = j * BH + h
        c1 = x < om1
        c2 = x < om2
        c3 = x < om3
        nm1 = jnp.where(c1, x, om1)
        ni1 = jnp.where(c1, p, oi1)
        nm2 = jnp.where(c1, om1, jnp.where(c2, x, om2))
        ni2 = jnp.where(c1, oi1, jnp.where(c2, p, oi2))
        nm3 = jnp.where(c2, om2, jnp.where(c3, x, om3))
        ni3 = jnp.where(c2, oi2, jnp.where(c3, p, oi3))
        om1, om2, om3 = nm1, nm2, nm3
        oi1, oi2, oi3 = ni1, ni2, ni3
    m1[0] = om1
    m2[0] = om2
    m3[0] = om3
    i1[0] = oi1
    i2[0] = oi2
    i3[0] = oi3


_stream_call = pl.pallas_call(
    _stream_body,
    grid=(NROWT, NBLK),
    in_specs=[
        pl.BlockSpec((1, RT, D), lambda i, j: (i, 0, 0)),
        pl.BlockSpec((1, RT, 1), lambda i, j: (i, 0, 0)),
        pl.BlockSpec((B, D), lambda i, j: (j, 0)),
        pl.BlockSpec((1, B), lambda i, j: (0, j)),
    ],
    out_specs=[pl.BlockSpec((1, RT, L), lambda i, j: (i, 0, 0))
               for _ in range(6)],
    out_shape=[jax.ShapeDtypeStruct((NROWT, RT, L), jnp.float32)
               for _ in range(3)] +
              [jax.ShapeDtypeStruct((NROWT, RT, L), jnp.int32)
               for _ in range(3)],
    compiler_params=pltpu.CompilerParams(
        dimension_semantics=("arbitrary", "arbitrary"),
    ),
)


def _extract_body(m1_ref, m2_ref, m3_ref, i1_ref, i2_ref, i3_ref,
                  ti_ref, w_ref):
    d1 = jnp.sqrt(jnp.maximum(m1_ref[0], 1e-12))
    d2 = jnp.sqrt(jnp.maximum(m2_ref[0], 1e-12))
    d3 = jnp.sqrt(jnp.maximum(m3_ref[0], 1e-12))
    lane = lax.broadcasted_iota(jnp.int32, (RTE, L), 1)
    j1 = i1_ref[0] * L + lane
    j2 = i2_ref[0] * L + lane
    j3 = i3_ref[0] * L + lane
    bigi = jnp.int32(2**30)
    inf = jnp.float32(jnp.inf)
    top_d = []
    top_i = []
    for _ in range(KNB):
        rm = jnp.min(d1, axis=1, keepdims=True)
        si = jnp.min(jnp.where(d1 == rm, j1, bigi), axis=1, keepdims=True)
        sel = (d1 == rm) & (j1 == si)
        top_d.append(rm)
        top_i.append(si)
        d1 = jnp.where(sel, d2, d1)
        j1 = jnp.where(sel, j2, j1)
        d2 = jnp.where(sel, d3, d2)
        j2 = jnp.where(sel, j3, j2)
        d3 = jnp.where(sel, inf, d3)
    td = jnp.concatenate(top_d, axis=1)
    ti = jnp.concatenate(top_i, axis=1)
    e = jnp.exp(td[:, 0:1] - td)
    w = e / jnp.sum(e, axis=1, keepdims=True)
    ti_ref[...] = ti
    w_ref[...] = w


_extract_call = pl.pallas_call(
    _extract_body,
    grid=(NEXT,),
    in_specs=[pl.BlockSpec((1, RTE, L), lambda e: (e // (RT // RTE), e % (RT // RTE), 0))
              for _ in range(6)],
    out_specs=[
        pl.BlockSpec((RTE, KNB), lambda e: (e, 0)),
        pl.BlockSpec((RTE, KNB), lambda e: (e, 0)),
    ],
    out_shape=[
        jax.ShapeDtypeStruct((Q, KNB), jnp.int32),
        jax.ShapeDtypeStruct((Q, KNB), jnp.float32),
    ],
    compiler_params=pltpu.CompilerParams(
        dimension_semantics=("arbitrary",),
    ),
)


NW = 32
QPW = Q // NW
WPW = QPW * KNB * 8
GCH = 16
GCW = WPW // GCH
NV = QPW * 8 // 16


def _sc_blend_body(idx_hbm, w_hbm, act_hbm, out_hbm, idx_v, w_v, rows_v,
                   acc_v, sem):
    wid = lax.axis_index("s") * 2 + lax.axis_index("c")
    pltpu.sync_copy(idx_hbm.at[wid], idx_v)
    pltpu.sync_copy(w_hbm.at[wid], w_v)
    copies = [
        pltpu.async_copy(act_hbm.at[idx_v.at[c]],
                         rows_v.at[pl.ds(c * GCW, GCW)], sem)
        for c in range(GCH)
    ]
    for cp in copies:
        cp.wait()
    for v in range(NV):
        acc = w_v[0, pl.ds(v * 16, 16)] * rows_v[pl.ds(v * 16, 16)]
        for k in range(1, KNB):
            acc = acc + (w_v[k, pl.ds(v * 16, 16)] *
                         rows_v[pl.ds(k * QPW * 8 + v * 16, 16)])
        acc_v[pl.ds(v * 16, 16)] = acc
    pltpu.sync_copy(acc_v, out_hbm.at[wid])


_sc_blend_call = functools.partial(
    pl.kernel,
    out_type=jax.ShapeDtypeStruct((NW, QPW * 8), jnp.float32),
    mesh=plsc.VectorSubcoreMesh(core_axis_name="c", subcore_axis_name="s"),
    scratch_types=[
        pltpu.VMEM((GCH, GCW), jnp.int32),
        pltpu.VMEM((KNB, QPW * 8), jnp.float32),
        pltpu.VMEM((WPW,), jnp.float32),
        pltpu.VMEM((QPW * 8,), jnp.float32),
        pltpu.SemaphoreType.DMA,
    ],
    compiler_params=pltpu.CompilerParams(use_tc_tiling_on_sc=False),
)(_sc_blend_body)


def kernel(batch_images, representations, actions):
    qm = jnp.squeeze(batch_images, axis=1)
    a2 = jnp.sum(qm * qm, axis=1, keepdims=True)
    b2 = jnp.sum(representations * representations, axis=1)
    b2pad = jnp.pad(b2, (0, NPADB - N), constant_values=jnp.inf)[None, :]
    q3 = qm.reshape(NROWT, RT, D)
    a23 = a2.reshape(NROWT, RT, 1)
    m1, m2, m3, i1, i2, i3 = _stream_call(q3, a23, representations, b2pad)

    ti, w = _extract_call(m1, m2, m3, i1, i2, i3)

    af = actions.T.reshape(ADIM * N)
    toff = jnp.minimum(jnp.arange(8, dtype=jnp.int32), ADIM - 1) * N
    ie = ti[:, :, None] + toff
    idx_g = (ie.reshape(NW, QPW, KNB, 8)
             .transpose(0, 2, 1, 3).reshape(NW, GCH, GCW))
    w_g = jnp.broadcast_to(
        w.reshape(NW, QPW, KNB).transpose(0, 2, 1)[..., None],
        (NW, KNB, QPW, 8)).reshape(NW, KNB, QPW * 8)
    pred_w = _sc_blend_call(idx_g, w_g, af)
    return pred_w.reshape(Q, 8)[:, :ADIM], ti

# --- scband reference (transcript-rebuilt; emitter-appended) ---
"""Pipeline reference for scband-vinnopen-loop-28114855919804 (READ-ONLY COPY).

The authoritative reference and input builder live on the scoring server;
editing this copy changes nothing except your own understanding.
"""

import jax, jax.numpy as jnp
import numpy as np

K_NEIGHBORS = 8


def setup_inputs(seed: int = 0) -> dict:
    key = jax.random.key(seed)
    k1, k2, k3 = jax.random.split(key, 3)
    batch_images = jax.random.normal(k1, (1024, 1, 128), dtype=jnp.float32)
    representations = jax.random.normal(k2, (100000, 128), dtype=jnp.float32)
    actions = jax.random.normal(k3, (100000, 7), dtype=jnp.float32)
    return {
        "batch_images": batch_images,
        "representations": representations,
        "actions": actions,
    }


def _cdist(a, b):
    # torch.cdist (p=2) equivalent: pairwise Euclidean distances
    a2 = jnp.sum(a * a, axis=1, keepdims=True)          # [Q, 1]
    b2 = jnp.sum(b * b, axis=1, keepdims=True)          # [K, 1]
    d2 = a2 + b2.T - 2.0 * (a @ b.T)                    # [Q, K]
    return jnp.sqrt(jnp.maximum(d2, 1e-12))


def reference(batch_images, representations, actions):
    # encoder is identity (feature extraction already done); .squeeze(dim=1)
    batch_rep = jnp.squeeze(batch_images, axis=1)       # [Q, d]
    all_distances = _cdist(batch_rep, representations)  # [Q, K]
    # torch.topk(largest=False) -> top_k of negated distances
    neg_top, indices = jax.lax.top_k(-all_distances, K_NEIGHBORS)
    top_k_distances = -neg_top                          # [Q, k]
    top_k_actions = actions[indices]                    # [Q, k, 7] gather
    # dist_scale_func = softmax(-x, dim=1)
    weights = jax.nn.softmax(-top_k_distances, axis=1)  # [Q, k]
    pred = jnp.sum(top_k_actions * weights[..., None], axis=1)  # [Q, 7]
    return pred, indices

if __name__ == "__main__":
    import jax
    _d = setup_inputs()
    print(jax.jit(kernel)(*tuple(_d.values())))

</pallas_src>

<mosaic_0001>
#map = affine_map<(d0, d1) -> (0, 0, 0)>
#map1 = affine_map<(d0, d1) -> (0)>
#map2 = affine_map<(d0, d1) -> (0, 0)>
module attributes {stable_mosaic.version = 14 : i64} {
  func.func @_sc_blend_body(%arg0: i32, %arg1: i32, %arg2: memref<32x16x128xi32, #tpu.memory_space<hbm>>, %arg3: memref<32x8x256xf32, #tpu.memory_space<hbm>>, %arg4: memref<700000xf32, #tpu.memory_space<hbm>>, %arg5: memref<32x256xf32, #tpu.memory_space<hbm>>, %arg6: memref<16x128xi32, #tpu.memory_space<vmem>>, %arg7: memref<8x256xf32, #tpu.memory_space<vmem>>, %arg8: memref<2048xf32, #tpu.memory_space<vmem>>, %arg9: memref<256xf32, #tpu.memory_space<vmem>>, %arg10: memref<!tpu.dma_semaphore, #tpu.memory_space<semaphore_mem>>) attributes {dimension_semantics = [#tpu.dimension_semantics<core_parallel>, #tpu.dimension_semantics<subcore_parallel>], iteration_bounds = array<i64: 2, 16>, scalar_prefetch = 0 : i64, scratch_operands = 5 : i64, tpu.core_type = #tpu.core_type<sc_vector_subcore>, window_params = [{transform_indices = #map}, {transform_indices = #map}, {transform_indices = #map1}, {transform_indices = #map2}]} {
    %mul3A = arith.constant 2 : i32
    %mul3A_0 = arith.muli %arg1, %mul3A : i32
    %add3A = arith.addi %mul3A_0, %arg0 : i32
    "tpu.region"() ({
      %run_scoped3A = tpu.sem_alloc : memref<!tpu.dma_semaphore, #tpu.memory_space<semaphore_mem>>
      %dma_start3A_1581 = arith.constant 0 : i32
      %dma_start3A_1582 = arith.constant 0 : i32
      %dma_start3A_1583 = tpu.memref_slice %arg2[%add3A, %dma_start3A_1581, %dma_start3A_1582] : memref<32x16x128xi32, #tpu.memory_space<hbm>> -> memref<1x16x128xi32, #tpu.memory_space<hbm>>
      %dma_start3A_1584 = tpu.memref_squeeze %dma_start3A_1583 : memref<1x16x128xi32, #tpu.memory_space<hbm>> -> memref<16x128xi32, #tpu.memory_space<hbm>>
      %dma_start3A_1585 = arith.constant 0 : i32
      %dma_start3A_1586 = arith.constant 0 : i32
      %dma_start3A_1587 = tpu.memref_slice %arg2[%add3A, %dma_start3A_1585, %dma_start3A_1586] : memref<32x16x128xi32, #tpu.memory_space<hbm>> -> memref<1x16x128xi32, #tpu.memory_space<hbm>>
      %dma_start3A_1588 = tpu.memref_squeeze %dma_start3A_1587 : memref<1x16x128xi32, #tpu.memory_space<hbm>> -> memref<16x128xi32, #tpu.memory_space<hbm>>
      tpu.enqueue_dma source(%dma_start3A_1588 : memref<16x128xi32, #tpu.memory_space<hbm>>) target(%arg6 : memref<16x128xi32, #tpu.memory_space<vmem>>) target_semaphore(%run_scoped3A : memref<!tpu.dma_semaphore, #tpu.memory_space<semaphore_mem>>)
      %dma_wait3A_1589 = arith.constant 0 : i32
      %dma_wait3A_1590 = arith.constant 0 : i32
      %dma_wait3A_1591 = tpu.memref_slice %arg2[%add3A, %dma_wait3A_1589, %dma_wait3A_1590] : memref<32x16x128xi32, #tpu.memory_space<hbm>> -> memref<1x16x128xi32, #tpu.memory_space<hbm>>
      %dma_wait3A_1592 = tpu.memref_squeeze %dma_wait3A_1591 : memref<1x16x128xi32, #tpu.memory_space<hbm>> -> memref<16x128xi32, #tpu.memory_space<hbm>>
      %dma_wait3A_1593 = arith.constant 0 : i32
      %dma_wait3A_1594 = arith.constant 0 : i32
      %dma_wait3A_1595 = tpu.memref_slice %arg2[%add3A, %dma_wait3A_1593, %dma_wait3A_1594] : memref<32x16x128xi32, #tpu.memory_space<hbm>> -> memref<1x16x128xi32, #tpu.memory_space<hbm>>
      %dma_wait3A_1596 = tpu.memref_squeeze %dma_wait3A_1595 : memref<1x16x128xi32, #tpu.memory_space<hbm>> -> memref<16x128xi32, #tpu.memory_space<hbm>>
      tpu.wait_dma2 semaphore(%run_scoped3A : memref<!tpu.dma_semaphore, #tpu.memory_space<semaphore_mem>>) src(%dma_wait3A_1596 : memref<16x128xi32, #tpu.memory_space<hbm>>) dst(%arg6 : memref<16x128xi32, #tpu.memory_space<vmem>>)
      tpu.yield
    }) : () -> ()
    "tpu.region"() ({
      %run_scoped3A = tpu.sem_alloc : memref<!tpu.dma_semaphore, #tpu.memory_space<semaphore_mem>>
      %dma_start3A_1581 = arith.constant 0 : i32
      %dma_start3A_1582 = arith.constant 0 : i32
      %dma_start3A_1583 = tpu.memref_slice %arg3[%add3A, %dma_start3A_1581, %dma_start3A_1582] : memref<32x8x256xf32, #tpu.memory_space<hbm>> -> memref<1x8x256xf32, #tpu.memory_space<hbm>>
      %dma_start3A_1584 = tpu.memref_squeeze %dma_start3A_1583 : memref<1x8x256xf32, #tpu.memory_space<hbm>> -> memref<8x256xf32, #tpu.memory_space<hbm>>
      %dma_start3A_1585 = arith.constant 0 : i32
      %dma_start3A_1586 = arith.constant 0 : i32
      %dma_start3A_1587 = tpu.memref_slice %arg3[%add3A, %dma_start3A_1585, %dma_start3A_1586] : memref<32x8x256xf32, #tpu.memory_space<hbm>> -> memref<1x8x256xf32, #tpu.memory_space<hbm>>
      %dma_start3A_1588 = tpu.memref_squeeze %dma_start3A_1587 : memref<1x8x256xf32, #tpu.memory_space<hbm>> -> memref<8x256xf32, #tpu.memory_space<hbm>>
      tpu.enqueue_dma source(%dma_start3A_1588 : memref<8x256xf32, #tpu.memory_space<hbm>>) target(%arg7 : memref<8x256xf32, #tpu.memory_space<vmem>>) target_semaphore(%run_scoped3A : memref<!tpu.dma_semaphore, #tpu.memory_space<semaphore_mem>>)
      %dma_wait3A_1589 = arith.constant 0 : i32
      %dma_wait3A_1590 = arith.constant 0 : i32
      %dma_wait3A_1591 = tpu.memref_slice %arg3[%add3A, %dma_wait3A_1589, %dma_wait3A_1590] : memref<32x8x256xf32, #tpu.memory_space<hbm>> -> memref<1x8x256xf32, #tpu.memory_space<hbm>>
      %dma_wait3A_1592 = tpu.memref_squeeze %dma_wait3A_1591 : memref<1x8x256xf32, #tpu.memory_space<hbm>> -> memref<8x256xf32, #tpu.memory_space<hbm>>
      %dma_wait3A_1593 = arith.constant 0 : i32
      %dma_wait3A_1594 = arith.constant 0 : i32
      %dma_wait3A_1595 = tpu.memref_slice %arg3[%add3A, %dma_wait3A_1593, %dma_wait3A_1594] : memref<32x8x256xf32, #tpu.memory_space<hbm>> -> memref<1x8x256xf32, #tpu.memory_space<hbm>>
      %dma_wait3A_1596 = tpu.memref_squeeze %dma_wait3A_1595 : memref<1x8x256xf32, #tpu.memory_space<hbm>> -> memref<8x256xf32, #tpu.memory_space<hbm>>
      tpu.wait_dma2 semaphore(%run_scoped3A : memref<!tpu.dma_semaphore, #tpu.memory_space<semaphore_mem>>) src(%dma_wait3A_1596 : memref<8x256xf32, #tpu.memory_space<hbm>>) dst(%arg7 : memref<8x256xf32, #tpu.memory_space<vmem>>)
      tpu.yield
    }) : () -> ()
    %dma_start3A = arith.constant 0 : i32
    %dma_start3A_1 = arith.constant 0 : i32
    %dma_start3A_2 = tpu.memref_slice %arg8[%dma_start3A_1] : memref<2048xf32, #tpu.memory_space<vmem>> -> memref<128xf32, #tpu.memory_space<vmem>>
    %dma_start3A_3 = arith.constant 0 : i32
    %dma_start3A_4 = tpu.memref_slice %arg6[%dma_start3A, %dma_start3A_3] : memref<16x128xi32, #tpu.memory_space<vmem>> -> memref<1x128xi32, #tpu.memory_space<vmem>>
    %dma_start3A_5 = tpu.memref_squeeze %dma_start3A_4 : memref<1x128xi32, #tpu.memory_space<vmem>> -> memref<128xi32, #tpu.memory_space<vmem>>
    %dma_start3A_6 = arith.constant 0 : i32
    %dma_start3A_7 = tpu.memref_slice %arg4[%dma_start3A_6] : memref<700000xf32, #tpu.memory_space<hbm>> -> memref<700000xf32, #tpu.memory_space<hbm>>
    tpu.enqueue_indirect_dma source(%dma_start3A_7 : memref<700000xf32, #tpu.memory_space<hbm>>) target(%dma_start3A_2 : memref<128xf32, #tpu.memory_space<vmem>>) offsets(%dma_start3A_5 : memref<128xi32, #tpu.memory_space<vmem>>) semaphore(%arg10 : memref<!tpu.dma_semaphore, #tpu.memory_space<semaphore_mem>>)
    %dma_start3A_8 = arith.constant 1 : i32
    %dma_start3A_9 = arith.constant 128 : i32
    %dma_start3A_10 = tpu.memref_slice %arg8[%dma_start3A_9] : memref<2048xf32, #tpu.memory_space<vmem>> -> memref<128xf32, #tpu.memory_space<vmem>>
    %dma_start3A_11 = arith.constant 0 : i32
    %dma_start3A_12 = tpu.memref_slice %arg6[%dma_start3A_8, %dma_start3A_11] : memref<16x128xi32, #tpu.memory_space<vmem>> -> memref<1x128xi32, #tpu.memory_space<vmem>>
    %dma_start3A_13 = tpu.memref_squeeze %dma_start3A_12 : memref<1x128xi32, #tpu.memory_space<vmem>> -> memref<128xi32, #tpu.memory_space<vmem>>
    %dma_start3A_14 = arith.constant 0 : i32
    %dma_start3A_15 = tpu.memref_slice %arg4[%dma_start3A_14] : memref<700000xf32, #tpu.memory_space<hbm>> -> memref<700000xf32, #tpu.memory_space<hbm>>
    tpu.enqueue_indirect_dma source(%dma_start3A_15 : memref<700000xf32, #tpu.memory_space<hbm>>) target(%dma_start3A_10 : memref<128xf32, #tpu.memory_space<vmem>>) offsets(%dma_start3A_13 : memref<128xi32, #tpu.memory_space<vmem>>) semaphore(%arg10 : memref<!tpu.dma_semaphore, #tpu.memory_space<semaphore_mem>>)
    %dma_start3A_16 = arith.constant 2 : i32
    %dma_start3A_17 = arith.constant 256 : i32
    %dma_start3A_18 = tpu.memref_slice %arg8[%dma_start3A_17] : memref<2048xf32, #tpu.memory_space<vmem>> -> memref<128xf32, #tpu.memory_space<vmem>>
    %dma_start3A_19 = arith.constant 0 : i32
    %dma_start3A_20 = tpu.memref_slice %arg6[%dma_start3A_16, %dma_start3A_19] : memref<16x128xi32, #tpu.memory_space<vmem>> -> memref<1x128xi32, #tpu.memory_space<vmem>>
    %dma_start3A_21 = tpu.memref_squeeze %dma_start3A_20 : memref<1x128xi32, #tpu.memory_space<vmem>> -> memref<128xi32, #tpu.memory_space<vmem>>
    %dma_start3A_22 = arith.constant 0 : i32
    %dma_start3A_23 = tpu.memref_slice %arg4[%dma_start3A_22] : memref<700000xf32, #tpu.memory_space<hbm>> -> memref<700000xf32, #tpu.memory_space<hbm>>
    tpu.enqueue_indirect_dma source(%dma_start3A_23 : memref<700000xf32, #tpu.memory_space<hbm>>) target(%dma_start3A_18 : memref<128xf32, #tpu.memory_space<vmem>>) offsets(%dma_start3A_21 : memref<128xi32, #tpu.memory_space<vmem>>) semaphore(%arg10 : memref<!tpu.dma_semaphore, #tpu.memory_space<semaphore_mem>>)
    %dma_start3A_24 = arith.constant 3 : i32
    %dma_start3A_25 = arith.constant 384 : i32
    %dma_start3A_26 = tpu.memref_slice %arg8[%dma_start3A_25] : memref<2048xf32, #tpu.memory_space<vmem>> -> memref<128xf32, #tpu.memory_space<vmem>>
    %dma_start3A_27 = arith.constant 0 : i32
    %dma_start3A_28 = tpu.memref_slice %arg6[%dma_start3A_24, %dma_start3A_27] : memref<16x128xi32, #tpu.memory_space<vmem>> -> memref<1x128xi32, #tpu.memory_space<vmem>>
    %dma_start3A_29 = tpu.memref_squeeze %dma_start3A_28 : memref<1x128xi32, #tpu.memory_space<vmem>> -> memref<128xi32, #tpu.memory_space<vmem>>
    %dma_start3A_30 = arith.constant 0 : i32
    %dma_start3A_31 = tpu.memref_slice %arg4[%dma_start3A_30] : memref<700000xf32, #tpu.memory_space<hbm>> -> memref<700000xf32, #tpu.memory_space<hbm>>
    tpu.enqueue_indirect_dma source(%dma_start3A_31 : memref<700000xf32, #tpu.memory_space<hbm>>) target(%dma_start3A_26 : memref<128xf32, #tpu.memory_space<vmem>>) offsets(%dma_start3A_29 : memref<128xi32, #tpu.memory_space<vmem>>) semaphore(%arg10 : memref<!tpu.dma_semaphore, #tpu.memory_space<semaphore_mem>>)
    %dma_start3A_32 = arith.constant 4 : i32
    %dma_start3A_33 = arith.constant 512 : i32
    %dma_start3A_34 = tpu.memref_slice %arg8[%dma_start3A_33] : memref<2048xf32, #tpu.memory_space<vmem>> -> memref<128xf32, #tpu.memory_space<vmem>>
    %dma_start3A_35 = arith.constant 0 : i32
    %dma_start3A_36 = tpu.memref_slice %arg6[%dma_start3A_32, %dma_start3A_35] : memref<16x128xi32, #tpu.memory_space<vmem>> -> memref<1x128xi32, #tpu.memory_space<vmem>>
    %dma_start3A_37 = tpu.memref_squeeze %dma_start3A_36 : memref<1x128xi32, #tpu.memory_space<vmem>> -> memref<128xi32, #tpu.memory_space<vmem>>
    %dma_start3A_38 = arith.constant 0 : i32
    %dma_start3A_39 = tpu.memref_slice %arg4[%dma_start3A_38] : memref<700000xf32, #tpu.memory_space<hbm>> -> memref<700000xf32, #tpu.memory_space<hbm>>
    tpu.enqueue_indirect_dma source(%dma_start3A_39 : memref<700000xf32, #tpu.memory_space<hbm>>) target(%dma_start3A_34 : memref<128xf32, #tpu.memory_space<vmem>>) offsets(%dma_start3A_37 : memref<128xi32, #tpu.memory_space<vmem>>) semaphore(%arg10 : memref<!tpu.dma_semaphore, #tpu.memory_space<semaphore_mem>>)
    %dma_start3A_40 = arith.constant 5 : i32
    %dma_start3A_41 = arith.constant 640 : i32
    %dma_start3A_42 = tpu.memref_slice %arg8[%dma_start3A_41] : memref<2048xf32, #tpu.memory_space<vmem>> -> memref<128xf32, #tpu.memory_space<vmem>>
    %dma_start3A_43 = arith.constant 0 : i32
    %dma_start3A_44 = tpu.memref_slice %arg6[%dma_start3A_40, %dma_start3A_43] : memref<16x128xi32, #tpu.memory_space<vmem>> -> memref<1x128xi32, #tpu.memory_space<vmem>>
    %dma_start3A_45 = tpu.memref_squeeze %dma_start3A_44 : memref<1x128xi32, #tpu.memory_space<vmem>> -> memref<128xi32, #tpu.memory_space<vmem>>
    %dma_start3A_46 = arith.constant 0 : i32
    %dma_start3A_47 = tpu.memref_slice %arg4[%dma_start3A_46] : memref<700000xf32, #tpu.memory_space<hbm>> -> memref<700000xf32, #tpu.memory_space<hbm>>
    tpu.enqueue_indirect_dma source(%dma_start3A_47 : memref<700000xf32, #tpu.memory_space<hbm>>) target(%dma_start3A_42 : memref<128xf32, #tpu.memory_space<vmem>>) offsets(%dma_start3A_45 : memref<128xi32, #tpu.memory_space<vmem>>) semaphore(%arg10 : memref<!tpu.dma_semaphore, #tpu.memory_space<semaphore_mem>>)
    %dma_start3A_48 = arith.constant 6 : i32
    %dma_start3A_49 = arith.constant 768 : i32
    %dma_start3A_50 = tpu.memref_slice %arg8[%dma_start3A_49] : memref<2048xf32, #tpu.memory_space<vmem>> -> memref<128xf32, #tpu.memory_space<vmem>>
    %dma_start3A_51 = arith.constant 0 : i32
    %dma_start3A_52 = tpu.memref_slice %arg6[%dma_start3A_48, %dma_start3A_51] : memref<16x128xi32, #tpu.memory_space<vmem>> -> memref<1x128xi32, #tpu.memory_space<vmem>>
    %dma_start3A_53 = tpu.memref_squeeze %dma_start3A_52 : memref<1x128xi32, #tpu.memory_space<vmem>> -> memref<128xi32, #tpu.memory_space<vmem>>
    %dma_start3A_54 = arith.constant 0 : i32
    %dma_start3A_55 = tpu.memref_slice %arg4[%dma_start3A_54] : memref<700000xf32, #tpu.memory_space<hbm>> -> memref<700000xf32, #tpu.memory_space<hbm>>
    tpu.enqueue_indirect_dma source(%dma_start3A_55 : memref<700000xf32, #tpu.memory_space<hbm>>) target(%dma_start3A_50 : memref<128xf32, #tpu.memory_space<vmem>>) offsets(%dma_start3A_53 : memref<128xi32, #tpu.memory_space<vmem>>) semaphore(%arg10 : memref<!tpu.dma_semaphore, #tpu.memory_space<semaphore_mem>>)
    %dma_start3A_56 = arith.constant 7 : i32
    %dma_start3A_57 = arith.constant 896 : i32
    %dma_start3A_58 = tpu.memref_slice %arg8[%dma_start3A_57] : memref<2048xf32, #tpu.memory_space<vmem>> -> memref<128xf32, #tpu.memory_space<vmem>>
    %dma_start3A_59 = arith.constant 0 : i32
    %dma_start3A_60 = tpu.memref_slice %arg6[%dma_start3A_56, %dma_start3A_59] : memref<16x128xi32, #tpu.memory_space<vmem>> -> memref<1x128xi32, #tpu.memory_space<vmem>>
    %dma_start3A_61 = tpu.memref_squeeze %dma_start3A_60 : memref<1x128xi32, #tpu.memory_space<vmem>> -> memref<128xi32, #tpu.memory_space<vmem>>
    %dma_start3A_62 = arith.constant 0 : i32
    %dma_start3A_63 = tpu.memref_slice %arg4[%dma_start3A_62] : memref<700000xf32, #tpu.memory_space<hbm>> -> memref<700000xf32, #tpu.memory_space<hbm>>
    tpu.enqueue_indirect_dma source(%dma_start3A_63 : memref<700000xf32, #tpu.memory_space<hbm>>) target(%dma_start3A_58 : memref<128xf32, #tpu.memory_space<vmem>>) offsets(%dma_start3A_61 : memref<128xi32, #tpu.memory_space<vmem>>) semaphore(%arg10 : memref<!tpu.dma_semaphore, #tpu.memory_space<semaphore_mem>>)
    %dma_start3A_64 = arith.constant 8 : i32
    %dma_start3A_65 = arith.constant 1024 : i32
    %dma_start3A_66 = tpu.memref_slice %arg8[%dma_start3A_65] : memref<2048xf32, #tpu.memory_space<vmem>> -> memref<128xf32, #tpu.memory_space<vmem>>
    %dma_start3A_67 = arith.constant 0 : i32
    %dma_start3A_68 = tpu.memref_slice %arg6[%dma_start3A_64, %dma_start3A_67] : memref<16x128xi32, #tpu.memory_space<vmem>> -> memref<1x128xi32, #tpu.memory_space<vmem>>
    %dma_start3A_69 = tpu.memref_squeeze %dma_start3A_68 : memref<1x128xi32, #tpu.memory_space<vmem>> -> memref<128xi32, #tpu.memory_space<vmem>>
    %dma_start3A_70 = arith.constant 0 : i32
    %dma_start3A_71 = tpu.memref_slice %arg4[%dma_start3A_70] : memref<700000xf32, #tpu.memory_space<hbm>> -> memref<700000xf32, #tpu.memory_space<hbm>>
    tpu.enqueue_indirect_dma source(%dma_start3A_71 : memref<700000xf32, #tpu.memory_space<hbm>>) target(%dma_start3A_66 : memref<128xf32, #tpu.memory_space<vmem>>) offsets(%dma_start3A_69 : memref<128xi32, #tpu.memory_space<vmem>>) semaphore(%arg10 : memref<!tpu.dma_semaphore, #tpu.memory_space<semaphore_mem>>)
    %dma_start3A_72 = arith.constant 9 : i32
    %dma_start3A_73 = arith.constant 1152 : i32
    %dma_start3A_74 = tpu.memref_slice %arg8[%dma_start3A_73] : memref<2048xf32, #tpu.memory_space<vmem>> -> memref<128xf32, #tpu.memory_space<vmem>>
    %dma_start3A_75 = arith.constant 0 : i32
    %dma_start3A_76 = tpu.memref_slice %arg6[%dma_start3A_72, %dma_start3A_75] : memref<16x128xi32, #tpu.memory_space<vmem>> -> memref<1x128xi32, #tpu.memory_space<vmem>>
    %dma_start3A_77 = tpu.memref_squeeze %dma_start3A_76 : memref<1x128xi32, #tpu.memory_space<vmem>> -> memref<128xi32, #tpu.memory_space<vmem>>
    %dma_start3A_78 = arith.constant 0 : i32
    %dma_start3A_79 = tpu.memref_slice %arg4[%dma_start3A_78] : memref<700000xf32, #tpu.memory_space<hbm>> -> memref<700000xf32, #tpu.memory_space<hbm>>
    tpu.enqueue_indirect_dma source(%dma_start3A_79 : memref<700000xf32, #tpu.memory_space<hbm>>) target(%dma_start3A_74 : memref<128xf32, #tpu.memory_space<vmem>>) offsets(%dma_start3A_77 : memref<128xi32, #tpu.memory_space<vmem>>) semaphore(%arg10 : memref<!tpu.dma_semaphore, #tpu.memory_space<semaphore_mem>>)
    %dma_start3A_80 = arith.constant 10 : i32
    %dma_start3A_81 = arith.constant 1280 : i32
    %dma_start3A_82 = tpu.memref_slice %arg8[%dma_start3A_81] : memref<2048xf32, #tpu.memory_space<vmem>> -> memref<128xf32, #tpu.memory_space<vmem>>
    %dma_start3A_83 = arith.constant 0 : i32
    %dma_start3A_84 = tpu.memref_slice %arg6[%dma_start3A_80, %dma_start3A_83] : memref<16x128xi32, #tpu.memory_space<vmem>> -> memref<1x128xi32, #tpu.memory_space<vmem>>
    %dma_start3A_85 = tpu.memref_squeeze %dma_start3A_84 : memref<1x128xi32, #tpu.memory_space<vmem>> -> memref<128xi32, #tpu.memory_space<vmem>>
    %dma_start3A_86 = arith.constant 0 : i32
    %dma_start3A_87 = tpu.memref_slice %arg4[%dma_start3A_86] : memref<700000xf32, #tpu.memory_space<hbm>> -> memref<700000xf32, #tpu.memory_space<hbm>>
    tpu.enqueue_indirect_dma source(%dma_start3A_87 : memref<700000xf32, #tpu.memory_space<hbm>>) target(%dma_start3A_82 : memref<128xf32, #tpu.memory_space<vmem>>) offsets(%dma_start3A_85 : memref<128xi32, #tpu.memory_space<vmem>>) semaphore(%arg10 : memref<!tpu.dma_semaphore, #tpu.memory_space<semaphore_mem>>)
    %dma_start3A_88 = arith.constant 11 : i32
    %dma_start3A_89 = arith.constant 1408 : i32
    %dma_start3A_90 = tpu.memref_slice %arg8[%dma_start3A_89] : memref<2048xf32, #tpu.memory_space<vmem>> -> memref<128xf32, #tpu.memory_space<vmem>>
    %dma_start3A_91 = arith.constant 0 : i32
    %dma_start3A_92 = tpu.memref_slice %arg6[%dma_start3A_88, %dma_start3A_91] : memref<16x128xi32, #tpu.memory_space<vmem>> -> memref<1x128xi32, #tpu.memory_space<vmem>>
    %dma_start3A_93 = tpu.memref_squeeze %dma_start3A_92 : memref<1x128xi32, #tpu.memory_space<vmem>> -> memref<128xi32, #tpu.memory_space<vmem>>
    %dma_start3A_94 = arith.constant 0 : i32
    %dma_start3A_95 = tpu.memref_slice %arg4[%dma_start3A_94] : memref<700000xf32, #tpu.memory_space<hbm>> -> memref<700000xf32, #tpu.memory_space<hbm>>
    tpu.enqueue_indirect_dma source(%dma_start3A_95 : memref<700000xf32, #tpu.memory_space<hbm>>) target(%dma_start3A_90 : memref<128xf32, #tpu.memory_space<vmem>>) offsets(%dma_start3A_93 : memref<128xi32, #tpu.memory_space<vmem>>) semaphore(%arg10 : memref<!tpu.dma_semaphore, #tpu.memory_space<semaphore_mem>>)
    %dma_start3A_96 = arith.constant 12 : i32
    %dma_start3A_97 = arith.constant 1536 : i32
    %dma_start3A_98 = tpu.memref_slice %arg8[%dma_start3A_97] : memref<2048xf32, #tpu.memory_space<vmem>> -> memref<128xf32, #tpu.memory_space<vmem>>
    %dma_start3A_99 = arith.constant 0 : i32
    %dma_start3A_100 = tpu.memref_slice %arg6[%dma_start3A_96, %dma_start3A_99] : memref<16x128xi32, #tpu.memory_space<vmem>> -> memref<1x128xi32, #tpu.memory_space<vmem>>
    %dma_start3A_101 = tpu.memref_squeeze %dma_start3A_100 : memref<1x128xi32, #tpu.memory_space<vmem>> -> memref<128xi32, #tpu.memory_space<vmem>>
    %dma_start3A_102 = arith.constant 0 : i32
    %dma_start3A_103 = tpu.memref_slice %arg4[%dma_start3A_102] : memref<700000xf32, #tpu.memory_space<hbm>> -> memref<700000xf32, #tpu.memory_space<hbm>>
    tpu.enqueue_indirect_dma source(%dma_start3A_103 : memref<700000xf32, #tpu.memory_space<hbm>>) target(%dma_start3A_98 : memref<128xf32, #tpu.memory_space<vmem>>) offsets(%dma_start3A_101 : memref<128xi32, #tpu.memory_space<vmem>>) semaphore(%arg10 : memref<!tpu.dma_semaphore, #tpu.memory_space<semaphore_mem>>)
    %dma_start3A_104 = arith.constant 13 : i32
    %dma_start3A_105 = arith.constant 1664 : i32
    %dma_start3A_106 = tpu.memref_slice %arg8[%dma_start3A_105] : memref<2048xf32, #tpu.memory_space<vmem>> -> memref<128xf32, #tpu.memory_space<vmem>>
    %dma_start3A_107 = arith.constant 0 : i32
    %dma_start3A_108 = tpu.memref_slice %arg6[%dma_start3A_104, %dma_start3A_107] : memref<16x128xi32, #tpu.memory_space<vmem>> -> memref<1x128xi32, #tpu.memory_space<vmem>>
    %dma_start3A_109 = tpu.memref_squeeze %dma_start3A_108 : memref<1x128xi32, #tpu.memory_space<vmem>> -> memref<128xi32, #tpu.memory_space<vmem>>
    %dma_start3A_110 = arith.constant 0 : i32
    %dma_start3A_111 = tpu.memref_slice %arg4[%dma_start3A_110] : memref<700000xf32, #tpu.memory_space<hbm>> -> memref<700000xf32, #tpu.memory_space<hbm>>
    tpu.enqueue_indirect_dma source(%dma_start3A_111 : memref<700000xf32, #tpu.memory_space<hbm>>) target(%dma_start3A_106 : memref<128xf32, #tpu.memory_space<vmem>>) offsets(%dma_start3A_109 : memref<128xi32, #tpu.memory_space<vmem>>) semaphore(%arg10 : memref<!tpu.dma_semaphore, #tpu.memory_space<semaphore_mem>>)
    %dma_start3A_112 = arith.constant 14 : i32
    %dma_start3A_113 = arith.constant 1792 : i32
    %dma_start3A_114 = tpu.memref_slice %arg8[%dma_start3A_113] : memref<2048xf32, #tpu.memory_space<vmem>> -> memref<128xf32, #tpu.memory_space<vmem>>
    %dma_start3A_115 = arith.constant 0 : i32
    %dma_start3A_116 = tpu.memref_slice %arg6[%dma_start3A_112, %dma_start3A_115] : memref<16x128xi32, #tpu.memory_space<vmem>> -> memref<1x128xi32, #tpu.memory_space<vmem>>
    %dma_start3A_117 = tpu.memref_squeeze %dma_start3A_116 : memref<1x128xi32, #tpu.memory_space<vmem>> -> memref<128xi32, #tpu.memory_space<vmem>>
    %dma_start3A_118 = arith.constant 0 : i32
    %dma_start3A_119 = tpu.memref_slice %arg4[%dma_start3A_118] : memref<700000xf32, #tpu.memory_space<hbm>> -> memref<700000xf32, #tpu.memory_space<hbm>>
    tpu.enqueue_indirect_dma source(%dma_start3A_119 : memref<700000xf32, #tpu.memory_space<hbm>>) target(%dma_start3A_114 : memref<128xf32, #tpu.memory_space<vmem>>) offsets(%dma_start3A_117 : memref<128xi32, #tpu.memory_space<vmem>>) semaphore(%arg10 : memref<!tpu.dma_semaphore, #tpu.memory_space<semaphore_mem>>)
    %dma_start3A_120 = arith.constant 15 : i32
    %dma_start3A_121 = arith.constant 1920 : i32
    %dma_start3A_122 = tpu.memref_slice %arg8[%dma_start3A_121] : memref<2048xf32, #tpu.memory_space<vmem>> -> memref<128xf32, #tpu.memory_space<vmem>>
    %dma_start3A_123 = arith.constant 0 : i32
    %dma_start3A_124 = tpu.memref_slice %arg6[%dma_start3A_120, %dma_start3A_123] : memref<16x128xi32, #tpu.memory_space<vmem>> -> memref<1x128xi32, #tpu.memory_space<vmem>>
    %dma_start3A_125 = tpu.memref_squeeze %dma_start3A_124 : memref<1x128xi32, #tpu.memory_space<vmem>> -> memref<128xi32, #tpu.memory_space<vmem>>
    %dma_start3A_126 = arith.constant 0 : i32
    %dma_start3A_127 = tpu.memref_slice %arg4[%dma_start3A_126] : memref<700000xf32, #tpu.memory_space<hbm>> -> memref<700000xf32, #tpu.memory_space<hbm>>
    tpu.enqueue_indirect_dma source(%dma_start3A_127 : memref<700000xf32, #tpu.memory_space<hbm>>) target(%dma_start3A_122 : memref<128xf32, #tpu.memory_space<vmem>>) offsets(%dma_start3A_125 : memref<128xi32, #tpu.memory_space<vmem>>) semaphore(%arg10 : memref<!tpu.dma_semaphore, #tpu.memory_space<semaphore_mem>>)
    %dma_wait3A = arith.constant 0 : i32
    %dma_wait3A_128 = arith.constant 0 : i32
    %dma_wait3A_129 = tpu.memref_slice %arg8[%dma_wait3A_128] : memref<2048xf32, #tpu.memory_space<vmem>> -> memref<128xf32, #tpu.memory_space<vmem>>
    %dma_wait3A_130 = arith.constant 0 : i32
    %dma_wait3A_131 = tpu.memref_slice %arg6[%dma_wait3A, %dma_wait3A_130] : memref<16x128xi32, #tpu.memory_space<vmem>> -> memref<1x128xi32, #tpu.memory_space<vmem>>
    %dma_wait3A_132 = tpu.memref_squeeze %dma_wait3A_131 : memref<1x128xi32, #tpu.memory_space<vmem>> -> memref<128xi32, #tpu.memory_space<vmem>>
    %dma_wait3A_133 = arith.constant 0 : i32
    %dma_wait3A_134 = tpu.memref_slice %arg4[%dma_wait3A_133] : memref<700000xf32, #tpu.memory_space<hbm>> -> memref<700000xf32, #tpu.memory_space<hbm>>
    tpu.wait_indirect_dma semaphore(%arg10 : memref<!tpu.dma_semaphore, #tpu.memory_space<semaphore_mem>>) src(%dma_wait3A_134 : memref<700000xf32, #tpu.memory_space<hbm>>) dst(%dma_wait3A_129 : memref<128xf32, #tpu.memory_space<vmem>>)
    %dma_wait3A_135 = arith.constant 1 : i32
    %dma_wait3A_136 = arith.constant 128 : i32
    %dma_wait3A_137 = tpu.memref_slice %arg8[%dma_wait3A_136] : memref<2048xf32, #tpu.memory_space<vmem>> -> memref<128xf32, #tpu.memory_space<vmem>>
    %dma_wait3A_138 = arith.constant 0 : i32
    %dma_wait3A_139 = tpu.memref_slice %arg6[%dma_wait3A_135, %dma_wait3A_138] : memref<16x128xi32, #tpu.memory_space<vmem>> -> memref<1x128xi32, #tpu.memory_space<vmem>>
    %dma_wait3A_140 = tpu.memref_squeeze %dma_wait3A_139 : memref<1x128xi32, #tpu.memory_space<vmem>> -> memref<128xi32, #tpu.memory_space<vmem>>
    %dma_wait3A_141 = arith.constant 0 : i32
    %dma_wait3A_142 = tpu.memref_slice %arg4[%dma_wait3A_141] : memref<700000xf32, #tpu.memory_space<hbm>> -> memref<700000xf32, #tpu.memory_space<hbm>>
    tpu.wait_indirect_dma semaphore(%arg10 : memref<!tpu.dma_semaphore, #tpu.memory_space<semaphore_mem>>) src(%dma_wait3A_142 : memref<700000xf32, #tpu.memory_space<hbm>>) dst(%dma_wait3A_137 : memref<128xf32, #tpu.memory_space<vmem>>)
    %dma_wait3A_143 = arith.constant 2 : i32
    %dma_wait3A_144 = arith.constant 256 : i32
    %dma_wait3A_145 = tpu.memref_slice %arg8[%dma_wait3A_144] : memref<2048xf32, #tpu.memory_space<vmem>> -> memref<128xf32, #tpu.memory_space<vmem>>
    %dma_wait3A_146 = arith.constant 0 : i32
    %dma_wait3A_147 = tpu.memref_slice %arg6[%dma_wait3A_143, %dma_wait3A_146] : memref<16x128xi32, #tpu.memory_space<vmem>> -> memref<1x128xi32, #tpu.memory_space<vmem>>
    %dma_wait3A_148 = tpu.memref_squeeze %dma_wait3A_147 : memref<1x128xi32, #tpu.memory_space<vmem>> -> memref<128xi32, #tpu.memory_space<vmem>>
    %dma_wait3A_149 = arith.constant 0 : i32
    %dma_wait3A_150 = tpu.memref_slice %arg4[%dma_wait3A_149] : memref<700000xf32, #tpu.memory_space<hbm>> -> memref<700000xf32, #tpu.memory_space<hbm>>
    tpu.wait_indirect_dma semaphore(%arg10 : memref<!tpu.dma_semaphore, #tpu.memory_space<semaphore_mem>>) src(%dma_wait3A_150 : memref<700000xf32, #tpu.memory_space<hbm>>) dst(%dma_wait3A_145 : memref<128xf32, #tpu.memory_space<vmem>>)
    %dma_wait3A_151 = arith.constant 3 : i32
    %dma_wait3A_152 = arith.constant 384 : i32
    %dma_wait3A_153 = tpu.memref_slice %arg8[%dma_wait3A_152] : memref<2048xf32, #tpu.memory_space<vmem>> -> memref<128xf32, #tpu.memory_space<vmem>>
    %dma_wait3A_154 = arith.constant 0 : i32
    %dma_wait3A_155 = tpu.memref_slice %arg6[%dma_wait3A_151, %dma_wait3A_154] : memref<16x128xi32, #tpu.memory_space<vmem>> -> memref<1x128xi32, #tpu.memory_space<vmem>>
    %dma_wait3A_156 = tpu.memref_squeeze %dma_wait3A_155 : memref<1x128xi32, #tpu.memory_space<vmem>> -> memref<128xi32, #tpu.memory_space<vmem>>
    %dma_wait3A_157 = arith.constant 0 : i32
    %dma_wait3A_158 = tpu.memref_slice %arg4[%dma_wait3A_157] : memref<700000xf32, #tpu.memory_space<hbm>> -> memref<700000xf32, #tpu.memory_space<hbm>>
    tpu.wait_indirect_dma semaphore(%arg10 : memref<!tpu.dma_semaphore, #tpu.memory_space<semaphore_mem>>) src(%dma_wait3A_158 : memref<700000xf32, #tpu.memory_space<hbm>>) dst(%dma_wait3A_153 : memref<128xf32, #tpu.memory_space<vmem>>)
    %dma_wait3A_159 = arith.constant 4 : i32
    %dma_wait3A_160 = arith.constant 512 : i32
    %dma_wait3A_161 = tpu.memref_slice %arg8[%dma_wait3A_160] : memref<2048xf32, #tpu.memory_space<vmem>> -> memref<128xf32, #tpu.memory_space<vmem>>
    %dma_wait3A_162 = arith.constant 0 : i32
    %dma_wait3A_163 = tpu.memref_slice %arg6[%dma_wait3A_159, %dma_wait3A_162] : memref<16x128xi32, #tpu.memory_space<vmem>> -> memref<1x128xi32, #tpu.memory_space<vmem>>
    %dma_wait3A_164 = tpu.memref_squeeze %dma_wait3A_163 : memref<1x128xi32, #tpu.memory_space<vmem>> -> memref<128xi32, #tpu.memory_space<vmem>>
    %dma_wait3A_165 = arith.constant 0 : i32
    %dma_wait3A_166 = tpu.memref_slice %arg4[%dma_wait3A_165] : memref<700000xf32, #tpu.memory_space<hbm>> -> memref<700000xf32, #tpu.memory_space<hbm>>
    tpu.wait_indirect_dma semaphore(%arg10 : memref<!tpu.dma_semaphore, #tpu.memory_space<semaphore_mem>>) src(%dma_wait3A_166 : memref<700000xf32, #tpu.memory_space<hbm>>) dst(%dma_wait3A_161 : memref<128xf32, #tpu.memory_space<vmem>>)
    %dma_wait3A_167 = arith.constant 5 : i32
    %dma_wait3A_168 = arith.constant 640 : i32
    %dma_wait3A_169 = tpu.memref_slice %arg8[%dma_wait3A_168] : memref<2048xf32, #tpu.memory_space<vmem>> -> memref<128xf32, #tpu.memory_space<vmem>>
    %dma_wait3A_170 = arith.constant 0 : i32
    %dma_wait3A_171 = tpu.memref_slice %arg6[%dma_wait3A_167, %dma_wait3A_170] : memref<16x128xi32, #tpu.memory_space<vmem>> -> memref<1x128xi32, #tpu.memory_space<vmem>>
    %dma_wait3A_172 = tpu.memref_squeeze %dma_wait3A_171 : memref<1x128xi32, #tpu.memory_space<vmem>> -> memref<128xi32, #tpu.memory_space<vmem>>
    %dma_wait3A_173 = arith.constant 0 : i32
    %dma_wait3A_174 = tpu.memref_slice %arg4[%dma_wait3A_173] : memref<700000xf32, #tpu.memory_space<hbm>> -> memref<700000xf32, #tpu.memory_space<hbm>>
    tpu.wait_indirect_dma semaphore(%arg10 : memref<!tpu.dma_semaphore, #tpu.memory_space<semaphore_mem>>) src(%dma_wait3A_174 : memref<700000xf32, #tpu.memory_space<hbm>>) dst(%dma_wait3A_169 : memref<128xf32, #tpu.memory_space<vmem>>)
    %dma_wait3A_175 = arith.constant 6 : i32
    %dma_wait3A_176 = arith.constant 768 : i32
    %dma_wait3A_177 = tpu.memref_slice %arg8[%dma_wait3A_176] : memref<2048xf32, #tpu.memory_space<vmem>> -> memref<128xf32, #tpu.memory_space<vmem>>
    %dma_wait3A_178 = arith.constant 0 : i32
    %dma_wait3A_179 = tpu.memref_slice %arg6[%dma_wait3A_175, %dma_wait3A_178] : memref<16x128xi32, #tpu.memory_space<vmem>> -> memref<1x128xi32, #tpu.memory_space<vmem>>
    %dma_wait3A_180 = tpu.memref_squeeze %dma_wait3A_179 : memref<1x128xi32, #tpu.memory_space<vmem>> -> memref<128xi32, #tpu.memory_space<vmem>>
    %dma_wait3A_181 = arith.constant 0 : i32
    %dma_wait3A_182 = tpu.memref_slice %arg4[%dma_wait3A_181] : memref<700000xf32, #tpu.memory_space<hbm>> -> memref<700000xf32, #tpu.memory_space<hbm>>
    tpu.wait_indirect_dma semaphore(%arg10 : memref<!tpu.dma_semaphore, #tpu.memory_space<semaphore_mem>>) src(%dma_wait3A_182 : memref<700000xf32, #tpu.memory_space<hbm>>) dst(%dma_wait3A_177 : memref<128xf32, #tpu.memory_space<vmem>>)
    %dma_wait3A_183 = arith.constant 7 : i32
    %dma_wait3A_184 = arith.constant 896 : i32
    %dma_wait3A_185 = tpu.memref_slice %arg8[%dma_wait3A_184] : memref<2048xf32, #tpu.memory_space<vmem>> -> memref<128xf32, #tpu.memory_space<vmem>>
    %dma_wait3A_186 = arith.constant 0 : i32
    %dma_wait3A_187 = tpu.memref_slice %arg6[%dma_wait3A_183, %dma_wait3A_186] : memref<16x128xi32, #tpu.memory_space<vmem>> -> memref<1x128xi32, #tpu.memory_space<vmem>>
    %dma_wait3A_188 = tpu.memref_squeeze %dma_wait3A_187 : memref<1x128xi32, #tpu.memory_space<vmem>> -> memref<128xi32, #tpu.memory_space<vmem>>
    %dma_wait3A_189 = arith.constant 0 : i32
    %dma_wait3A_190 = tpu.memref_slice %arg4[%dma_wait3A_189] : memref<700000xf32, #tpu.memory_space<hbm>> -> memref<700000xf32, #tpu.memory_space<hbm>>
    tpu.wait_indirect_dma semaphore(%arg10 : memref<!tpu.dma_semaphore, #tpu.memory_space<semaphore_mem>>) src(%dma_wait3A_190 : memref<700000xf32, #tpu.memory_space<hbm>>) dst(%dma_wait3A_185 : memref<128xf32, #tpu.memory_space<vmem>>)
    %dma_wait3A_191 = arith.constant 8 : i32
    %dma_wait3A_192 = arith.constant 1024 : i32
    %dma_wait3A_193 = tpu.memref_slice %arg8[%dma_wait3A_192] : memref<2048xf32, #tpu.memory_space<vmem>> -> memref<128xf32, #tpu.memory_space<vmem>>
    %dma_wait3A_194 = arith.constant 0 : i32
    %dma_wait3A_195 = tpu.memref_slice %arg6[%dma_wait3A_191, %dma_wait3A_194] : memref<16x128xi32, #tpu.memory_space<vmem>> -> memref<1x128xi32, #tpu.memory_space<vmem>>
    %dma_wait3A_196 = tpu.memref_squeeze %dma_wait3A_195 : memref<1x128xi32, #tpu.memory_space<vmem>> -> memref<128xi32, #tpu.memory_space<vmem>>
    %dma_wait3A_197 = arith.constant 0 : i32
    %dma_wait3A_198 = tpu.memref_slice %arg4[%dma_wait3A_197] : memref<700000xf32, #tpu.memory_space<hbm>> -> memref<700000xf32, #tpu.memory_space<hbm>>
    tpu.wait_indirect_dma semaphore(%arg10 : memref<!tpu.dma_semaphore, #tpu.memory_space<semaphore_mem>>) src(%dma_wait3A_198 : memref<700000xf32, #tpu.memory_space<hbm>>) dst(%dma_wait3A_193 : memref<128xf32, #tpu.memory_space<vmem>>)
    %dma_wait3A_199 = arith.constant 9 : i32
    %dma_wait3A_200 = arith.constant 1152 : i32
    %dma_wait3A_201 = tpu.memref_slice %arg8[%dma_wait3A_200] : memref<2048xf32, #tpu.memory_space<vmem>> -> memref<128xf32, #tpu.memory_space<vmem>>
    %dma_wait3A_202 = arith.constant 0 : i32
    %dma_wait3A_203 = tpu.memref_slice %arg6[%dma_wait3A_199, %dma_wait3A_202] : memref<16x128xi32, #tpu.memory_space<vmem>> -> memref<1x128xi32, #tpu.memory_space<vmem>>
    %dma_wait3A_204 = tpu.memref_squeeze %dma_wait3A_203 : memref<1x128xi32, #tpu.memory_space<vmem>> -> memref<128xi32, #tpu.memory_space<vmem>>
    %dma_wait3A_205 = arith.constant 0 : i32
    %dma_wait3A_206 = tpu.memref_slice %arg4[%dma_wait3A_205] : memref<700000xf32, #tpu.memory_space<hbm>> -> memref<700000xf32, #tpu.memory_space<hbm>>
    tpu.wait_indirect_dma semaphore(%arg10 : memref<!tpu.dma_semaphore, #tpu.memory_space<semaphore_mem>>) src(%dma_wait3A_206 : memref<700000xf32, #tpu.memory_space<hbm>>) dst(%dma_wait3A_201 : memref<128xf32, #tpu.memory_space<vmem>>)
    %dma_wait3A_207 = arith.constant 10 : i32
    %dma_wait3A_208 = arith.constant 1280 : i32
    %dma_wait3A_209 = tpu.memref_slice %arg8[%dma_wait3A_208] : memref<2048xf32, #tpu.memory_space<vmem>> -> memref<128xf32, #tpu.memory_space<vmem>>
    %dma_wait3A_210 = arith.constant 0 : i32
    %dma_wait3A_211 = tpu.memref_slice %arg6[%dma_wait3A_207, %dma_wait3A_210] : memref<16x128xi32, #tpu.memory_space<vmem>> -> memref<1x128xi32, #tpu.memory_space<vmem>>
    %dma_wait3A_212 = tpu.memref_squeeze %dma_wait3A_211 : memref<1x128xi32, #tpu.memory_space<vmem>> -> memref<128xi32, #tpu.memory_space<vmem>>
    %dma_wait3A_213 = arith.constant 0 : i32
    %dma_wait3A_214 = tpu.memref_slice %arg4[%dma_wait3A_213] : memref<700000xf32, #tpu.memory_space<hbm>> -> memref<700000xf32, #tpu.memory_space<hbm>>
    tpu.wait_indirect_dma semaphore(%arg10 : memref<!tpu.dma_semaphore, #tpu.memory_space<semaphore_mem>>) src(%dma_wait3A_214 : memref<700000xf32, #tpu.memory_space<hbm>>) dst(%dma_wait3A_209 : memref<128xf32, #tpu.memory_space<vmem>>)
    %dma_wait3A_215 = arith.constant 11 : i32
    %dma_wait3A_216 = arith.constant 1408 : i32
    %dma_wait3A_217 = tpu.memref_slice %arg8[%dma_wait3A_216] : memref<2048xf32, #tpu.memory_space<vmem>> -> memref<128xf32, #tpu.memory_space<vmem>>
    %dma_wait3A_218 = arith.constant 0 : i32
    %dma_wait3A_219 = tpu.memref_slice %arg6[%dma_wait3A_215, %dma_wait3A_218] : memref<16x128xi32, #tpu.memory_space<vmem>> -> memref<1x128xi32, #tpu.memory_space<vmem>>
    %dma_wait3A_220 = tpu.memref_squeeze %dma_wait3A_219 : memref<1x128xi32, #tpu.memory_space<vmem>> -> memref<128xi32, #tpu.memory_space<vmem>>
    %dma_wait3A_221 = arith.constant 0 : i32
    %dma_wait3A_222 = tpu.memref_slice %arg4[%dma_wait3A_221] : memref<700000xf32, #tpu.memory_space<hbm>> -> memref<700000xf32, #tpu.memory_space<hbm>>
    tpu.wait_indirect_dma semaphore(%arg10 : memref<!tpu.dma_semaphore, #tpu.memory_space<semaphore_mem>>) src(%dma_wait3A_222 : memref<700000xf32, #tpu.memory_space<hbm>>) dst(%dma_wait3A_217 : memref<128xf32, #tpu.memory_space<vmem>>)
    %dma_wait3A_223 = arith.constant 12 : i32
    %dma_wait3A_224 = arith.constant 1536 : i32
    %dma_wait3A_225 = tpu.memref_slice %arg8[%dma_wait3A_224] : memref<2048xf32, #tpu.memory_space<vmem>> -> memref<128xf32, #tpu.memory_space<vmem>>
    %dma_wait3A_226 = arith.constant 0 : i32
    %dma_wait3A_227 = tpu.memref_slice %arg6[%dma_wait3A_223, %dma_wait3A_226] : memref<16x128xi32, #tpu.memory_space<vmem>> -> memref<1x128xi32, #tpu.memory_space<vmem>>
    %dma_wait3A_228 = tpu.memref_squeeze %dma_wait3A_227 : memref<1x128xi32, #tpu.memory_space<vmem>> -> memref<128xi32, #tpu.memory_space<vmem>>
    %dma_wait3A_229 = arith.constant 0 : i32
    %dma_wait3A_230 = tpu.memref_slice %arg4[%dma_wait3A_229] : memref<700000xf32, #tpu.memory_space<hbm>> -> memref<700000xf32, #tpu.memory_space<hbm>>
    tpu.wait_indirect_dma semaphore(%arg10 : memref<!tpu.dma_semaphore, #tpu.memory_space<semaphore_mem>>) src(%dma_wait3A_230 : memref<700000xf32, #tpu.memory_space<hbm>>) dst(%dma_wait3A_225 : memref<128xf32, #tpu.memory_space<vmem>>)
    %dma_wait3A_231 = arith.constant 13 : i32
    %dma_wait3A_232 = arith.constant 1664 : i32
    %dma_wait3A_233 = tpu.memref_slice %arg8[%dma_wait3A_232] : memref<2048xf32, #tpu.memory_space<vmem>> -> memref<128xf32, #tpu.memory_space<vmem>>
    %dma_wait3A_234 = arith.constant 0 : i32
    %dma_wait3A_235 = tpu.memref_slice %arg6[%dma_wait3A_231, %dma_wait3A_234] : memref<16x128xi32, #tpu.memory_space<vmem>> -> memref<1x128xi32, #tpu.memory_space<vmem>>
    %dma_wait3A_236 = tpu.memref_squeeze %dma_wait3A_235 : memref<1x128xi32, #tpu.memory_space<vmem>> -> memref<128xi32, #tpu.memory_space<vmem>>
    %dma_wait3A_237 = arith.constant 0 : i32
    %dma_wait3A_238 = tpu.memref_slice %arg4[%dma_wait3A_237] : memref<700000xf32, #tpu.memory_space<hbm>> -> memref<700000xf32, #tpu.memory_space<hbm>>
    tpu.wait_indirect_dma semaphore(%arg10 : memref<!tpu.dma_semaphore, #tpu.memory_space<semaphore_mem>>) src(%dma_wait3A_238 : memref<700000xf32, #tpu.memory_space<hbm>>) dst(%dma_wait3A_233 : memref<128xf32, #tpu.memory_space<vmem>>)
    %dma_wait3A_239 = arith.constant 14 : i32
    %dma_wait3A_240 = arith.constant 1792 : i32
    %dma_wait3A_241 = tpu.memref_slice %arg8[%dma_wait3A_240] : memref<2048xf32, #tpu.memory_space<vmem>> -> memref<128xf32, #tpu.memory_space<vmem>>
    %dma_wait3A_242 = arith.constant 0 : i32
    %dma_wait3A_243 = tpu.memref_slice %arg6[%dma_wait3A_239, %dma_wait3A_242] : memref<16x128xi32, #tpu.memory_space<vmem>> -> memref<1x128xi32, #tpu.memory_space<vmem>>
    %dma_wait3A_244 = tpu.memref_squeeze %dma_wait3A_243 : memref<1x128xi32, #tpu.memory_space<vmem>> -> memref<128xi32, #tpu.memory_space<vmem>>
    %dma_wait3A_245 = arith.constant 0 : i32
    %dma_wait3A_246 = tpu.memref_slice %arg4[%dma_wait3A_245] : memref<700000xf32, #tpu.memory_space<hbm>> -> memref<700000xf32, #tpu.memory_space<hbm>>
    tpu.wait_indirect_dma semaphore(%arg10 : memref<!tpu.dma_semaphore, #tpu.memory_space<semaphore_mem>>) src(%dma_wait3A_246 : memref<700000xf32, #tpu.memory_space<hbm>>) dst(%dma_wait3A_241 : memref<128xf32, #tpu.memory_space<vmem>>)
    %dma_wait3A_247 = arith.constant 15 : i32
    %dma_wait3A_248 = arith.constant 1920 : i32
    %dma_wait3A_249 = tpu.memref_slice %arg8[%dma_wait3A_248] : memref<2048xf32, #tpu.memory_space<vmem>> -> memref<128xf32, #tpu.memory_space<vmem>>
    %dma_wait3A_250 = arith.constant 0 : i32
    %dma_wait3A_251 = tpu.memref_slice %arg6[%dma_wait3A_247, %dma_wait3A_250] : memref<16x128xi32, #tpu.memory_space<vmem>> -> memref<1x128xi32, #tpu.memory_space<vmem>>
    %dma_wait3A_252 = tpu.memref_squeeze %dma_wait3A_251 : memref<1x128xi32, #tpu.memory_space<vmem>> -> memref<128xi32, #tpu.memory_space<vmem>>
    %dma_wait3A_253 = arith.constant 0 : i32
    %dma_wait3A_254 = tpu.memref_slice %arg4[%dma_wait3A_253] : memref<700000xf32, #tpu.memory_space<hbm>> -> memref<700000xf32, #tpu.memory_space<hbm>>
    tpu.wait_indirect_dma semaphore(%arg10 : memref<!tpu.dma_semaphore, #tpu.memory_space<semaphore_mem>>) src(%dma_wait3A_254 : memref<700000xf32, #tpu.memory_space<hbm>>) dst(%dma_wait3A_249 : memref<128xf32, #tpu.memory_space<vmem>>)
    %get3A = arith.constant 0 : i32
    %get3A_255 = arith.index_cast %get3A : i32 to index
    %get3A_256 = arith.constant 0 : index
    %get3A_257 = tpu.vector_load %arg7[%get3A_255, %get3A_256] {strides = array<i32>} : memref<8x256xf32, #tpu.memory_space<vmem>>, vector<1x16xf32>,
    %get3A_258 = vector.shape_cast %get3A_257 : vector<1x16xf32> to vector<16xf32>
    %get3A_259 = arith.constant 0 : index
    %get3A_260 = tpu.vector_load %arg8[%get3A_259] {strides = array<i32>} : memref<2048xf32, #tpu.memory_space<vmem>>, vector<16xf32>,
    %get3A_261 = vector.shape_cast %get3A_260 : vector<16xf32> to vector<16xf32>
    %mul3A_262 = arith.mulf %get3A_258, %get3A_261 : vector<16xf32>
    %get3A_263 = arith.constant 1 : i32
    %get3A_264 = arith.index_cast %get3A_263 : i32 to index
    %get3A_265 = arith.constant 0 : index
    %get3A_266 = tpu.vector_load %arg7[%get3A_264, %get3A_265] {strides = array<i32>} : memref<8x256xf32, #tpu.memory_space<vmem>>, vector<1x16xf32>,
    %get3A_267 = vector.shape_cast %get3A_266 : vector<1x16xf32> to vector<16xf32>
    %get3A_268 = arith.constant 256 : index
    %get3A_269 = tpu.vector_load %arg8[%get3A_268] {strides = array<i32>} : memref<2048xf32, #tpu.memory_space<vmem>>, vector<16xf32>,
    %get3A_270 = vector.shape_cast %get3A_269 : vector<16xf32> to vector<16xf32>
    %mul3A_271 = arith.mulf %get3A_267, %get3A_270 : vector<16xf32>
    %add3A_272 = arith.addf %mul3A_262, %mul3A_271 : vector<16xf32>
    %get3A_273 = arith.constant 2 : i32
    %get3A_274 = arith.index_cast %get3A_273 : i32 to index
    %get3A_275 = arith.constant 0 : index
    %get3A_276 = tpu.vector_load %arg7[%get3A_274, %get3A_275] {strides = array<i32>} : memref<8x256xf32, #tpu.memory_space<vmem>>, vector<1x16xf32>,
    %get3A_277 = vector.shape_cast %get3A_276 : vector<1x16xf32> to vector<16xf32>
    %get3A_278 = arith.constant 512 : index
    %get3A_279 = tpu.vector_load %arg8[%get3A_278] {strides = array<i32>} : memref<2048xf32, #tpu.memory_space<vmem>>, vector<16xf32>,
    %get3A_280 = vector.shape_cast %get3A_279 : vector<16xf32> to vector<16xf32>
    %mul3A_281 = arith.mulf %get3A_277, %get3A_280 : vector<16xf32>
    %add3A_282 = arith.addf %add3A_272, %mul3A_281 : vector<16xf32>
    %get3A_283 = arith.constant 3 : i32
    %get3A_284 = arith.index_cast %get3A_283 : i32 to index
    %get3A_285 = arith.constant 0 : index
    %get3A_286 = tpu.vector_load %arg7[%get3A_284, %get3A_285] {strides = array<i32>} : memref<8x256xf32, #tpu.memory_space<vmem>>, vector<1x16xf32>,
    %get3A_287 = vector.shape_cast %get3A_286 : vector<1x16xf32> to vector<16xf32>
    %get3A_288 = arith.constant 768 : index
    %get3A_289 = tpu.vector_load %arg8[%get3A_288] {strides = array<i32>} : memref<2048xf32, #tpu.memory_space<vmem>>, vector<16xf32>,
    %get3A_290 = vector.shape_cast %get3A_289 : vector<16xf32> to vector<16xf32>
    %mul3A_291 = arith.mulf %get3A_287, %get3A_290 : vector<16xf32>
    %add3A_292 = arith.addf %add3A_282, %mul3A_291 : vector<16xf32>
    %get3A_293 = arith.constant 4 : i32
    %get3A_294 = arith.index_cast %get3A_293 : i32 to index
    %get3A_295 = arith.constant 0 : index
    %get3A_296 = tpu.vector_load %arg7[%get3A_294, %get3A_295] {strides = array<i32>} : memref<8x256xf32, #tpu.memory_space<vmem>>, vector<1x16xf32>,
    %get3A_297 = vector.shape_cast %get3A_296 : vector<1x16xf32> to vector<16xf32>
    %get3A_298 = arith.constant 1024 : index
    %get3A_299 = tpu.vector_load %arg8[%get3A_298] {strides = array<i32>} : memref<2048xf32, #tpu.memory_space<vmem>>, vector<16xf32>,
    %get3A_300 = vector.shape_cast %get3A_299 : vector<16xf32> to vector<16xf32>
    %mul3A_301 = arith.mulf %get3A_297, %get3A_300 : vector<16xf32>
    %add3A_302 = arith.addf %add3A_292, %mul3A_301 : vector<16xf32>
    %get3A_303 = arith.constant 5 : i32
    %get3A_304 = arith.index_cast %get3A_303 : i32 to index
    %get3A_305 = arith.constant 0 : index
    %get3A_306 = tpu.vector_load %arg7[%get3A_304, %get3A_305] {strides = array<i32>} : memref<8x256xf32, #tpu.memory_space<vmem>>, vector<1x16xf32>,
    %get3A_307 = vector.shape_cast %get3A_306 : vector<1x16xf32> to vector<16xf32>
    %get3A_308 = arith.constant 1280 : index
    %get3A_309 = tpu.vector_load %arg8[%get3A_308] {strides = array<i32>} : memref<2048xf32, #tpu.memory_space<vmem>>, vector<16xf32>,
    %get3A_310 = vector.shape_cast %get3A_309 : vector<16xf32> to vector<16xf32>
    %mul3A_311 = arith.mulf %get3A_307, %get3A_310 : vector<16xf32>
    %add3A_312 = arith.addf %add3A_302, %mul3A_311 : vector<16xf32>
    %get3A_313 = arith.constant 6 : i32
    %get3A_314 = arith.index_cast %get3A_313 : i32 to index
    %get3A_315 = arith.constant 0 : index
    %get3A_316 = tpu.vector_load %arg7[%get3A_314, %get3A_315] {strides = array<i32>} : memref<8x256xf32, #tpu.memory_space<vmem>>, vector<1x16xf32>,
    %get3A_317 = vector.shape_cast %get3A_316 : vector<1x16xf32> to vector<16xf32>
    %get3A_318 = arith.constant 1536 : index
    %get3A_319 = tpu.vector_load %arg8[%get3A_318] {strides = array<i32>} : memref<2048xf32, #tpu.memory_space<vmem>>, vector<16xf32>,
    %get3A_320 = vector.shape_cast %get3A_319 : vector<16xf32> to vector<16xf32>
    %mul3A_321 = arith.mulf %get3A_317, %get3A_320 : vector<16xf32>
    %add3A_322 = arith.addf %add3A_312, %mul3A_321 : vector<16xf32>
    %get3A_323 = arith.constant 7 : i32
    %get3A_324 = arith.index_cast %get3A_323 : i32 to index
    %get3A_325 = arith.constant 0 : index
    %get3A_326 = tpu.vector_load %arg7[%get3A_324, %get3A_325] {strides = array<i32>} : memref<8x256xf32, #tpu.memory_space<vmem>>, vector<1x16xf32>,
    %get3A_327 = vector.shape_cast %get3A_326 : vector<1x16xf32> to vector<16xf32>
    %get3A_328 = arith.constant 1792 : index
    %get3A_329 = tpu.vector_load %arg8[%get3A_328] {strides = array<i32>} : memref<2048xf32, #tpu.memory_space<vmem>>, vector<16xf32>,
    %get3A_330 = vector.shape_cast %get3A_329 : vector<16xf32> to vector<16xf32>
    %mul3A_331 = arith.mulf %get3A_327, %get3A_330 : vector<16xf32>
    %add3A_332 = arith.addf %add3A_322, %mul3A_331 : vector<16xf32>
    %swap3A = arith.constant 0 : index
    %swap3A_333 = tpu.vector_load %arg9[%swap3A] {strides = array<i32>} : memref<256xf32, #tpu.memory_space<vmem>>, vector<16xf32>,
    %swap3A_334 = vector.shape_cast %swap3A_333 : vector<16xf32> to vector<16xf32>
    %swap3A_335 = vector.shape_cast %add3A_332 : vector<16xf32> to vector<16xf32>
    tpu.vector_store %arg9[%swap3A], %swap3A_335 {strides = array<i32>} : memref<256xf32, #tpu.memory_space<vmem>>, vector<16xf32>,
    %get3A_336 = arith.constant 0 : i32
    %get3A_337 = arith.index_cast %get3A_336 : i32 to index
    %get3A_338 = arith.constant 16 : index
    %get3A_339 = tpu.vector_load %arg7[%get3A_337, %get3A_338] {strides = array<i32>} : memref<8x256xf32, #tpu.memory_space<vmem>>, vector<1x16xf32>,
    %get3A_340 = vector.shape_cast %get3A_339 : vector<1x16xf32> to vector<16xf32>
    %get3A_341 = arith.constant 16 : index
    %get3A_342 = tpu.vector_load %arg8[%get3A_341] {strides = array<i32>} : memref<2048xf32, #tpu.memory_space<vmem>>, vector<16xf32>,
    %get3A_343 = vector.shape_cast %get3A_342 : vector<16xf32> to vector<16xf32>
    %mul3A_344 = arith.mulf %get3A_340, %get3A_343 : vector<16xf32>
    %get3A_345 = arith.constant 1 : i32
    %get3A_346 = arith.index_cast %get3A_345 : i32 to index
    %get3A_347 = arith.constant 16 : index
    %get3A_348 = tpu.vector_load %arg7[%get3A_346, %get3A_347] {strides = array<i32>} : memref<8x256xf32, #tpu.memory_space<vmem>>, vector<1x16xf32>,
    %get3A_349 = vector.shape_cast %get3A_348 : vector<1x16xf32> to vector<16xf32>
    %get3A_350 = arith.constant 272 : index
    %get3A_351 = tpu.vector_load %arg8[%get3A_350] {strides = array<i32>} : memref<2048xf32, #tpu.memory_space<vmem>>, vector<16xf32>,
    %get3A_352 = vector.shape_cast %get3A_351 : vector<16xf32> to vector<16xf32>
    %mul3A_353 = arith.mulf %get3A_349, %get3A_352 : vector<16xf32>
    %add3A_354 = arith.addf %mul3A_344, %mul3A_353 : vector<16xf32>
    %get3A_355 = arith.constant 2 : i32
    %get3A_356 = arith.index_cast %get3A_355 : i32 to index
    %get3A_357 = arith.constant 16 : index
    %get3A_358 = tpu.vector_load %arg7[%get3A_356, %get3A_357] {strides = array<i32>} : memref<8x256xf32, #tpu.memory_space<vmem>>, vector<1x16xf32>,
    %get3A_359 = vector.shape_cast %get3A_358 : vector<1x16xf32> to vector<16xf32>
    %get3A_360 = arith.constant 528 : index
    %get3A_361 = tpu.vector_load %arg8[%get3A_360] {strides = array<i32>} : memref<2048xf32, #tpu.memory_space<vmem>>, vector<16xf32>,
    %get3A_362 = vector.shape_cast %get3A_361 : vector<16xf32> to vector<16xf32>
    %mul3A_363 = arith.mulf %get3A_359, %get3A_362 : vector<16xf32>
    %add3A_364 = arith.addf %add3A_354, %mul3A_363 : vector<16xf32>
    %get3A_365 = arith.constant 3 : i32
    %get3A_366 = arith.index_cast %get3A_365 : i32 to index
    %get3A_367 = arith.constant 16 : index
    %get3A_368 = tpu.vector_load %arg7[%get3A_366, %get3A_367] {strides = array<i32>} : memref<8x256xf32, #tpu.memory_space<vmem>>, vector<1x16xf32>,
    %get3A_369 = vector.shape_cast %get3A_368 : vector<1x16xf32> to vector<16xf32>
    %get3A_370 = arith.constant 784 : index
    %get3A_371 = tpu.vector_load %arg8[%get3A_370] {strides = array<i32>} : memref<2048xf32, #tpu.memory_space<vmem>>, vector<16xf32>,
    %get3A_372 = vector.shape_cast %get3A_371 : vector<16xf32> to vector<16xf32>
    %mul3A_373 = arith.mulf %get3A_369, %get3A_372 : vector<16xf32>
    %add3A_374 = arith.addf %add3A_364, %mul3A_373 : vector<16xf32>
    %get3A_375 = arith.constant 4 : i32
    %get3A_376 = arith.index_cast %get3A_375 : i32 to index
    %get3A_377 = arith.constant 16 : index
    %get3A_378 = tpu.vector_load %arg7[%get3A_376, %get3A_377] {strides = array<i32>} : memref<8x256xf32, #tpu.memory_space<vmem>>, vector<1x16xf32>,
    %get3A_379 = vector.shape_cast %get3A_378 : vector<1x16xf32> to vector<16xf32>
    %get3A_380 = arith.constant 1040 : index
    %get3A_381 = tpu.vector_load %arg8[%get3A_380] {strides = array<i32>} : memref<2048xf32, #tpu.memory_space<vmem>>, vector<16xf32>,
    %get3A_382 = vector.shape_cast %get3A_381 : vector<16xf32> to vector<16xf32>
    %mul3A_383 = arith.mulf %get3A_379, %get3A_382 : vector<16xf32>
    %add3A_384 = arith.addf %add3A_374, %mul3A_383 : vector<16xf32>
    %get3A_385 = arith.constant 5 : i32
    %get3A_386 = arith.index_cast %get3A_385 : i32 to index
    %get3A_387 = arith.constant 16 : index
    %get3A_388 = tpu.vector_load %arg7[%get3A_386, %get3A_387] {strides = array<i32>} : memref<8x256xf32, #tpu.memory_space<vmem>>, vector<1x16xf32>,
    %get3A_389 = vector.shape_cast %get3A_388 : vector<1x16xf32> to vector<16xf32>
    %get3A_390 = arith.constant 1296 : index
    %get3A_391 = tpu.vector_load %arg8[%get3A_390] {strides = array<i32>} : memref<2048xf32, #tpu.memory_space<vmem>>, vector<16xf32>,
    %get3A_392 = vector.shape_cast %get3A_391 : vector<16xf32> to vector<16xf32>
    %mul3A_393 = arith.mulf %get3A_389, %get3A_392 : vector<16xf32>
    %add3A_394 = arith.addf %add3A_384, %mul3A_393 : vector<16xf32>
    %get3A_395 = arith.constant 6 : i32
    %get3A_396 = arith.index_cast %get3A_395 : i32 to index
    %get3A_397 = arith.constant 16 : index
    %get3A_398 = tpu.vector_load %arg7[%get3A_396, %get3A_397] {strides = array<i32>} : memref<8x256xf32, #tpu.memory_space<vmem>>, vector<1x16xf32>,
    %get3A_399 = vector.shape_cast %get3A_398 : vector<1x16xf32> to vector<16xf32>
    %get3A_400 = arith.constant 1552 : index
    %get3A_401 = tpu.vector_load %arg8[%get3A_400] {strides = array<i32>} : memref<2048xf32, #tpu.memory_space<vmem>>, vector<16xf32>,
    %get3A_402 = vector.shape_cast %get3A_401 : vector<16xf32> to vector<16xf32>
    %mul3A_403 = arith.mulf %get3A_399, %get3A_402 : vector<16xf32>
    %add3A_404 = arith.addf %add3A_394, %mul3A_403 : vector<16xf32>
    %get3A_405 = arith.constant 7 : i32
    %get3A_406 = arith.index_cast %get3A_405 : i32 to index
    %get3A_407 = arith.constant 16 : index
    %get3A_408 = tpu.vector_load %arg7[%get3A_406, %get3A_407] {strides = array<i32>} : memref<8x256xf32, #tpu.memory_space<vmem>>, vector<1x16xf32>,
    %get3A_409 = vector.shape_cast %get3A_408 : vector<1x16xf32> to vector<16xf32>
    %get3A_410 = arith.constant 1808 : index
    %get3A_411 = tpu.vector_load %arg8[%get3A_410] {strides = array<i32>} : memref<2048xf32, #tpu.memory_space<vmem>>, vector<16xf32>,
    %get3A_412 = vector.shape_cast %get3A_411 : vector<16xf32> to vector<16xf32>
    %mul3A_413 = arith.mulf %get3A_409, %get3A_412 : vector<16xf32>
    %add3A_414 = arith.addf %add3A_404, %mul3A_413 : vector<16xf32>
    %swap3A_415 = arith.constant 16 : index
    %swap3A_416 = tpu.vector_load %arg9[%swap3A_415] {strides = array<i32>} : memref<256xf32, #tpu.memory_space<vmem>>, vector<16xf32>,
    %swap3A_417 = vector.shape_cast %swap3A_416 : vector<16xf32> to vector<16xf32>
    %swap3A_418 = vector.shape_cast %add3A_414 : vector<16xf32> to vector<16xf32>
    tpu.vector_store %arg9[%swap3A_415], %swap3A_418 {strides = array<i32>} : memref<256xf32, #tpu.memory_space<vmem>>, vector<16xf32>,
    %get3A_419 = arith.constant 0 : i32
    %get3A_420 = arith.index_cast %get3A_419 : i32 to index
    %get3A_421 = arith.constant 32 : index
    %get3A_422 = tpu.vector_load %arg7[%get3A_420, %get3A_421] {strides = array<i32>} : memref<8x256xf32, #tpu.memory_space<vmem>>, vector<1x16xf32>,
    %get3A_423 = vector.shape_cast %get3A_422 : vector<1x16xf32> to vector<16xf32>
    %get3A_424 = arith.constant 32 : index
    %get3A_425 = tpu.vector_load %arg8[%get3A_424] {strides = array<i32>} : memref<2048xf32, #tpu.memory_space<vmem>>, vector<16xf32>,
    %get3A_426 = vector.shape_cast %get3A_425 : vector<16xf32> to vector<16xf32>
    %mul3A_427 = arith.mulf %get3A_423, %get3A_426 : vector<16xf32>
    %get3A_428 = arith.constant 1 : i32
    %get3A_429 = arith.index_cast %get3A_428 : i32 to index
    %get3A_430 = arith.constant 32 : index
    %get3A_431 = tpu.vector_load %arg7[%get3A_429, %get3A_430] {strides = array<i32>} : memref<8x256xf32, #tpu.memory_space<vmem>>, vector<1x16xf32>,
    %get3A_432 = vector.shape_cast %get3A_431 : vector<1x16xf32> to vector<16xf32>
    %get3A_433 = arith.constant 288 : index
    %get3A_434 = tpu.vector_load %arg8[%get3A_433] {strides = array<i32>} : memref<2048xf32, #tpu.memory_space<vmem>>, vector<16xf32>,
    %get3A_435 = vector.shape_cast %get3A_434 : vector<16xf32> to vector<16xf32>
    %mul3A_436 = arith.mulf %get3A_432, %get3A_435 : vector<16xf32>
    %add3A_437 = arith.addf %mul3A_427, %mul3A_436 : vector<16xf32>
    %get3A_438 = arith.constant 2 : i32
    %get3A_439 = arith.index_cast %get3A_438 : i32 to index
    %get3A_440 = arith.constant 32 : index
    %get3A_441 = tpu.vector_load %arg7[%get3A_439, %get3A_440] {strides = array<i32>} : memref<8x256xf32, #tpu.memory_space<vmem>>, vector<1x16xf32>,
    %get3A_442 = vector.shape_cast %get3A_441 : vector<1x16xf32> to vector<16xf32>
    %get3A_443 = arith.constant 544 : index
    %get3A_444 = tpu.vector_load %arg8[%get3A_443] {strides = array<i32>} : memref<2048xf32, #tpu.memory_space<vmem>>, vector<16xf32>,
    %get3A_445 = vector.shape_cast %get3A_444 : vector<16xf32> to vector<16xf32>
    %mul3A_446 = arith.mulf %get3A_442, %get3A_445 : vector<16xf32>
    %add3A_447 = arith.addf %add3A_437, %mul3A_446 : vector<16xf32>
    %get3A_448 = arith.constant 3 : i32
    %get3A_449 = arith.index_cast %get3A_448 : i32 to index
    %get3A_450 = arith.constant 32 : index
    %get3A_451 = tpu.vector_load %arg7[%get3A_449, %get3A_450] {strides = array<i32>} : memref<8x256xf32, #tpu.memory_space<vmem>>, vector<1x16xf32>,
    %get3A_452 = vector.shape_cast %get3A_451 : vector<1x16xf32> to vector<16xf32>
    %get3A_453 = arith.constant 800 : index
    %get3A_454 = tpu.vector_load %arg8[%get3A_453] {strides = array<i32>} : memref<2048xf32, #tpu.memory_space<vmem>>, vector<16xf32>,
    %get3A_455 = vector.shape_cast %get3A_454 : vector<16xf32> to vector<16xf32>
    %mul3A_456 = arith.mulf %get3A_452, %get3A_455 : vector<16xf32>
    %add3A_457 = arith.addf %add3A_447, %mul3A_456 : vector<16xf32>
    %get3A_458 = arith.constant 4 : i32
    %get3A_459 = arith.index_cast %get3A_458 : i32 to index
    %get3A_460 = arith.constant 32 : index
    %get3A_461 = tpu.vector_load %arg7[%get3A_459, %get3A_460] {strides = array<i32>} : memref<8x256xf32, #tpu.memory_space<vmem>>, vector<1x16xf32>,
    %get3A_462 = vector.shape_cast %get3A_461 : vector<1x16xf32> to vector<16xf32>
    %get3A_463 = arith.constant 1056 : index
    %get3A_464 = tpu.vector_load %arg8[%get3A_463] {strides = array<i32>} : memref<2048xf32, #tpu.memory_space<vmem>>, vector<16xf32>,
    %get3A_465 = vector.shape_cast %get3A_464 : vector<16xf32> to vector<16xf32>
    %mul3A_466 = arith.mulf %get3A_462, %get3A_465 : vector<16xf32>
    %add3A_467 = arith.addf %add3A_457, %mul3A_466 : vector<16xf32>
    %get3A_468 = arith.constant 5 : i32
    %get3A_469 = arith.index_cast %get3A_468 : i32 to index
    %get3A_470 = arith.constant 32 : index
    %get3A_471 = tpu.vector_load %arg7[%get3A_469, %get3A_470] {strides = array<i32>} : memref<8x256xf32, #tpu.memory_space<vmem>>, vector<1x16xf32>,
    %get3A_472 = vector.shape_cast %get3A_471 : vector<1x16xf32> to vector<16xf32>
    %get3A_473 = arith.constant 1312 : index
    %get3A_474 = tpu.vector_load %arg8[%get3A_473] {strides = array<i32>} : memref<2048xf32, #tpu.memory_space<vmem>>, vector<16xf32>,
    %get3A_475 = vector.shape_cast %get3A_474 : vector<16xf32> to vector<16xf32>
    %mul3A_476 = arith.mulf %get3A_472, %get3A_475 : vector<16xf32>
    %add3A_477 = arith.addf %add3A_467, %mul3A_476 : vector<16xf32>
    %get3A_478 = arith.constant 6 : i32
    %get3A_479 = arith.index_cast %get3A_478 : i32 to index
    %get3A_480 = arith.constant 32 : index
    %get3A_481 = tpu.vector_load %arg7[%get3A_479, %get3A_480] {strides = array<i32>} : memref<8x256xf32, #tpu.memory_space<vmem>>, vector<1x16xf32>,
    %get3A_482 = vector.shape_cast %get3A_481 : vector<1x16xf32> to vector<16xf32>
    %get3A_483 = arith.constant 1568 : index
    %get3A_484 = tpu.vector_load %arg8[%get3A_483] {strides = array<i32>} : memref<2048xf32, #tpu.memory_space<vmem>>, vector<16xf32>,
    %get3A_485 = vector.shape_cast %get3A_484 : vector<16xf32> to vector<16xf32>
    %mul3A_486 = arith.mulf %get3A_482, %get3A_485 : vector<16xf32>
    %add3A_487 = arith.addf %add3A_477, %mul3A_486 : vector<16xf32>
    %get3A_488 = arith.constant 7 : i32
    %get3A_489 = arith.index_cast %get3A_488 : i32 to index
    %get3A_490 = arith.constant 32 : index
    %get3A_491 = tpu.vector_load %arg7[%get3A_489, %get3A_490] {strides = array<i32>} : memref<8x256xf32, #tpu.memory_space<vmem>>, vector<1x16xf32>,
    %get3A_492 = vector.shape_cast %get3A_491 : vector<1x16xf32> to vector<16xf32>
    %get3A_493 = arith.constant 1824 : index
    %get3A_494 = tpu.vector_load %arg8[%get3A_493] {strides = array<i32>} : memref<2048xf32, #tpu.memory_space<vmem>>, vector<16xf32>,
    %get3A_495 = vector.shape_cast %get3A_494 : vector<16xf32> to vector<16xf32>
    %mul3A_496 = arith.mulf %get3A_492, %get3A_495 : vector<16xf32>
    %add3A_497 = arith.addf %add3A_487, %mul3A_496 : vector<16xf32>
    %swap3A_498 = arith.constant 32 : index
    %swap3A_499 = tpu.vector_load %arg9[%swap3A_498] {strides = array<i32>} : memref<256xf32, #tpu.memory_space<vmem>>, vector<16xf32>,
    %swap3A_500 = vector.shape_cast %swap3A_499 : vector<16xf32> to vector<16xf32>
    %swap3A_501 = vector.shape_cast %add3A_497 : vector<16xf32> to vector<16xf32>
    tpu.vector_store %arg9[%swap3A_498], %swap3A_501 {strides = array<i32>} : memref<256xf32, #tpu.memory_space<vmem>>, vector<16xf32>,
    %get3A_502 = arith.constant 0 : i32
    %get3A_503 = arith.index_cast %get3A_502 : i32 to index
    %get3A_504 = arith.constant 48 : index
    %get3A_505 = tpu.vector_load %arg7[%get3A_503, %get3A_504] {strides = array<i32>} : memref<8x256xf32, #tpu.memory_space<vmem>>, vector<1x16xf32>,
    %get3A_506 = vector.shape_cast %get3A_505 : vector<1x16xf32> to vector<16xf32>
    %get3A_507 = arith.constant 48 : index
    %get3A_508 = tpu.vector_load %arg8[%get3A_507] {strides = array<i32>} : memref<2048xf32, #tpu.memory_space<vmem>>, vector<16xf32>,
    %get3A_509 = vector.shape_cast %get3A_508 : vector<16xf32> to vector<16xf32>
    %mul3A_510 = arith.mulf %get3A_506, %get3A_509 : vector<16xf32>
    %get3A_511 = arith.constant 1 : i32
    %get3A_512 = arith.index_cast %get3A_511 : i32 to index
    %get3A_513 = arith.constant 48 : index
    %get3A_514 = tpu.vector_load %arg7[%get3A_512, %get3A_513] {strides = array<i32>} : memref<8x256xf32, #tpu.memory_space<vmem>>, vector<1x16xf32>,
    %get3A_515 = vector.shape_cast %get3A_514 : vector<1x16xf32> to vector<16xf32>
    %get3A_516 = arith.constant 304 : index
    %get3A_517 = tpu.vector_load %arg8[%get3A_516] {strides = array<i32>} : memref<2048xf32, #tpu.memory_space<vmem>>, vector<16xf32>,
    %get3A_518 = vector.shape_cast %get3A_517 : vector<16xf32> to vector<16xf32>
    %mul3A_519 = arith.mulf %get3A_515, %get3A_518 : vector<16xf32>
    %add3A_520 = arith.addf %mul3A_510, %mul3A_519 : vector<16xf32>
    %get3A_521 = arith.constant 2 : i32
    %get3A_522 = arith.index_cast %get3A_521 : i32 to index
    %get3A_523 = arith.constant 48 : index
    %get3A_524 = tpu.vector_load %arg7[%get3A_522, %get3A_523] {strides = array<i32>} : memref<8x256xf32, #tpu.memory_space<vmem>>, vector<1x16xf32>,
    %get3A_525 = vector.shape_cast %get3A_524 : vector<1x16xf32> to vector<16xf32>
    %get3A_526 = arith.constant 560 : index
    %get3A_527 = tpu.vector_load %arg8[%get3A_526] {strides = array<i32>} : memref<2048xf32, #tpu.memory_space<vmem>>, vector<16xf32>,
    %get3A_528 = vector.shape_cast %get3A_527 : vector<16xf32> to vector<16xf32>
    %mul3A_529 = arith.mulf %get3A_525, %get3A_528 : vector<16xf32>
    %add3A_530 = arith.addf %add3A_520, %mul3A_529 : vector<16xf32>
    %get3A_531 = arith.constant 3 : i32
    %get3A_532 = arith.index_cast %get3A_531 : i32 to index
    %get3A_533 = arith.constant 48 : index
    %get3A_534 = tpu.vector_load %arg7[%get3A_532, %get3A_533] {strides = array<i32>} : memref<8x256xf32, #tpu.memory_space<vmem>>, vector<1x16xf32>,
    %get3A_535 = vector.shape_cast %get3A_534 : vector<1x16xf32> to vector<16xf32>
    %get3A_536 = arith.constant 816 : index
    %get3A_537 = tpu.vector_load %arg8[%get3A_536] {strides = array<i32>} : memref<2048xf32, #tpu.memory_space<vmem>>, vector<16xf32>,
    %get3A_538 = vector.shape_cast %get3A_537 : vector<16xf32> to vector<16xf32>
    %mul3A_539 = arith.mulf %get3A_535, %get3A_538 : vector<16xf32>
    %add3A_540 = arith.addf %add3A_530, %mul3A_539 : vector<16xf32>
    %get3A_541 = arith.constant 4 : i32
    %get3A_542 = arith.index_cast %get3A_541 : i32 to index
    %get3A_543 = arith.constant 48 : index
    %get3A_544 = tpu.vector_load %arg7[%get3A_542, %get3A_543] {strides = array<i32>} : memref<8x256xf32, #tpu.memory_space<vmem>>, vector<1x16xf32>,
    %get3A_545 = vector.shape_cast %get3A_544 : vector<1x16xf32> to vector<16xf32>
    %get3A_546 = arith.constant 1072 : index
    %get3A_547 = tpu.vector_load %arg8[%get3A_546] {strides = array<i32>} : memref<2048xf32, #tpu.memory_space<vmem>>, vector<16xf32>,
    %get3A_548 = vector.shape_cast %get3A_547 : vector<16xf32> to vector<16xf32>
    %mul3A_549 = arith.mulf %get3A_545, %get3A_548 : vector<16xf32>
    %add3A_550 = arith.addf %add3A_540, %mul3A_549 : vector<16xf32>
    %get3A_551 = arith.constant 5 : i32
    %get3A_552 = arith.index_cast %get3A_551 : i32 to index
    %get3A_553 = arith.constant 48 : index
    %get3A_554 = tpu.vector_load %arg7[%get3A_552, %get3A_553] {strides = array<i32>} : memref<8x256xf32, #tpu.memory_space<vmem>>, vector<1x16xf32>,
    %get3A_555 = vector.shape_cast %get3A_554 : vector<1x16xf32> to vector<16xf32>
    %get3A_556 = arith.constant 1328 : index
    %get3A_557 = tpu.vector_load %arg8[%get3A_556] {strides = array<i32>} : memref<2048xf32, #tpu.memory_space<vmem>>, vector<16xf32>,
    %get3A_558 = vector.shape_cast %get3A_557 : vector<16xf32> to vector<16xf32>
    %mul3A_559 = arith.mulf %get3A_555, %get3A_558 : vector<16xf32>
    %add3A_560 = arith.addf %add3A_550, %mul3A_559 : vector<16xf32>
    %get3A_561 = arith.constant 6 : i32
    %get3A_562 = arith.index_cast %get3A_561 : i32 to index
    %get3A_563 = arith.constant 48 : index
    %get3A_564 = tpu.vector_load %arg7[%get3A_562, %get3A_563] {strides = array<i32>} : memref<8x256xf32, #tpu.memory_space<vmem>>, vector<1x16xf32>,
    %get3A_565 = vector.shape_cast %get3A_564 : vector<1x16xf32> to vector<16xf32>
    %get3A_566 = arith.constant 1584 : index
    %get3A_567 = tpu.vector_load %arg8[%get3A_566] {strides = array<i32>} : memref<2048xf32, #tpu.memory_space<vmem>>, vector<16xf32>,
    %get3A_568 = vector.shape_cast %get3A_567 : vector<16xf32> to vector<16xf32>
    %mul3A_569 = arith.mulf %get3A_565, %get3A_568 : vector<16xf32>
    %add3A_570 = arith.addf %add3A_560, %mul3A_569 : vector<16xf32>
    %get3A_571 = arith.constant 7 : i32
    %get3A_572 = arith.index_cast %get3A_571 : i32 to index
    %get3A_573 = arith.constant 48 : index
    %get3A_574 = tpu.vector_load %arg7[%get3A_572, %get3A_573] {strides = array<i32>} : memref<8x256xf32, #tpu.memory_space<vmem>>, vector<1x16xf32>,
    %get3A_575 = vector.shape_cast %get3A_574 : vector<1x16xf32> to vector<16xf32>
    %get3A_576 = arith.constant 1840 : index
    %get3A_577 = tpu.vector_load %arg8[%get3A_576] {strides = array<i32>} : memref<2048xf32, #tpu.memory_space<vmem>>, vector<16xf32>,
    %get3A_578 = vector.shape_cast %get3A_577 : vector<16xf32> to vector<16xf32>
    %mul3A_579 = arith.mulf %get3A_575, %get3A_578 : vector<16xf32>
    %add3A_580 = arith.addf %add3A_570, %mul3A_579 : vector<16xf32>
    %swap3A_581 = arith.constant 48 : index
    %swap3A_582 = tpu.vector_load %arg9[%swap3A_581] {strides = array<i32>} : memref<256xf32, #tpu.memory_space<vmem>>, vector<16xf32>,
    %swap3A_583 = vector.shape_cast %swap3A_582 : vector<16xf32> to vector<16xf32>
    %swap3A_584 = vector.shape_cast %add3A_580 : vector<16xf32> to vector<16xf32>
    tpu.vector_store %arg9[%swap3A_581], %swap3A_584 {strides = array<i32>} : memref<256xf32, #tpu.memory_space<vmem>>, vector<16xf32>,
    %get3A_585 = arith.constant 0 : i32
    %get3A_586 = arith.index_cast %get3A_585 : i32 to index
    %get3A_587 = arith.constant 64 : index
    %get3A_588 = tpu.vector_load %arg7[%get3A_586, %get3A_587] {strides = array<i32>} : memref<8x256xf32, #tpu.memory_space<vmem>>, vector<1x16xf32>,
    %get3A_589 = vector.shape_cast %get3A_588 : vector<1x16xf32> to vector<16xf32>
    %get3A_590 = arith.constant 64 : index
    %get3A_591 = tpu.vector_load %arg8[%get3A_590] {strides = array<i32>} : memref<2048xf32, #tpu.memory_space<vmem>>, vector<16xf32>,
    %get3A_592 = vector.shape_cast %get3A_591 : vector<16xf32> to vector<16xf32>
    %mul3A_593 = arith.mulf %get3A_589, %get3A_592 : vector<16xf32>
    %get3A_594 = arith.constant 1 : i32
    %get3A_595 = arith.index_cast %get3A_594 : i32 to index
    %get3A_596 = arith.constant 64 : index
    %get3A_597 = tpu.vector_load %arg7[%get3A_595, %get3A_596] {strides = array<i32>} : memref<8x256xf32, #tpu.memory_space<vmem>>, vector<1x16xf32>,
    %get3A_598 = vector.shape_cast %get3A_597 : vector<1x16xf32> to vector<16xf32>
    %get3A_599 = arith.constant 320 : index
    %get3A_600 = tpu.vector_load %arg8[%get3A_599] {strides = array<i32>} : memref<2048xf32, #tpu.memory_space<vmem>>, vector<16xf32>,
    %get3A_601 = vector.shape_cast %get3A_600 : vector<16xf32> to vector<16xf32>
    %mul3A_602 = arith.mulf %get3A_598, %get3A_601 : vector<16xf32>
    %add3A_603 = arith.addf %mul3A_593, %mul3A_602 : vector<16xf32>
    %get3A_604 = arith.constant 2 : i32
    %get3A_605 = arith.index_cast %get3A_604 : i32 to index
    %get3A_606 = arith.constant 64 : index
    %get3A_607 = tpu.vector_load %arg7[%get3A_605, %get3A_606] {strides = array<i32>} : memref<8x256xf32, #tpu.memory_space<vmem>>, vector<1x16xf32>,
    %get3A_608 = vector.shape_cast %get3A_607 : vector<1x16xf32> to vector<16xf32>
    %get3A_609 = arith.constant 576 : index
    %get3A_610 = tpu.vector_load %arg8[%get3A_609] {strides = array<i32>} : memref<2048xf32, #tpu.memory_space<vmem>>, vector<16xf32>,
    %get3A_611 = vector.shape_cast %get3A_610 : vector<16xf32> to vector<16xf32>
    %mul3A_612 = arith.mulf %get3A_608, %get3A_611 : vector<16xf32>
    %add3A_613 = arith.addf %add3A_603, %mul3A_612 : vector<16xf32>
    %get3A_614 = arith.constant 3 : i32
    %get3A_615 = arith.index_cast %get3A_614 : i32 to index
    %get3A_616 = arith.constant 64 : index
    %get3A_617 = tpu.vector_load %arg7[%get3A_615, %get3A_616] {strides = array<i32>} : memref<8x256xf32, #tpu.memory_space<vmem>>, vector<1x16xf32>,
    %get3A_618 = vector.shape_cast %get3A_617 : vector<1x16xf32> to vector<16xf32>
    %get3A_619 = arith.constant 832 : index
    %get3A_620 = tpu.vector_load %arg8[%get3A_619] {strides = array<i32>} : memref<2048xf32, #tpu.memory_space<vmem>>, vector<16xf32>,
    %get3A_621 = vector.shape_cast %get3A_620 : vector<16xf32> to vector<16xf32>
    %mul3A_622 = arith.mulf %get3A_618, %get3A_621 : vector<16xf32>
    %add3A_623 = arith.addf %add3A_613, %mul3A_622 : vector<16xf32>
    %get3A_624 = arith.constant 4 : i32
    %get3A_625 = arith.index_cast %get3A_624 : i32 to index
    %get3A_626 = arith.constant 64 : index
    %get3A_627 = tpu.vector_load %arg7[%get3A_625, %get3A_626] {strides = array<i32>} : memref<8x256xf32, #tpu.memory_space<vmem>>, vector<1x16xf32>,
    %get3A_628 = vector.shape_cast %get3A_627 : vector<1x16xf32> to vector<16xf32>
    %get3A_629 = arith.constant 1088 : index
    %get3A_630 = tpu.vector_load %arg8[%get3A_629] {strides = array<i32>} : memref<2048xf32, #tpu.memory_space<vmem>>, vector<16xf32>,
    %get3A_631 = vector.shape_cast %get3A_630 : vector<16xf32> to vector<16xf32>
    %mul3A_632 = arith.mulf %get3A_628, %get3A_631 : vector<16xf32>
    %add3A_633 = arith.addf %add3A_623, %mul3A_632 : vector<16xf32>
    %get3A_634 = arith.constant 5 : i32
    %get3A_635 = arith.index_cast %get3A_634 : i32 to index
    %get3A_636 = arith.constant 64 : index
    %get3A_637 = tpu.vector_load %arg7[%get3A_635, %get3A_636] {strides = array<i32>} : memref<8x256xf32, #tpu.memory_space<vmem>>, vector<1x16xf32>,
    %get3A_638 = vector.shape_cast %get3A_637 : vector<1x16xf32> to vector<16xf32>
    %get3A_639 = arith.constant 1344 : index
    %get3A_640 = tpu.vector_load %arg8[%get3A_639] {strides = array<i32>} : memref<2048xf32, #tpu.memory_space<vmem>>, vector<16xf32>,
    %get3A_641 = vector.shape_cast %get3A_640 : vector<16xf32> to vector<16xf32>
    %mul3A_642 = arith.mulf %get3A_638, %get3A_641 : vector<16xf32>
    %add3A_643 = arith.addf %add3A_633, %mul3A_642 : vector<16xf32>
    %get3A_644 = arith.constant 6 : i32
    %get3A_645 = arith.index_cast %get3A_644 : i32 to index
    %get3A_646 = arith.constant 64 : index
    %get3A_647 = tpu.vector_load %arg7[%get3A_645, %get3A_646] {strides = array<i32>} : memref<8x256xf32, #tpu.memory_space<vmem>>, vector<1x16xf32>,
    %get3A_648 = vector.shape_cast %get3A_647 : vector<1x16xf32> to vector<16xf32>
    %get3A_649 = arith.constant 1600 : index
    %get3A_650 = tpu.vector_load %arg8[%get3A_649] {strides = array<i32>} : memref<2048xf32, #tpu.memory_space<vmem>>, vector<16xf32>,
    %get3A_651 = vector.shape_cast %get3A_650 : vector<16xf32> to vector<16xf32>
    %mul3A_652 = arith.mulf %get3A_648, %get3A_651 : vector<16xf32>
    %add3A_653 = arith.addf %add3A_643, %mul3A_652 : vector<16xf32>
    %get3A_654 = arith.constant 7 : i32
    %get3A_655 = arith.index_cast %get3A_654 : i32 to index
    %get3A_656 = arith.constant 64 : index
    %get3A_657 = tpu.vector_load %arg7[%get3A_655, %get3A_656] {strides = array<i32>} : memref<8x256xf32, #tpu.memory_space<vmem>>, vector<1x16xf32>,
    %get3A_658 = vector.shape_cast %get3A_657 : vector<1x16xf32> to vector<16xf32>
    %get3A_659 = arith.constant 1856 : index
    %get3A_660 = tpu.vector_load %arg8[%get3A_659] {strides = array<i32>} : memref<2048xf32, #tpu.memory_space<vmem>>, vector<16xf32>,
    %get3A_661 = vector.shape_cast %get3A_660 : vector<16xf32> to vector<16xf32>
    %mul3A_662 = arith.mulf %get3A_658, %get3A_661 : vector<16xf32>
    %add3A_663 = arith.addf %add3A_653, %mul3A_662 : vector<16xf32>
    %swap3A_664 = arith.constant 64 : index
    %swap3A_665 = tpu.vector_load %arg9[%swap3A_664] {strides = array<i32>} : memref<256xf32, #tpu.memory_space<vmem>>, vector<16xf32>,
    %swap3A_666 = vector.shape_cast %swap3A_665 : vector<16xf32> to vector<16xf32>
    %swap3A_667 = vector.shape_cast %add3A_663 : vector<16xf32> to vector<16xf32>
    tpu.vector_store %arg9[%swap3A_664], %swap3A_667 {strides = array<i32>} : memref<256xf32, #tpu.memory_space<vmem>>, vector<16xf32>,
    %get3A_668 = arith.constant 0 : i32
    %get3A_669 = arith.index_cast %get3A_668 : i32 to index
    %get3A_670 = arith.constant 80 : index
    %get3A_671 = tpu.vector_load %arg7[%get3A_669, %get3A_670] {strides = array<i32>} : memref<8x256xf32, #tpu.memory_space<vmem>>, vector<1x16xf32>,
    %get3A_672 = vector.shape_cast %get3A_671 : vector<1x16xf32> to vector<16xf32>
    %get3A_673 = arith.constant 80 : index
    %get3A_674 = tpu.vector_load %arg8[%get3A_673] {strides = array<i32>} : memref<2048xf32, #tpu.memory_space<vmem>>, vector<16xf32>,
    %get3A_675 = vector.shape_cast %get3A_674 : vector<16xf32> to vector<16xf32>
    %mul3A_676 = arith.mulf %get3A_672, %get3A_675 : vector<16xf32>
    %get3A_677 = arith.constant 1 : i32
    %get3A_678 = arith.index_cast %get3A_677 : i32 to index
    %get3A_679 = arith.constant 80 : index
    %get3A_680 = tpu.vector_load %arg7[%get3A_678, %get3A_679] {strides = array<i32>} : memref<8x256xf32, #tpu.memory_space<vmem>>, vector<1x16xf32>,
    %get3A_681 = vector.shape_cast %get3A_680 : vector<1x16xf32> to vector<16xf32>
    %get3A_682 = arith.constant 336 : index
    %get3A_683 = tpu.vector_load %arg8[%get3A_682] {strides = array<i32>} : memref<2048xf32, #tpu.memory_space<vmem>>, vector<16xf32>,
    %get3A_684 = vector.shape_cast %get3A_683 : vector<16xf32> to vector<16xf32>
    %mul3A_685 = arith.mulf %get3A_681, %get3A_684 : vector<16xf32>
    %add3A_686 = arith.addf %mul3A_676, %mul3A_685 : vector<16xf32>
    %get3A_687 = arith.constant 2 : i32
    %get3A_688 = arith.index_cast %get3A_687 : i32 to index
    %get3A_689 = arith.constant 80 : index
    %get3A_690 = tpu.vector_load %arg7[%get3A_688, %get3A_689] {strides = array<i32>} : memref<8x256xf32, #tpu.memory_space<vmem>>, vector<1x16xf32>,
    %get3A_691 = vector.shape_cast %get3A_690 : vector<1x16xf32> to vector<16xf32>
    %get3A_692 = arith.constant 592 : index
    %get3A_693 = tpu.vector_load %arg8[%get3A_692] {strides = array<i32>} : memref<2048xf32, #tpu.memory_space<vmem>>, vector<16xf32>,
    %get3A_694 = vector.shape_cast %get3A_693 : vector<16xf32> to vector<16xf32>
    %mul3A_695 = arith.mulf %get3A_691, %get3A_694 : vector<16xf32>
    %add3A_696 = arith.addf %add3A_686, %mul3A_695 : vector<16xf32>
    %get3A_697 = arith.constant 3 : i32
    %get3A_698 = arith.index_cast %get3A_697 : i32 to index
    %get3A_699 = arith.constant 80 : index
    %get3A_700 = tpu.vector_load %arg7[%get3A_698, %get3A_699] {strides = array<i32>} : memref<8x256xf32, #tpu.memory_space<vmem>>, vector<1x16xf32>,
    %get3A_701 = vector.shape_cast %get3A_700 : vector<1x16xf32> to vector<16xf32>
    %get3A_702 = arith.constant 848 : index
    %get3A_703 = tpu.vector_load %arg8[%get3A_702] {strides = array<i32>} : memref<2048xf32, #tpu.memory_space<vmem>>, vector<16xf32>,
    %get3A_704 = vector.shape_cast %get3A_703 : vector<16xf32> to vector<16xf32>
    %mul3A_705 = arith.mulf %get3A_701, %get3A_704 : vector<16xf32>
    %add3A_706 = arith.addf %add3A_696, %mul3A_705 : vector<16xf32>
    %get3A_707 = arith.constant 4 : i32
    %get3A_708 = arith.index_cast %get3A_707 : i32 to index
    %get3A_709 = arith.constant 80 : index
    %get3A_710 = tpu.vector_load %arg7[%get3A_708, %get3A_709] {strides = array<i32>} : memref<8x256xf32, #tpu.memory_space<vmem>>, vector<1x16xf32>,
    %get3A_711 = vector.shape_cast %get3A_710 : vector<1x16xf32> to vector<16xf32>
    %get3A_712 = arith.constant 1104 : index
    %get3A_713 = tpu.vector_load %arg8[%get3A_712] {strides = array<i32>} : memref<2048xf32, #tpu.memory_space<vmem>>, vector<16xf32>,
    %get3A_714 = vector.shape_cast %get3A_713 : vector<16xf32> to vector<16xf32>
    %mul3A_715 = arith.mulf %get3A_711, %get3A_714 : vector<16xf32>
    %add3A_716 = arith.addf %add3A_706, %mul3A_715 : vector<16xf32>
    %get3A_717 = arith.constant 5 : i32
    %get3A_718 = arith.index_cast %get3A_717 : i32 to index
    %get3A_719 = arith.constant 80 : index
    %get3A_720 = tpu.vector_load %arg7[%get3A_718, %get3A_719] {strides = array<i32>} : memref<8x256xf32, #tpu.memory_space<vmem>>, vector<1x16xf32>,
    %get3A_721 = vector.shape_cast %get3A_720 : vector<1x16xf32> to vector<16xf32>
    %get3A_722 = arith.constant 1360 : index
    %get3A_723 = tpu.vector_load %arg8[%get3A_722] {strides = array<i32>} : memref<2048xf32, #tpu.memory_space<vmem>>, vector<16xf32>,
    %get3A_724 = vector.shape_cast %get3A_723 : vector<16xf32> to vector<16xf32>
    %mul3A_725 = arith.mulf %get3A_721, %get3A_724 : vector<16xf32>
    %add3A_726 = arith.addf %add3A_716, %mul3A_725 : vector<16xf32>
    %get3A_727 = arith.constant 6 : i32
    %get3A_728 = arith.index_cast %get3A_727 : i32 to index
    %get3A_729 = arith.constant 80 : index
    %get3A_730 = tpu.vector_load %arg7[%get3A_728, %get3A_729] {strides = array<i32>} : memref<8x256xf32, #tpu.memory_space<vmem>>, vector<1x16xf32>,
    %get3A_731 = vector.shape_cast %get3A_730 : vector<1x16xf32> to vector<16xf32>
    %get3A_732 = arith.constant 1616 : index
    %get3A_733 = tpu.vector_load %arg8[%get3A_732] {strides = array<i32>} : memref<2048xf32, #tpu.memory_space<vmem>>, vector<16xf32>,
    %get3A_734 = vector.shape_cast %get3A_733 : vector<16xf32> to vector<16xf32>
    %mul3A_735 = arith.mulf %get3A_731, %get3A_734 : vector<16xf32>
    %add3A_736 = arith.addf %add3A_726, %mul3A_735 : vector<16xf32>
    %get3A_737 = arith.constant 7 : i32
    %get3A_738 = arith.index_cast %get3A_737 : i32 to index
    %get3A_739 = arith.constant 80 : index
    %get3A_740 = tpu.vector_load %arg7[%get3A_738, %get3A_739] {strides = array<i32>} : memref<8x256xf32, #tpu.memory_space<vmem>>, vector<1x16xf32>,
    %get3A_741 = vector.shape_cast %get3A_740 : vector<1x16xf32> to vector<16xf32>
    %get3A_742 = arith.constant 1872 : index
    %get3A_743 = tpu.vector_load %arg8[%get3A_742] {strides = array<i32>} : memref<2048xf32, #tpu.memory_space<vmem>>, vector<16xf32>,
    %get3A_744 = vector.shape_cast %get3A_743 : vector<16xf32> to vector<16xf32>
    %mul3A_745 = arith.mulf %get3A_741, %get3A_744 : vector<16xf32>
    %add3A_746 = arith.addf %add3A_736, %mul3A_745 : vector<16xf32>
    %swap3A_747 = arith.constant 80 : index
    %swap3A_748 = tpu.vector_load %arg9[%swap3A_747] {strides = array<i32>} : memref<256xf32, #tpu.memory_space<vmem>>, vector<16xf32>,
    %swap3A_749 = vector.shape_cast %swap3A_748 : vector<16xf32> to vector<16xf32>
    %swap3A_750 = vector.shape_cast %add3A_746 : vector<16xf32> to vector<16xf32>
    tpu.vector_store %arg9[%swap3A_747], %swap3A_750 {strides = array<i32>} : memref<256xf32, #tpu.memory_space<vmem>>, vector<16xf32>,
    %get3A_751 = arith.constant 0 : i32
    %get3A_752 = arith.index_cast %get3A_751 : i32 to index
    %get3A_753 = arith.constant 96 : index
    %get3A_754 = tpu.vector_load %arg7[%get3A_752, %get3A_753] {strides = array<i32>} : memref<8x256xf32, #tpu.memory_space<vmem>>, vector<1x16xf32>,
    %get3A_755 = vector.shape_cast %get3A_754 : vector<1x16xf32> to vector<16xf32>
    %get3A_756 = arith.constant 96 : index
    %get3A_757 = tpu.vector_load %arg8[%get3A_756] {strides = array<i32>} : memref<2048xf32, #tpu.memory_space<vmem>>, vector<16xf32>,
    %get3A_758 = vector.shape_cast %get3A_757 : vector<16xf32> to vector<16xf32>
    %mul3A_759 = arith.mulf %get3A_755, %get3A_758 : vector<16xf32>
    %get3A_760 = arith.constant 1 : i32
    %get3A_761 = arith.index_cast %get3A_760 : i32 to index
    %get3A_762 = arith.constant 96 : index
    %get3A_763 = tpu.vector_load %arg7[%get3A_761, %get3A_762] {strides = array<i32>} : memref<8x256xf32, #tpu.memory_space<vmem>>, vector<1x16xf32>,
    %get3A_764 = vector.shape_cast %get3A_763 : vector<1x16xf32> to vector<16xf32>
    %get3A_765 = arith.constant 352 : index
    %get3A_766 = tpu.vector_load %arg8[%get3A_765] {strides = array<i32>} : memref<2048xf32, #tpu.memory_space<vmem>>, vector<16xf32>,
    %get3A_767 = vector.shape_cast %get3A_766 : vector<16xf32> to vector<16xf32>
    %mul3A_768 = arith.mulf %get3A_764, %get3A_767 : vector<16xf32>
    %add3A_769 = arith.addf %mul3A_759, %mul3A_768 : vector<16xf32>
    %get3A_770 = arith.constant 2 : i32
    %get3A_771 = arith.index_cast %get3A_770 : i32 to index
    %get3A_772 = arith.constant 96 : index
    %get3A_773 = tpu.vector_load %arg7[%get3A_771, %get3A_772] {strides = array<i32>} : memref<8x256xf32, #tpu.memory_space<vmem>>, vector<1x16xf32>,
    %get3A_774 = vector.shape_cast %get3A_773 : vector<1x16xf32> to vector<16xf32>
    %get3A_775 = arith.constant 608 : index
    %get3A_776 = tpu.vector_load %arg8[%get3A_775] {strides = array<i32>} : memref<2048xf32, #tpu.memory_space<vmem>>, vector<16xf32>,
    %get3A_777 = vector.shape_cast %get3A_776 : vector<16xf32> to vector<16xf32>
    %mul3A_778 = arith.mulf %get3A_774, %get3A_777 : vector<16xf32>
    %add3A_779 = arith.addf %add3A_769, %mul3A_778 : vector<16xf32>
    %get3A_780 = arith.constant 3 : i32
    %get3A_781 = arith.index_cast %get3A_780 : i32 to index
    %get3A_782 = arith.constant 96 : index
    %get3A_783 = tpu.vector_load %arg7[%get3A_781, %get3A_782] {strides = array<i32>} : memref<8x256xf32, #tpu.memory_space<vmem>>, vector<1x16xf32>,
    %get3A_784 = vector.shape_cast %get3A_783 : vector<1x16xf32> to vector<16xf32>
    %get3A_785 = arith.constant 864 : index
    %get3A_786 = tpu.vector_load %arg8[%get3A_785] {strides = array<i32>} : memref<2048xf32, #tpu.memory_space<vmem>>, vector<16xf32>,
    %get3A_787 = vector.shape_cast %get3A_786 : vector<16xf32> to vector<16xf32>
    %mul3A_788 = arith.mulf %get3A_784, %get3A_787 : vector<16xf32>
    %add3A_789 = arith.addf %add3A_779, %mul3A_788 : vector<16xf32>
    %get3A_790 = arith.constant 4 : i32
    %get3A_791 = arith.index_cast %get3A_790 : i32 to index
    %get3A_792 = arith.constant 96 : index
    %get3A_793 = tpu.vector_load %arg7[%get3A_791, %get3A_792] {strides = array<i32>} : memref<8x256xf32, #tpu.memory_space<vmem>>, vector<1x16xf32>,
    %get3A_794 = vector.shape_cast %get3A_793 : vector<1x16xf32> to vector<16xf32>
    %get3A_795 = arith.constant 1120 : index
    %get3A_796 = tpu.vector_load %arg8[%get3A_795] {strides = array<i32>} : memref<2048xf32, #tpu.memory_space<vmem>>, vector<16xf32>,
    %get3A_797 = vector.shape_cast %get3A_796 : vector<16xf32> to vector<16xf32>
    %mul3A_798 = arith.mulf %get3A_794, %get3A_797 : vector<16xf32>
    %add3A_799 = arith.addf %add3A_789, %mul3A_798 : vector<16xf32>
    %get3A_800 = arith.constant 5 : i32
    %get3A_801 = arith.index_cast %get3A_800 : i32 to index
    %get3A_802 = arith.constant 96 : index
    %get3A_803 = tpu.vector_load %arg7[%get3A_801, %get3A_802] {strides = array<i32>} : memref<8x256xf32, #tpu.memory_space<vmem>>, vector<1x16xf32>,
    %get3A_804 = vector.shape_cast %get3A_803 : vector<1x16xf32> to vector<16xf32>
    %get3A_805 = arith.constant 1376 : index
    %get3A_806 = tpu.vector_load %arg8[%get3A_805] {strides = array<i32>} : memref<2048xf32, #tpu.memory_space<vmem>>, vector<16xf32>,
    %get3A_807 = vector.shape_cast %get3A_806 : vector<16xf32> to vector<16xf32>
    %mul3A_808 = arith.mulf %get3A_804, %get3A_807 : vector<16xf32>
    %add3A_809 = arith.addf %add3A_799, %mul3A_808 : vector<16xf32>
    %get3A_810 = arith.constant 6 : i32
    %get3A_811 = arith.index_cast %get3A_810 : i32 to index
    %get3A_812 = arith.constant 96 : index
    %get3A_813 = tpu.vector_load %arg7[%get3A_811, %get3A_812] {strides = array<i32>} : memref<8x256xf32, #tpu.memory_space<vmem>>, vector<1x16xf32>,
    %get3A_814 = vector.shape_cast %get3A_813 : vector<1x16xf32> to vector<16xf32>
    %get3A_815 = arith.constant 1632 : index
    %get3A_816 = tpu.vector_load %arg8[%get3A_815] {strides = array<i32>} : memref<2048xf32, #tpu.memory_space<vmem>>, vector<16xf32>,
    %get3A_817 = vector.shape_cast %get3A_816 : vector<16xf32> to vector<16xf32>
    %mul3A_818 = arith.mulf %get3A_814, %get3A_817 : vector<16xf32>
    %add3A_819 = arith.addf %add3A_809, %mul3A_818 : vector<16xf32>
    %get3A_820 = arith.constant 7 : i32
    %get3A_821 = arith.index_cast %get3A_820 : i32 to index
    %get3A_822 = arith.constant 96 : index
    %get3A_823 = tpu.vector_load %arg7[%get3A_821, %get3A_822] {strides = array<i32>} : memref<8x256xf32, #tpu.memory_space<vmem>>, vector<1x16xf32>,
    %get3A_824 = vector.shape_cast %get3A_823 : vector<1x16xf32> to vector<16xf32>
    %get3A_825 = arith.constant 1888 : index
    %get3A_826 = tpu.vector_load %arg8[%get3A_825] {strides = array<i32>} : memref<2048xf32, #tpu.memory_space<vmem>>, vector<16xf32>,
    %get3A_827 = vector.shape_cast %get3A_826 : vector<16xf32> to vector<16xf32>
    %mul3A_828 = arith.mulf %get3A_824, %get3A_827 : vector<16xf32>
    %add3A_829 = arith.addf %add3A_819, %mul3A_828 : vector<16xf32>
    %swap3A_830 = arith.constant 96 : index
    %swap3A_831 = tpu.vector_load %arg9[%swap3A_830] {strides = array<i32>} : memref<256xf32, #tpu.memory_space<vmem>>, vector<16xf32>,
    %swap3A_832 = vector.shape_cast %swap3A_831 : vector<16xf32> to vector<16xf32>
    %swap3A_833 = vector.shape_cast %add3A_829 : vector<16xf32> to vector<16xf32>
    tpu.vector_store %arg9[%swap3A_830], %swap3A_833 {strides = array<i32>} : memref<256xf32, #tpu.memory_space<vmem>>, vector<16xf32>,
    %get3A_834 = arith.constant 0 : i32
    %get3A_835 = arith.index_cast %get3A_834 : i32 to index
    %get3A_836 = arith.constant 112 : index
    %get3A_837 = tpu.vector_load %arg7[%get3A_835, %get3A_836] {strides = array<i32>} : memref<8x256xf32, #tpu.memory_space<vmem>>, vector<1x16xf32>,
    %get3A_838 = vector.shape_cast %get3A_837 : vector<1x16xf32> to vector<16xf32>
    %get3A_839 = arith.constant 112 : index
    %get3A_840 = tpu.vector_load %arg8[%get3A_839] {strides = array<i32>} : memref<2048xf32, #tpu.memory_space<vmem>>, vector<16xf32>,
    %get3A_841 = vector.shape_cast %get3A_840 : vector<16xf32> to vector<16xf32>
    %mul3A_842 = arith.mulf %get3A_838, %get3A_841 : vector<16xf32>
    %get3A_843 = arith.constant 1 : i32
    %get3A_844 = arith.index_cast %get3A_843 : i32 to index
    %get3A_845 = arith.constant 112 : index
    %get3A_846 = tpu.vector_load %arg7[%get3A_844, %get3A_845] {strides = array<i32>} : memref<8x256xf32, #tpu.memory_space<vmem>>, vector<1x16xf32>,
    %get3A_847 = vector.shape_cast %get3A_846 : vector<1x16xf32> to vector<16xf32>
    %get3A_848 = arith.constant 368 : index
    %get3A_849 = tpu.vector_load %arg8[%get3A_848] {strides = array<i32>} : memref<2048xf32, #tpu.memory_space<vmem>>, vector<16xf32>,
    %get3A_850 = vector.shape_cast %get3A_849 : vector<16xf32> to vector<16xf32>
    %mul3A_851 = arith.mulf %get3A_847, %get3A_850 : vector<16xf32>
    %add3A_852 = arith.addf %mul3A_842, %mul3A_851 : vector<16xf32>
    %get3A_853 = arith.constant 2 : i32
    %get3A_854 = arith.index_cast %get3A_853 : i32 to index
    %get3A_855 = arith.constant 112 : index
    %get3A_856 = tpu.vector_load %arg7[%get3A_854, %get3A_855] {strides = array<i32>} : memref<8x256xf32, #tpu.memory_space<vmem>>, vector<1x16xf32>,
    %get3A_857 = vector.shape_cast %get3A_856 : vector<1x16xf32> to vector<16xf32>
    %get3A_858 = arith.constant 624 : index
    %get3A_859 = tpu.vector_load %arg8[%get3A_858] {strides = array<i32>} : memref<2048xf32, #tpu.memory_space<vmem>>, vector<16xf32>,
    %get3A_860 = vector.shape_cast %get3A_859 : vector<16xf32> to vector<16xf32>
    %mul3A_861 = arith.mulf %get3A_857, %get3A_860 : vector<16xf32>
    %add3A_862 = arith.addf %add3A_852, %mul3A_861 : vector<16xf32>
    %get3A_863 = arith.constant 3 : i32
    %get3A_864 = arith.index_cast %get3A_863 : i32 to index
    %get3A_865 = arith.constant 112 : index
    %get3A_866 = tpu.vector_load %arg7[%get3A_864, %get3A_865] {strides = array<i32>} : memref<8x256xf32, #tpu.memory_space<vmem>>, vector<1x16xf32>,
    %get3A_867 = vector.shape_cast %get3A_866 : vector<1x16xf32> to vector<16xf32>
    %get3A_868 = arith.constant 880 : index
    %get3A_869 = tpu.vector_load %arg8[%get3A_868] {strides = array<i32>} : memref<2048xf32, #tpu.memory_space<vmem>>, vector<16xf32>,
    %get3A_870 = vector.shape_cast %get3A_869 : vector<16xf32> to vector<16xf32>
    %mul3A_871 = arith.mulf %get3A_867, %get3A_870 : vector<16xf32>
    %add3A_872 = arith.addf %add3A_862, %mul3A_871 : vector<16xf32>
    %get3A_873 = arith.constant 4 : i32
    %get3A_874 = arith.index_cast %get3A_873 : i32 to index
    %get3A_875 = arith.constant 112 : index
    %get3A_876 = tpu.vector_load %arg7[%get3A_874, %get3A_875] {strides = array<i32>} : memref<8x256xf32, #tpu.memory_space<vmem>>, vector<1x16xf32>,
    %get3A_877 = vector.shape_cast %get3A_876 : vector<1x16xf32> to vector<16xf32>
    %get3A_878 = arith.constant 1136 : index
    %get3A_879 = tpu.vector_load %arg8[%get3A_878] {strides = array<i32>} : memref<2048xf32, #tpu.memory_space<vmem>>, vector<16xf32>,
    %get3A_880 = vector.shape_cast %get3A_879 : vector<16xf32> to vector<16xf32>
    %mul3A_881 = arith.mulf %get3A_877, %get3A_880 : vector<16xf32>
    %add3A_882 = arith.addf %add3A_872, %mul3A_881 : vector<16xf32>
    %get3A_883 = arith.constant 5 : i32
    %get3A_884 = arith.index_cast %get3A_883 : i32 to index
    %get3A_885 = arith.constant 112 : index
    %get3A_886 = tpu.vector_load %arg7[%get3A_884, %get3A_885] {strides = array<i32>} : memref<8x256xf32, #tpu.memory_space<vmem>>, vector<1x16xf32>,
    %get3A_887 = vector.shape_cast %get3A_886 : vector<1x16xf32> to vector<16xf32>
    %get3A_888 = arith.constant 1392 : index
    %get3A_889 = tpu.vector_load %arg8[%get3A_888] {strides = array<i32>} : memref<2048xf32, #tpu.memory_space<vmem>>, vector<16xf32>,
    %get3A_890 = vector.shape_cast %get3A_889 : vector<16xf32> to vector<16xf32>
    %mul3A_891 = arith.mulf %get3A_887, %get3A_890 : vector<16xf32>
    %add3A_892 = arith.addf %add3A_882, %mul3A_891 : vector<16xf32>
    %get3A_893 = arith.constant 6 : i32
    %get3A_894 = arith.index_cast %get3A_893 : i32 to index
    %get3A_895 = arith.constant 112 : index
    %get3A_896 = tpu.vector_load %arg7[%get3A_894, %get3A_895] {strides = array<i32>} : memref<8x256xf32, #tpu.memory_space<vmem>>, vector<1x16xf32>,
    %get3A_897 = vector.shape_cast %get3A_896 : vector<1x16xf32> to vector<16xf32>
    %get3A_898 = arith.constant 1648 : index
    %get3A_899 = tpu.vector_load %arg8[%get3A_898] {strides = array<i32>} : memref<2048xf32, #tpu.memory_space<vmem>>, vector<16xf32>,
    %get3A_900 = vector.shape_cast %get3A_899 : vector<16xf32> to vector<16xf32>
    %mul3A_901 = arith.mulf %get3A_897, %get3A_900 : vector<16xf32>
    %add3A_902 = arith.addf %add3A_892, %mul3A_901 : vector<16xf32>
    %get3A_903 = arith.constant 7 : i32
    %get3A_904 = arith.index_cast %get3A_903 : i32 to index
    %get3A_905 = arith.constant 112 : index
    %get3A_906 = tpu.vector_load %arg7[%get3A_904, %get3A_905] {strides = array<i32>} : memref<8x256xf32, #tpu.memory_space<vmem>>, vector<1x16xf32>,
    %get3A_907 = vector.shape_cast %get3A_906 : vector<1x16xf32> to vector<16xf32>
    %get3A_908 = arith.constant 1904 : index
    %get3A_909 = tpu.vector_load %arg8[%get3A_908] {strides = array<i32>} : memref<2048xf32, #tpu.memory_space<vmem>>, vector<16xf32>,
    %get3A_910 = vector.shape_cast %get3A_909 : vector<16xf32> to vector<16xf32>
    %mul3A_911 = arith.mulf %get3A_907, %get3A_910 : vector<16xf32>
    %add3A_912 = arith.addf %add3A_902, %mul3A_911 : vector<16xf32>
    %swap3A_913 = arith.constant 112 : index
    %swap3A_914 = tpu.vector_load %arg9[%swap3A_913] {strides = array<i32>} : memref<256xf32, #tpu.memory_space<vmem>>, vector<16xf32>,
    %swap3A_915 = vector.shape_cast %swap3A_914 : vector<16xf32> to vector<16xf32>
    %swap3A_916 = vector.shape_cast %add3A_912 : vector<16xf32> to vector<16xf32>
    tpu.vector_store %arg9[%swap3A_913], %swap3A_916 {strides = array<i32>} : memref<256xf32, #tpu.memory_space<vmem>>, vector<16xf32>,
    %get3A_917 = arith.constant 0 : i32
    %get3A_918 = arith.index_cast %get3A_917 : i32 to index
    %get3A_919 = arith.constant 128 : index
    %get3A_920 = tpu.vector_load %arg7[%get3A_918, %get3A_919] {strides = array<i32>} : memref<8x256xf32, #tpu.memory_space<vmem>>, vector<1x16xf32>,
    %get3A_921 = vector.shape_cast %get3A_920 : vector<1x16xf32> to vector<16xf32>
    %get3A_922 = arith.constant 128 : index
    %get3A_923 = tpu.vector_load %arg8[%get3A_922] {strides = array<i32>} : memref<2048xf32, #tpu.memory_space<vmem>>, vector<16xf32>,
    %get3A_924 = vector.shape_cast %get3A_923 : vector<16xf32> to vector<16xf32>
    %mul3A_925 = arith.mulf %get3A_921, %get3A_924 : vector<16xf32>
    %get3A_926 = arith.constant 1 : i32
    %get3A_927 = arith.index_cast %get3A_926 : i32 to index
    %get3A_928 = arith.constant 128 : index
    %get3A_929 = tpu.vector_load %arg7[%get3A_927, %get3A_928] {strides = array<i32>} : memref<8x256xf32, #tpu.memory_space<vmem>>, vector<1x16xf32>,
    %get3A_930 = vector.shape_cast %get3A_929 : vector<1x16xf32> to vector<16xf32>
    %get3A_931 = arith.constant 384 : index
    %get3A_932 = tpu.vector_load %arg8[%get3A_931] {strides = array<i32>} : memref<2048xf32, #tpu.memory_space<vmem>>, vector<16xf32>,
    %get3A_933 = vector.shape_cast %get3A_932 : vector<16xf32> to vector<16xf32>
    %mul3A_934 = arith.mulf %get3A_930, %get3A_933 : vector<16xf32>
    %add3A_935 = arith.addf %mul3A_925, %mul3A_934 : vector<16xf32>
    %get3A_936 = arith.constant 2 : i32
    %get3A_937 = arith.index_cast %get3A_936 : i32 to index
    %get3A_938 = arith.constant 128 : index
    %get3A_939 = tpu.vector_load %arg7[%get3A_937, %get3A_938] {strides = array<i32>} : memref<8x256xf32, #tpu.memory_space<vmem>>, vector<1x16xf32>,
    %get3A_940 = vector.shape_cast %get3A_939 : vector<1x16xf32> to vector<16xf32>
    %get3A_941 = arith.constant 640 : index
    %get3A_942 = tpu.vector_load %arg8[%get3A_941] {strides = array<i32>} : memref<2048xf32, #tpu.memory_space<vmem>>, vector<16xf32>,
    %get3A_943 = vector.shape_cast %get3A_942 : vector<16xf32> to vector<16xf32>
    %mul3A_944 = arith.mulf %get3A_940, %get3A_943 : vector<16xf32>
    %add3A_945 = arith.addf %add3A_935, %mul3A_944 : vector<16xf32>
    %get3A_946 = arith.constant 3 : i32
    %get3A_947 = arith.index_cast %get3A_946 : i32 to index
    %get3A_948 = arith.constant 128 : index
    %get3A_949 = tpu.vector_load %arg7[%get3A_947, %get3A_948] {strides = array<i32>} : memref<8x256xf32, #tpu.memory_space<vmem>>, vector<1x16xf32>,
    %get3A_950 = vector.shape_cast %get3A_949 : vector<1x16xf32> to vector<16xf32>
    %get3A_951 = arith.constant 896 : index
    %get3A_952 = tpu.vector_load %arg8[%get3A_951] {strides = array<i32>} : memref<2048xf32, #tpu.memory_space<vmem>>, vector<16xf32>,
    %get3A_953 = vector.shape_cast %get3A_952 : vector<16xf32> to vector<16xf32>
    %mul3A_954 = arith.mulf %get3A_950, %get3A_953 : vector<16xf32>
    %add3A_955 = arith.addf %add3A_945, %mul3A_954 : vector<16xf32>
    %get3A_956 = arith.constant 4 : i32
    %get3A_957 = arith.index_cast %get3A_956 : i32 to index
    %get3A_958 = arith.constant 128 : index
    %get3A_959 = tpu.vector_load %arg7[%get3A_957, %get3A_958] {strides = array<i32>} : memref<8x256xf32, #tpu.memory_space<vmem>>, vector<1x16xf32>,
    %get3A_960 = vector.shape_cast %get3A_959 : vector<1x16xf32> to vector<16xf32>
    %get3A_961 = arith.constant 1152 : index
    %get3A_962 = tpu.vector_load %arg8[%get3A_961] {strides = array<i32>} : memref<2048xf32, #tpu.memory_space<vmem>>, vector<16xf32>,
    %get3A_963 = vector.shape_cast %get3A_962 : vector<16xf32> to vector<16xf32>
    %mul3A_964 = arith.mulf %get3A_960, %get3A_963 : vector<16xf32>
    %add3A_965 = arith.addf %add3A_955, %mul3A_964 : vector<16xf32>
    %get3A_966 = arith.constant 5 : i32
    %get3A_967 = arith.index_cast %get3A_966 : i32 to index
    %get3A_968 = arith.constant 128 : index
    %get3A_969 = tpu.vector_load %arg7[%get3A_967, %get3A_968] {strides = array<i32>} : memref<8x256xf32, #tpu.memory_space<vmem>>, vector<1x16xf32>,
    %get3A_970 = vector.shape_cast %get3A_969 : vector<1x16xf32> to vector<16xf32>
    %get3A_971 = arith.constant 1408 : index
    %get3A_972 = tpu.vector_load %arg8[%get3A_971] {strides = array<i32>} : memref<2048xf32, #tpu.memory_space<vmem>>, vector<16xf32>,
    %get3A_973 = vector.shape_cast %get3A_972 : vector<16xf32> to vector<16xf32>
    %mul3A_974 = arith.mulf %get3A_970, %get3A_973 : vector<16xf32>
    %add3A_975 = arith.addf %add3A_965, %mul3A_974 : vector<16xf32>
    %get3A_976 = arith.constant 6 : i32
    %get3A_977 = arith.index_cast %get3A_976 : i32 to index
    %get3A_978 = arith.constant 128 : index
    %get3A_979 = tpu.vector_load %arg7[%get3A_977, %get3A_978] {strides = array<i32>} : memref<8x256xf32, #tpu.memory_space<vmem>>, vector<1x16xf32>,
    %get3A_980 = vector.shape_cast %get3A_979 : vector<1x16xf32> to vector<16xf32>
    %get3A_981 = arith.constant 1664 : index
    %get3A_982 = tpu.vector_load %arg8[%get3A_981] {strides = array<i32>} : memref<2048xf32, #tpu.memory_space<vmem>>, vector<16xf32>,
    %get3A_983 = vector.shape_cast %get3A_982 : vector<16xf32> to vector<16xf32>
    %mul3A_984 = arith.mulf %get3A_980, %get3A_983 : vector<16xf32>
    %add3A_985 = arith.addf %add3A_975, %mul3A_984 : vector<16xf32>
    %get3A_986 = arith.constant 7 : i32
    %get3A_987 = arith.index_cast %get3A_986 : i32 to index
    %get3A_988 = arith.constant 128 : index
    %get3A_989 = tpu.vector_load %arg7[%get3A_987, %get3A_988] {strides = array<i32>} : memref<8x256xf32, #tpu.memory_space<vmem>>, vector<1x16xf32>,
    %get3A_990 = vector.shape_cast %get3A_989 : vector<1x16xf32> to vector<16xf32>
    %get3A_991 = arith.constant 1920 : index
    %get3A_992 = tpu.vector_load %arg8[%get3A_991] {strides = array<i32>} : memref<2048xf32, #tpu.memory_space<vmem>>, vector<16xf32>,
    %get3A_993 = vector.shape_cast %get3A_992 : vector<16xf32> to vector<16xf32>
    %mul3A_994 = arith.mulf %get3A_990, %get3A_993 : vector<16xf32>
    %add3A_995 = arith.addf %add3A_985, %mul3A_994 : vector<16xf32>
    %swap3A_996 = arith.constant 128 : index
    %swap3A_997 = tpu.vector_load %arg9[%swap3A_996] {strides = array<i32>} : memref<256xf32, #tpu.memory_space<vmem>>, vector<16xf32>,
    %swap3A_998 = vector.shape_cast %swap3A_997 : vector<16xf32> to vector<16xf32>
    %swap3A_999 = vector.shape_cast %add3A_995 : vector<16xf32> to vector<16xf32>
    tpu.vector_store %arg9[%swap3A_996], %swap3A_999 {strides = array<i32>} : memref<256xf32, #tpu.memory_space<vmem>>, vector<16xf32>,
    %get3A_1000 = arith.constant 0 : i32
    %get3A_1001 = arith.index_cast %get3A_1000 : i32 to index
    %get3A_1002 = arith.constant 144 : index
    %get3A_1003 = tpu.vector_load %arg7[%get3A_1001, %get3A_1002] {strides = array<i32>} : memref<8x256xf32, #tpu.memory_space<vmem>>, vector<1x16xf32>,
    %get3A_1004 = vector.shape_cast %get3A_1003 : vector<1x16xf32> to vector<16xf32>
    %get3A_1005 = arith.constant 144 : index
    %get3A_1006 = tpu.vector_load %arg8[%get3A_1005] {strides = array<i32>} : memref<2048xf32, #tpu.memory_space<vmem>>, vector<16xf32>,
    %get3A_1007 = vector.shape_cast %get3A_1006 : vector<16xf32> to vector<16xf32>
    %mul3A_1008 = arith.mulf %get3A_1004, %get3A_1007 : vector<16xf32>
    %get3A_1009 = arith.constant 1 : i32
    %get3A_1010 = arith.index_cast %get3A_1009 : i32 to index
    %get3A_1011 = arith.constant 144 : index
    %get3A_1012 = tpu.vector_load %arg7[%get3A_1010, %get3A_1011] {strides = array<i32>} : memref<8x256xf32, #tpu.memory_space<vmem>>, vector<1x16xf32>,
    %get3A_1013 = vector.shape_cast %get3A_1012 : vector<1x16xf32> to vector<16xf32>
    %get3A_1014 = arith.constant 400 : index
    %get3A_1015 = tpu.vector_load %arg8[%get3A_1014] {strides = array<i32>} : memref<2048xf32, #tpu.memory_space<vmem>>, vector<16xf32>,
    %get3A_1016 = vector.shape_cast %get3A_1015 : vector<16xf32> to vector<16xf32>
    %mul3A_1017 = arith.mulf %get3A_1013, %get3A_1016 : vector<16xf32>
    %add3A_1018 = arith.addf %mul3A_1008, %mul3A_1017 : vector<16xf32>
    %get3A_1019 = arith.constant 2 : i32
    %get3A_1020 = arith.index_cast %get3A_1019 : i32 to index
    %get3A_1021 = arith.constant 144 : index
    %get3A_1022 = tpu.vector_load %arg7[%get3A_1020, %get3A_1021] {strides = array<i32>} : memref<8x256xf32, #tpu.memory_space<vmem>>, vector<1x16xf32>,
    %get3A_1023 = vector.shape_cast %get3A_1022 : vector<1x16xf32> to vector<16xf32>
    %get3A_1024 = arith.constant 656 : index
    %get3A_1025 = tpu.vector_load %arg8[%get3A_1024] {strides = array<i32>} : memref<2048xf32, #tpu.memory_space<vmem>>, vector<16xf32>,
    %get3A_1026 = vector.shape_cast %get3A_1025 : vector<16xf32> to vector<16xf32>
    %mul3A_1027 = arith.mulf %get3A_1023, %get3A_1026 : vector<16xf32>
    %add3A_1028 = arith.addf %add3A_1018, %mul3A_1027 : vector<16xf32>
    %get3A_1029 = arith.constant 3 : i32
    %get3A_1030 = arith.index_cast %get3A_1029 : i32 to index
    %get3A_1031 = arith.constant 144 : index
    %get3A_1032 = tpu.vector_load %arg7[%get3A_1030, %get3A_1031] {strides = array<i32>} : memref<8x256xf32, #tpu.memory_space<vmem>>, vector<1x16xf32>,
    %get3A_1033 = vector.shape_cast %get3A_1032 : vector<1x16xf32> to vector<16xf32>
    %get3A_1034 = arith.constant 912 : index
    %get3A_1035 = tpu.vector_load %arg8[%get3A_1034] {strides = array<i32>} : memref<2048xf32, #tpu.memory_space<vmem>>, vector<16xf32>,
    %get3A_1036 = vector.shape_cast %get3A_1035 : vector<16xf32> to vector<16xf32>
    %mul3A_1037 = arith.mulf %get3A_1033, %get3A_1036 : vector<16xf32>
    %add3A_1038 = arith.addf %add3A_1028, %mul3A_1037 : vector<16xf32>
    %get3A_1039 = arith.constant 4 : i32
    %get3A_1040 = arith.index_cast %get3A_1039 : i32 to index
    %get3A_1041 = arith.constant 144 : index
    %get3A_1042 = tpu.vector_load %arg7[%get3A_1040, %get3A_1041] {strides = array<i32>} : memref<8x256xf32, #tpu.memory_space<vmem>>, vector<1x16xf32>,
    %get3A_1043 = vector.shape_cast %get3A_1042 : vector<1x16xf32> to vector<16xf32>
    %get3A_1044 = arith.constant 1168 : index
    %get3A_1045 = tpu.vector_load %arg8[%get3A_1044] {strides = array<i32>} : memref<2048xf32, #tpu.memory_space<vmem>>, vector<16xf32>,
    %get3A_1046 = vector.shape_cast %get3A_1045 : vector<16xf32> to vector<16xf32>
    %mul3A_1047 = arith.mulf %get3A_1043, %get3A_1046 : vector<16xf32>
    %add3A_1048 = arith.addf %add3A_1038, %mul3A_1047 : vector<16xf32>
    %get3A_1049 = arith.constant 5 : i32
    %get3A_1050 = arith.index_cast %get3A_1049 : i32 to index
    %get3A_1051 = arith.constant 144 : index
    %get3A_1052 = tpu.vector_load %arg7[%get3A_1050, %get3A_1051] {strides = array<i32>} : memref<8x256xf32, #tpu.memory_space<vmem>>, vector<1x16xf32>,
    %get3A_1053 = vector.shape_cast %get3A_1052 : vector<1x16xf32> to vector<16xf32>
    %get3A_1054 = arith.constant 1424 : index
    %get3A_1055 = tpu.vector_load %arg8[%get3A_1054] {strides = array<i32>} : memref<2048xf32, #tpu.memory_space<vmem>>, vector<16xf32>,
    %get3A_1056 = vector.shape_cast %get3A_1055 : vector<16xf32> to vector<16xf32>
    %mul3A_1057 = arith.mulf %get3A_1053, %get3A_1056 : vector<16xf32>
    %add3A_1058 = arith.addf %add3A_1048, %mul3A_1057 : vector<16xf32>
    %get3A_1059 = arith.constant 6 : i32
    %get3A_1060 = arith.index_cast %get3A_1059 : i32 to index
    %get3A_1061 = arith.constant 144 : index
    %get3A_1062 = tpu.vector_load %arg7[%get3A_1060, %get3A_1061] {strides = array<i32>} : memref<8x256xf32, #tpu.memory_space<vmem>>, vector<1x16xf32>,
    %get3A_1063 = vector.shape_cast %get3A_1062 : vector<1x16xf32> to vector<16xf32>
    %get3A_1064 = arith.constant 1680 : index
    %get3A_1065 = tpu.vector_load %arg8[%get3A_1064] {strides = array<i32>} : memref<2048xf32, #tpu.memory_space<vmem>>, vector<16xf32>,
    %get3A_1066 = vector.shape_cast %get3A_1065 : vector<16xf32> to vector<16xf32>
    %mul3A_1067 = arith.mulf %get3A_1063, %get3A_1066 : vector<16xf32>
    %add3A_1068 = arith.addf %add3A_1058, %mul3A_1067 : vector<16xf32>
    %get3A_1069 = arith.constant 7 : i32
    %get3A_1070 = arith.index_cast %get3A_1069 : i32 to index
    %get3A_1071 = arith.constant 144 : index
    %get3A_1072 = tpu.vector_load %arg7[%get3A_1070, %get3A_1071] {strides = array<i32>} : memref<8x256xf32, #tpu.memory_space<vmem>>, vector<1x16xf32>,
    %get3A_1073 = vector.shape_cast %get3A_1072 : vector<1x16xf32> to vector<16xf32>
    %get3A_1074 = arith.constant 1936 : index
    %get3A_1075 = tpu.vector_load %arg8[%get3A_1074] {strides = array<i32>} : memref<2048xf32, #tpu.memory_space<vmem>>, vector<16xf32>,
    %get3A_1076 = vector.shape_cast %get3A_1075 : vector<16xf32> to vector<16xf32>
    %mul3A_1077 = arith.mulf %get3A_1073, %get3A_1076 : vector<16xf32>
    %add3A_1078 = arith.addf %add3A_1068, %mul3A_1077 : vector<16xf32>
    %swap3A_1079 = arith.constant 144 : index
    %swap3A_1080 = tpu.vector_load %arg9[%swap3A_1079] {strides = array<i32>} : memref<256xf32, #tpu.memory_space<vmem>>, vector<16xf32>,
    %swap3A_1081 = vector.shape_cast %swap3A_1080 : vector<16xf32> to vector<16xf32>
    %swap3A_1082 = vector.shape_cast %add3A_1078 : vector<16xf32> to vector<16xf32>
    tpu.vector_store %arg9[%swap3A_1079], %swap3A_1082 {strides = array<i32>} : memref<256xf32, #tpu.memory_space<vmem>>, vector<16xf32>,
    %get3A_1083 = arith.constant 0 : i32
    %get3A_1084 = arith.index_cast %get3A_1083 : i32 to index
    %get3A_1085 = arith.constant 160 : index
    %get3A_1086 = tpu.vector_load %arg7[%get3A_1084, %get3A_1085] {strides = array<i32>} : memref<8x256xf32, #tpu.memory_space<vmem>>, vector<1x16xf32>,
    %get3A_1087 = vector.shape_cast %get3A_1086 : vector<1x16xf32> to vector<16xf32>
    %get3A_1088 = arith.constant 160 : index
    %get3A_1089 = tpu.vector_load %arg8[%get3A_1088] {strides = array<i32>} : memref<2048xf32, #tpu.memory_space<vmem>>, vector<16xf32>,
    %get3A_1090 = vector.shape_cast %get3A_1089 : vector<16xf32> to vector<16xf32>
    %mul3A_1091 = arith.mulf %get3A_1087, %get3A_1090 : vector<16xf32>
    %get3A_1092 = arith.constant 1 : i32
    %get3A_1093 = arith.index_cast %get3A_1092 : i32 to index
    %get3A_1094 = arith.constant 160 : index
    %get3A_1095 = tpu.vector_load %arg7[%get3A_1093, %get3A_1094] {strides = array<i32>} : memref<8x256xf32, #tpu.memory_space<vmem>>, vector<1x16xf32>,
    %get3A_1096 = vector.shape_cast %get3A_1095 : vector<1x16xf32> to vector<16xf32>
    %get3A_1097 = arith.constant 416 : index
    %get3A_1098 = tpu.vector_load %arg8[%get3A_1097] {strides = array<i32>} : memref<2048xf32, #tpu.memory_space<vmem>>, vector<16xf32>,
    %get3A_1099 = vector.shape_cast %get3A_1098 : vector<16xf32> to vector<16xf32>
    %mul3A_1100 = arith.mulf %get3A_1096, %get3A_1099 : vector<16xf32>
    %add3A_1101 = arith.addf %mul3A_1091, %mul3A_1100 : vector<16xf32>
    %get3A_1102 = arith.constant 2 : i32
    %get3A_1103 = arith.index_cast %get3A_1102 : i32 to index
    %get3A_1104 = arith.constant 160 : index
    %get3A_1105 = tpu.vector_load %arg7[%get3A_1103, %get3A_1104] {strides = array<i32>} : memref<8x256xf32, #tpu.memory_space<vmem>>, vector<1x16xf32>,
    %get3A_1106 = vector.shape_cast %get3A_1105 : vector<1x16xf32> to vector<16xf32>
    %get3A_1107 = arith.constant 672 : index
    %get3A_1108 = tpu.vector_load %arg8[%get3A_1107] {strides = array<i32>} : memref<2048xf32, #tpu.memory_space<vmem>>, vector<16xf32>,
    %get3A_1109 = vector.shape_cast %get3A_1108 : vector<16xf32> to vector<16xf32>
    %mul3A_1110 = arith.mulf %get3A_1106, %get3A_1109 : vector<16xf32>
    %add3A_1111 = arith.addf %add3A_1101, %mul3A_1110 : vector<16xf32>
    %get3A_1112 = arith.constant 3 : i32
    %get3A_1113 = arith.index_cast %get3A_1112 : i32 to index
    %get3A_1114 = arith.constant 160 : index
    %get3A_1115 = tpu.vector_load %arg7[%get3A_1113, %get3A_1114] {strides = array<i32>} : memref<8x256xf32, #tpu.memory_space<vmem>>, vector<1x16xf32>,
    %get3A_1116 = vector.shape_cast %get3A_1115 : vector<1x16xf32> to vector<16xf32>
    %get3A_1117 = arith.constant 928 : index
    %get3A_1118 = tpu.vector_load %arg8[%get3A_1117] {strides = array<i32>} : memref<2048xf32, #tpu.memory_space<vmem>>, vector<16xf32>,
    %get3A_1119 = vector.shape_cast %get3A_1118 : vector<16xf32> to vector<16xf32>
    %mul3A_1120 = arith.mulf %get3A_1116, %get3A_1119 : vector<16xf32>
    %add3A_1121 = arith.addf %add3A_1111, %mul3A_1120 : vector<16xf32>
    %get3A_1122 = arith.constant 4 : i32
    %get3A_1123 = arith.index_cast %get3A_1122 : i32 to index
    %get3A_1124 = arith.constant 160 : index
    %get3A_1125 = tpu.vector_load %arg7[%get3A_1123, %get3A_1124] {strides = array<i32>} : memref<8x256xf32, #tpu.memory_space<vmem>>, vector<1x16xf32>,
    %get3A_1126 = vector.shape_cast %get3A_1125 : vector<1x16xf32> to vector<16xf32>
    %get3A_1127 = arith.constant 1184 : index
    %get3A_1128 = tpu.vector_load %arg8[%get3A_1127] {strides = array<i32>} : memref<2048xf32, #tpu.memory_space<vmem>>, vector<16xf32>,
    %get3A_1129 = vector.shape_cast %get3A_1128 : vector<16xf32> to vector<16xf32>
    %mul3A_1130 = arith.mulf %get3A_1126, %get3A_1129 : vector<16xf32>
    %add3A_1131 = arith.addf %add3A_1121, %mul3A_1130 : vector<16xf32>
    %get3A_1132 = arith.constant 5 : i32
    %get3A_1133 = arith.index_cast %get3A_1132 : i32 to index
    %get3A_1134 = arith.constant 160 : index
    %get3A_1135 = tpu.vector_load %arg7[%get3A_1133, %get3A_1134] {strides = array<i32>} : memref<8x256xf32, #tpu.memory_space<vmem>>, vector<1x16xf32>,
    %get3A_1136 = vector.shape_cast %get3A_1135 : vector<1x16xf32> to vector<16xf32>
    %get3A_1137 = arith.constant 1440 : index
    %get3A_1138 = tpu.vector_load %arg8[%get3A_1137] {strides = array<i32>} : memref<2048xf32, #tpu.memory_space<vmem>>, vector<16xf32>,
    %get3A_1139 = vector.shape_cast %get3A_1138 : vector<16xf32> to vector<16xf32>
    %mul3A_1140 = arith.mulf %get3A_1136, %get3A_1139 : vector<16xf32>
    %add3A_1141 = arith.addf %add3A_1131, %mul3A_1140 : vector<16xf32>
    %get3A_1142 = arith.constant 6 : i32
    %get3A_1143 = arith.index_cast %get3A_1142 : i32 to index
    %get3A_1144 = arith.constant 160 : index
    %get3A_1145 = tpu.vector_load %arg7[%get3A_1143, %get3A_1144] {strides = array<i32>} : memref<8x256xf32, #tpu.memory_space<vmem>>, vector<1x16xf32>,
    %get3A_1146 = vector.shape_cast %get3A_1145 : vector<1x16xf32> to vector<16xf32>
    %get3A_1147 = arith.constant 1696 : index
    %get3A_1148 = tpu.vector_load %arg8[%get3A_1147] {strides = array<i32>} : memref<2048xf32, #tpu.memory_space<vmem>>, vector<16xf32>,
    %get3A_1149 = vector.shape_cast %get3A_1148 : vector<16xf32> to vector<16xf32>
    %mul3A_1150 = arith.mulf %get3A_1146, %get3A_1149 : vector<16xf32>
    %add3A_1151 = arith.addf %add3A_1141, %mul3A_1150 : vector<16xf32>
    %get3A_1152 = arith.constant 7 : i32
    %get3A_1153 = arith.index_cast %get3A_1152 : i32 to index
    %get3A_1154 = arith.constant 160 : index
    %get3A_1155 = tpu.vector_load %arg7[%get3A_1153, %get3A_1154] {strides = array<i32>} : memref<8x256xf32, #tpu.memory_space<vmem>>, vector<1x16xf32>,
    %get3A_1156 = vector.shape_cast %get3A_1155 : vector<1x16xf32> to vector<16xf32>
    %get3A_1157 = arith.constant 1952 : index
    %get3A_1158 = tpu.vector_load %arg8[%get3A_1157] {strides = array<i32>} : memref<2048xf32, #tpu.memory_space<vmem>>, vector<16xf32>,
    %get3A_1159 = vector.shape_cast %get3A_1158 : vector<16xf32> to vector<16xf32>
    %mul3A_1160 = arith.mulf %get3A_1156, %get3A_1159 : vector<16xf32>
    %add3A_1161 = arith.addf %add3A_1151, %mul3A_1160 : vector<16xf32>
    %swap3A_1162 = arith.constant 160 : index
    %swap3A_1163 = tpu.vector_load %arg9[%swap3A_1162] {strides = array<i32>} : memref<256xf32, #tpu.memory_space<vmem>>, vector<16xf32>,
    %swap3A_1164 = vector.shape_cast %swap3A_1163 : vector<16xf32> to vector<16xf32>
    %swap3A_1165 = vector.shape_cast %add3A_1161 : vector<16xf32> to vector<16xf32>
    tpu.vector_store %arg9[%swap3A_1162], %swap3A_1165 {strides = array<i32>} : memref<256xf32, #tpu.memory_space<vmem>>, vector<16xf32>,
    %get3A_1166 = arith.constant 0 : i32
    %get3A_1167 = arith.index_cast %get3A_1166 : i32 to index
    %get3A_1168 = arith.constant 176 : index
    %get3A_1169 = tpu.vector_load %arg7[%get3A_1167, %get3A_1168] {strides = array<i32>} : memref<8x256xf32, #tpu.memory_space<vmem>>, vector<1x16xf32>,
    %get3A_1170 = vector.shape_cast %get3A_1169 : vector<1x16xf32> to vector<16xf32>
    %get3A_1171 = arith.constant 176 : index
    %get3A_1172 = tpu.vector_load %arg8[%get3A_1171] {strides = array<i32>} : memref<2048xf32, #tpu.memory_space<vmem>>, vector<16xf32>,
    %get3A_1173 = vector.shape_cast %get3A_1172 : vector<16xf32> to vector<16xf32>
    %mul3A_1174 = arith.mulf %get3A_1170, %get3A_1173 : vector<16xf32>
    %get3A_1175 = arith.constant 1 : i32
    %get3A_1176 = arith.index_cast %get3A_1175 : i32 to index
    %get3A_1177 = arith.constant 176 : index
    %get3A_1178 = tpu.vector_load %arg7[%get3A_1176, %get3A_1177] {strides = array<i32>} : memref<8x256xf32, #tpu.memory_space<vmem>>, vector<1x16xf32>,
    %get3A_1179 = vector.shape_cast %get3A_1178 : vector<1x16xf32> to vector<16xf32>
    %get3A_1180 = arith.constant 432 : index
    %get3A_1181 = tpu.vector_load %arg8[%get3A_1180] {strides = array<i32>} : memref<2048xf32, #tpu.memory_space<vmem>>, vector<16xf32>,
    %get3A_1182 = vector.shape_cast %get3A_1181 : vector<16xf32> to vector<16xf32>
    %mul3A_1183 = arith.mulf %get3A_1179, %get3A_1182 : vector<16xf32>
    %add3A_1184 = arith.addf %mul3A_1174, %mul3A_1183 : vector<16xf32>
    %get3A_1185 = arith.constant 2 : i32
    %get3A_1186 = arith.index_cast %get3A_1185 : i32 to index
    %get3A_1187 = arith.constant 176 : index
    %get3A_1188 = tpu.vector_load %arg7[%get3A_1186, %get3A_1187] {strides = array<i32>} : memref<8x256xf32, #tpu.memory_space<vmem>>, vector<1x16xf32>,
    %get3A_1189 = vector.shape_cast %get3A_1188 : vector<1x16xf32> to vector<16xf32>
    %get3A_1190 = arith.constant 688 : index
    %get3A_1191 = tpu.vector_load %arg8[%get3A_1190] {strides = array<i32>} : memref<2048xf32, #tpu.memory_space<vmem>>, vector<16xf32>,
    %get3A_1192 = vector.shape_cast %get3A_1191 : vector<16xf32> to vector<16xf32>
    %mul3A_1193 = arith.mulf %get3A_1189, %get3A_1192 : vector<16xf32>
    %add3A_1194 = arith.addf %add3A_1184, %mul3A_1193 : vector<16xf32>
    %get3A_1195 = arith.constant 3 : i32
    %get3A_1196 = arith.index_cast %get3A_1195 : i32 to index
    %get3A_1197 = arith.constant 176 : index
    %get3A_1198 = tpu.vector_load %arg7[%get3A_1196, %get3A_1197] {strides = array<i32>} : memref<8x256xf32, #tpu.memory_space<vmem>>, vector<1x16xf32>,
    %get3A_1199 = vector.shape_cast %get3A_1198 : vector<1x16xf32> to vector<16xf32>
    %get3A_1200 = arith.constant 944 : index
    %get3A_1201 = tpu.vector_load %arg8[%get3A_1200] {strides = array<i32>} : memref<2048xf32, #tpu.memory_space<vmem>>, vector<16xf32>,
    %get3A_1202 = vector.shape_cast %get3A_1201 : vector<16xf32> to vector<16xf32>
    %mul3A_1203 = arith.mulf %get3A_1199, %get3A_1202 : vector<16xf32>
    %add3A_1204 = arith.addf %add3A_1194, %mul3A_1203 : vector<16xf32>
    %get3A_1205 = arith.constant 4 : i32
    %get3A_1206 = arith.index_cast %get3A_1205 : i32 to index
    %get3A_1207 = arith.constant 176 : index
    %get3A_1208 = tpu.vector_load %arg7[%get3A_1206, %get3A_1207] {strides = array<i32>} : memref<8x256xf32, #tpu.memory_space<vmem>>, vector<1x16xf32>,
    %get3A_1209 = vector.shape_cast %get3A_1208 : vector<1x16xf32> to vector<16xf32>
    %get3A_1210 = arith.constant 1200 : index
    %get3A_1211 = tpu.vector_load %arg8[%get3A_1210] {strides = array<i32>} : memref<2048xf32, #tpu.memory_space<vmem>>, vector<16xf32>,
    %get3A_1212 = vector.shape_cast %get3A_1211 : vector<16xf32> to vector<16xf32>
    %mul3A_1213 = arith.mulf %get3A_1209, %get3A_1212 : vector<16xf32>
    %add3A_1214 = arith.addf %add3A_1204, %mul3A_1213 : vector<16xf32>
    %get3A_1215 = arith.constant 5 : i32
    %get3A_1216 = arith.index_cast %get3A_1215 : i32 to index
    %get3A_1217 = arith.constant 176 : index
    %get3A_1218 = tpu.vector_load %arg7[%get3A_1216, %get3A_1217] {strides = array<i32>} : memref<8x256xf32, #tpu.memory_space<vmem>>, vector<1x16xf32>,
    %get3A_1219 = vector.shape_cast %get3A_1218 : vector<1x16xf32> to vector<16xf32>
    %get3A_1220 = arith.constant 1456 : index
    %get3A_1221 = tpu.vector_load %arg8[%get3A_1220] {strides = array<i32>} : memref<2048xf32, #tpu.memory_space<vmem>>, vector<16xf32>,
    %get3A_1222 = vector.shape_cast %get3A_1221 : vector<16xf32> to vector<16xf32>
    %mul3A_1223 = arith.mulf %get3A_1219, %get3A_1222 : vector<16xf32>
    %add3A_1224 = arith.addf %add3A_1214, %mul3A_1223 : vector<16xf32>
    %get3A_1225 = arith.constant 6 : i32
    %get3A_1226 = arith.index_cast %get3A_1225 : i32 to index
    %get3A_1227 = arith.constant 176 : index
    %get3A_1228 = tpu.vector_load %arg7[%get3A_1226, %get3A_1227] {strides = array<i32>} : memref<8x256xf32, #tpu.memory_space<vmem>>, vector<1x16xf32>,
    %get3A_1229 = vector.shape_cast %get3A_1228 : vector<1x16xf32> to vector<16xf32>
    %get3A_1230 = arith.constant 1712 : index
    %get3A_1231 = tpu.vector_load %arg8[%get3A_1230] {strides = array<i32>} : memref<2048xf32, #tpu.memory_space<vmem>>, vector<16xf32>,
    %get3A_1232 = vector.shape_cast %get3A_1231 : vector<16xf32> to vector<16xf32>
    %mul3A_1233 = arith.mulf %get3A_1229, %get3A_1232 : vector<16xf32>
    %add3A_1234 = arith.addf %add3A_1224, %mul3A_1233 : vector<16xf32>
    %get3A_1235 = arith.constant 7 : i32
    %get3A_1236 = arith.index_cast %get3A_1235 : i32 to index
    %get3A_1237 = arith.constant 176 : index
    %get3A_1238 = tpu.vector_load %arg7[%get3A_1236, %get3A_1237] {strides = array<i32>} : memref<8x256xf32, #tpu.memory_space<vmem>>, vector<1x16xf32>,
    %get3A_1239 = vector.shape_cast %get3A_1238 : vector<1x16xf32> to vector<16xf32>
    %get3A_1240 = arith.constant 1968 : index
    %get3A_1241 = tpu.vector_load %arg8[%get3A_1240] {strides = array<i32>} : memref<2048xf32, #tpu.memory_space<vmem>>, vector<16xf32>,
    %get3A_1242 = vector.shape_cast %get3A_1241 : vector<16xf32> to vector<16xf32>
    %mul3A_1243 = arith.mulf %get3A_1239, %get3A_1242 : vector<16xf32>
    %add3A_1244 = arith.addf %add3A_1234, %mul3A_1243 : vector<16xf32>
    %swap3A_1245 = arith.constant 176 : index
    %swap3A_1246 = tpu.vector_load %arg9[%swap3A_1245] {strides = array<i32>} : memref<256xf32, #tpu.memory_space<vmem>>, vector<16xf32>,
    %swap3A_1247 = vector.shape_cast %swap3A_1246 : vector<16xf32> to vector<16xf32>
    %swap3A_1248 = vector.shape_cast %add3A_1244 : vector<16xf32> to vector<16xf32>
    tpu.vector_store %arg9[%swap3A_1245], %swap3A_1248 {strides = array<i32>} : memref<256xf32, #tpu.memory_space<vmem>>, vector<16xf32>,
    %get3A_1249 = arith.constant 0 : i32
    %get3A_1250 = arith.index_cast %get3A_1249 : i32 to index
    %get3A_1251 = arith.constant 192 : index
    %get3A_1252 = tpu.vector_load %arg7[%get3A_1250, %get3A_1251] {strides = array<i32>} : memref<8x256xf32, #tpu.memory_space<vmem>>, vector<1x16xf32>,
    %get3A_1253 = vector.shape_cast %get3A_1252 : vector<1x16xf32> to vector<16xf32>
    %get3A_1254 = arith.constant 192 : index
    %get3A_1255 = tpu.vector_load %arg8[%get3A_1254] {strides = array<i32>} : memref<2048xf32, #tpu.memory_space<vmem>>, vector<16xf32>,
    %get3A_1256 = vector.shape_cast %get3A_1255 : vector<16xf32> to vector<16xf32>
    %mul3A_1257 = arith.mulf %get3A_1253, %get3A_1256 : vector<16xf32>
    %get3A_1258 = arith.constant 1 : i32
    %get3A_1259 = arith.index_cast %get3A_1258 : i32 to index
    %get3A_1260 = arith.constant 192 : index
    %get3A_1261 = tpu.vector_load %arg7[%get3A_1259, %get3A_1260] {strides = array<i32>} : memref<8x256xf32, #tpu.memory_space<vmem>>, vector<1x16xf32>,
    %get3A_1262 = vector.shape_cast %get3A_1261 : vector<1x16xf32> to vector<16xf32>
    %get3A_1263 = arith.constant 448 : index
    %get3A_1264 = tpu.vector_load %arg8[%get3A_1263] {strides = array<i32>} : memref<2048xf32, #tpu.memory_space<vmem>>, vector<16xf32>,
    %get3A_1265 = vector.shape_cast %get3A_1264 : vector<16xf32> to vector<16xf32>
    %mul3A_1266 = arith.mulf %get3A_1262, %get3A_1265 : vector<16xf32>
    %add3A_1267 = arith.addf %mul3A_1257, %mul3A_1266 : vector<16xf32>
    %get3A_1268 = arith.constant 2 : i32
    %get3A_1269 = arith.index_cast %get3A_1268 : i32 to index
    %get3A_1270 = arith.constant 192 : index
    %get3A_1271 = tpu.vector_load %arg7[%get3A_1269, %get3A_1270] {strides = array<i32>} : memref<8x256xf32, #tpu.memory_space<vmem>>, vector<1x16xf32>,
    %get3A_1272 = vector.shape_cast %get3A_1271 : vector<1x16xf32> to vector<16xf32>
    %get3A_1273 = arith.constant 704 : index
    %get3A_1274 = tpu.vector_load %arg8[%get3A_1273] {strides = array<i32>} : memref<2048xf32, #tpu.memory_space<vmem>>, vector<16xf32>,
    %get3A_1275 = vector.shape_cast %get3A_1274 : vector<16xf32> to vector<16xf32>
    %mul3A_1276 = arith.mulf %get3A_1272, %get3A_1275 : vector<16xf32>
    %add3A_1277 = arith.addf %add3A_1267, %mul3A_1276 : vector<16xf32>
    %get3A_1278 = arith.constant 3 : i32
    %get3A_1279 = arith.index_cast %get3A_1278 : i32 to index
    %get3A_1280 = arith.constant 192 : index
    %get3A_1281 = tpu.vector_load %arg7[%get3A_1279, %get3A_1280] {strides = array<i32>} : memref<8x256xf32, #tpu.memory_space<vmem>>, vector<1x16xf32>,
    %get3A_1282 = vector.shape_cast %get3A_1281 : vector<1x16xf32> to vector<16xf32>
    %get3A_1283 = arith.constant 960 : index
    %get3A_1284 = tpu.vector_load %arg8[%get3A_1283] {strides = array<i32>} : memref<2048xf32, #tpu.memory_space<vmem>>, vector<16xf32>,
    %get3A_1285 = vector.shape_cast %get3A_1284 : vector<16xf32> to vector<16xf32>
    %mul3A_1286 = arith.mulf %get3A_1282, %get3A_1285 : vector<16xf32>
    %add3A_1287 = arith.addf %add3A_1277, %mul3A_1286 : vector<16xf32>
    %get3A_1288 = arith.constant 4 : i32
    %get3A_1289 = arith.index_cast %get3A_1288 : i32 to index
    %get3A_1290 = arith.constant 192 : index
    %get3A_1291 = tpu.vector_load %arg7[%get3A_1289, %get3A_1290] {strides = array<i32>} : memref<8x256xf32, #tpu.memory_space<vmem>>, vector<1x16xf32>,
    %get3A_1292 = vector.shape_cast %get3A_1291 : vector<1x16xf32> to vector<16xf32>
    %get3A_1293 = arith.constant 1216 : index
    %get3A_1294 = tpu.vector_load %arg8[%get3A_1293] {strides = array<i32>} : memref<2048xf32, #tpu.memory_space<vmem>>, vector<16xf32>,
    %get3A_1295 = vector.shape_cast %get3A_1294 : vector<16xf32> to vector<16xf32>
    %mul3A_1296 = arith.mulf %get3A_1292, %get3A_1295 : vector<16xf32>
    %add3A_1297 = arith.addf %add3A_1287, %mul3A_1296 : vector<16xf32>
    %get3A_1298 = arith.constant 5 : i32
    %get3A_1299 = arith.index_cast %get3A_1298 : i32 to index
    %get3A_1300 = arith.constant 192 : index
    %get3A_1301 = tpu.vector_load %arg7[%get3A_1299, %get3A_1300] {strides = array<i32>} : memref<8x256xf32, #tpu.memory_space<vmem>>, vector<1x16xf32>,
    %get3A_1302 = vector.shape_cast %get3A_1301 : vector<1x16xf32> to vector<16xf32>
    %get3A_1303 = arith.constant 1472 : index
    %get3A_1304 = tpu.vector_load %arg8[%get3A_1303] {strides = array<i32>} : memref<2048xf32, #tpu.memory_space<vmem>>, vector<16xf32>,
    %get3A_1305 = vector.shape_cast %get3A_1304 : vector<16xf32> to vector<16xf32>
    %mul3A_1306 = arith.mulf %get3A_1302, %get3A_1305 : vector<16xf32>
    %add3A_1307 = arith.addf %add3A_1297, %mul3A_1306 : vector<16xf32>
    %get3A_1308 = arith.constant 6 : i32
    %get3A_1309 = arith.index_cast %get3A_1308 : i32 to index
    %get3A_1310 = arith.constant 192 : index
    %get3A_1311 = tpu.vector_load %arg7[%get3A_1309, %get3A_1310] {strides = array<i32>} : memref<8x256xf32, #tpu.memory_space<vmem>>, vector<1x16xf32>,
    %get3A_1312 = vector.shape_cast %get3A_1311 : vector<1x16xf32> to vector<16xf32>
    %get3A_1313 = arith.constant 1728 : index
    %get3A_1314 = tpu.vector_load %arg8[%get3A_1313] {strides = array<i32>} : memref<2048xf32, #tpu.memory_space<vmem>>, vector<16xf32>,
    %get3A_1315 = vector.shape_cast %get3A_1314 : vector<16xf32> to vector<16xf32>
    %mul3A_1316 = arith.mulf %get3A_1312, %get3A_1315 : vector<16xf32>
    %add3A_1317 = arith.addf %add3A_1307, %mul3A_1316 : vector<16xf32>
    %get3A_1318 = arith.constant 7 : i32
    %get3A_1319 = arith.index_cast %get3A_1318 : i32 to index
    %get3A_1320 = arith.constant 192 : index
    %get3A_1321 = tpu.vector_load %arg7[%get3A_1319, %get3A_1320] {strides = array<i32>} : memref<8x256xf32, #tpu.memory_space<vmem>>, vector<1x16xf32>,
    %get3A_1322 = vector.shape_cast %get3A_1321 : vector<1x16xf32> to vector<16xf32>
    %get3A_1323 = arith.constant 1984 : index
    %get3A_1324 = tpu.vector_load %arg8[%get3A_1323] {strides = array<i32>} : memref<2048xf32, #tpu.memory_space<vmem>>, vector<16xf32>,
    %get3A_1325 = vector.shape_cast %get3A_1324 : vector<16xf32> to vector<16xf32>
    %mul3A_1326 = arith.mulf %get3A_1322, %get3A_1325 : vector<16xf32>
    %add3A_1327 = arith.addf %add3A_1317, %mul3A_1326 : vector<16xf32>
    %swap3A_1328 = arith.constant 192 : index
    %swap3A_1329 = tpu.vector_load %arg9[%swap3A_1328] {strides = array<i32>} : memref<256xf32, #tpu.memory_space<vmem>>, vector<16xf32>,
    %swap3A_1330 = vector.shape_cast %swap3A_1329 : vector<16xf32> to vector<16xf32>
    %swap3A_1331 = vector.shape_cast %add3A_1327 : vector<16xf32> to vector<16xf32>
    tpu.vector_store %arg9[%swap3A_1328], %swap3A_1331 {strides = array<i32>} : memref<256xf32, #tpu.memory_space<vmem>>, vector<16xf32>,
    %get3A_1332 = arith.constant 0 : i32
    %get3A_1333 = arith.index_cast %get3A_1332 : i32 to index
    %get3A_1334 = arith.constant 208 : index
    %get3A_1335 = tpu.vector_load %arg7[%get3A_1333, %get3A_1334] {strides = array<i32>} : memref<8x256xf32, #tpu.memory_space<vmem>>, vector<1x16xf32>,
    %get3A_1336 = vector.shape_cast %get3A_1335 : vector<1x16xf32> to vector<16xf32>
    %get3A_1337 = arith.constant 208 : index
    %get3A_1338 = tpu.vector_load %arg8[%get3A_1337] {strides = array<i32>} : memref<2048xf32, #tpu.memory_space<vmem>>, vector<16xf32>,
    %get3A_1339 = vector.shape_cast %get3A_1338 : vector<16xf32> to vector<16xf32>
    %mul3A_1340 = arith.mulf %get3A_1336, %get3A_1339 : vector<16xf32>
    %get3A_1341 = arith.constant 1 : i32
    %get3A_1342 = arith.index_cast %get3A_1341 : i32 to index
    %get3A_1343 = arith.constant 208 : index
    %get3A_1344 = tpu.vector_load %arg7[%get3A_1342, %get3A_1343] {strides = array<i32>} : memref<8x256xf32, #tpu.memory_space<vmem>>, vector<1x16xf32>,
    %get3A_1345 = vector.shape_cast %get3A_1344 : vector<1x16xf32> to vector<16xf32>
    %get3A_1346 = arith.constant 464 : index
    %get3A_1347 = tpu.vector_load %arg8[%get3A_1346] {strides = array<i32>} : memref<2048xf32, #tpu.memory_space<vmem>>, vector<16xf32>,
    %get3A_1348 = vector.shape_cast %get3A_1347 : vector<16xf32> to vector<16xf32>
    %mul3A_1349 = arith.mulf %get3A_1345, %get3A_1348 : vector<16xf32>
    %add3A_1350 = arith.addf %mul3A_1340, %mul3A_1349 : vector<16xf32>
    %get3A_1351 = arith.constant 2 : i32
    %get3A_1352 = arith.index_cast %get3A_1351 : i32 to index
    %get3A_1353 = arith.constant 208 : index
    %get3A_1354 = tpu.vector_load %arg7[%get3A_1352, %get3A_1353] {strides = array<i32>} : memref<8x256xf32, #tpu.memory_space<vmem>>, vector<1x16xf32>,
    %get3A_1355 = vector.shape_cast %get3A_1354 : vector<1x16xf32> to vector<16xf32>
    %get3A_1356 = arith.constant 720 : index
    %get3A_1357 = tpu.vector_load %arg8[%get3A_1356] {strides = array<i32>} : memref<2048xf32, #tpu.memory_space<vmem>>, vector<16xf32>,
    %get3A_1358 = vector.shape_cast %get3A_1357 : vector<16xf32> to vector<16xf32>
    %mul3A_1359 = arith.mulf %get3A_1355, %get3A_1358 : vector<16xf32>
    %add3A_1360 = arith.addf %add3A_1350, %mul3A_1359 : vector<16xf32>
    %get3A_1361 = arith.constant 3 : i32
    %get3A_1362 = arith.index_cast %get3A_1361 : i32 to index
    %get3A_1363 = arith.constant 208 : index
    %get3A_1364 = tpu.vector_load %arg7[%get3A_1362, %get3A_1363] {strides = array<i32>} : memref<8x256xf32, #tpu.memory_space<vmem>>, vector<1x16xf32>,
    %get3A_1365 = vector.shape_cast %get3A_1364 : vector<1x16xf32> to vector<16xf32>
    %get3A_1366 = arith.constant 976 : index
    %get3A_1367 = tpu.vector_load %arg8[%get3A_1366] {strides = array<i32>} : memref<2048xf32, #tpu.memory_space<vmem>>, vector<16xf32>,
    %get3A_1368 = vector.shape_cast %get3A_1367 : vector<16xf32> to vector<16xf32>
    %mul3A_1369 = arith.mulf %get3A_1365, %get3A_1368 : vector<16xf32>
    %add3A_1370 = arith.addf %add3A_1360, %mul3A_1369 : vector<16xf32>
    %get3A_1371 = arith.constant 4 : i32
    %get3A_1372 = arith.index_cast %get3A_1371 : i32 to index
    %get3A_1373 = arith.constant 208 : index
    %get3A_1374 = tpu.vector_load %arg7[%get3A_1372, %get3A_1373] {strides = array<i32>} : memref<8x256xf32, #tpu.memory_space<vmem>>, vector<1x16xf32>,
    %get3A_1375 = vector.shape_cast %get3A_1374 : vector<1x16xf32> to vector<16xf32>
    %get3A_1376 = arith.constant 1232 : index
    %get3A_1377 = tpu.vector_load %arg8[%get3A_1376] {strides = array<i32>} : memref<2048xf32, #tpu.memory_space<vmem>>, vector<16xf32>,
    %get3A_1378 = vector.shape_cast %get3A_1377 : vector<16xf32> to vector<16xf32>
    %mul3A_1379 = arith.mulf %get3A_1375, %get3A_1378 : vector<16xf32>
    %add3A_1380 = arith.addf %add3A_1370, %mul3A_1379 : vector<16xf32>
    %get3A_1381 = arith.constant 5 : i32
    %get3A_1382 = arith.index_cast %get3A_1381 : i32 to index
    %get3A_1383 = arith.constant 208 : index
    %get3A_1384 = tpu.vector_load %arg7[%get3A_1382, %get3A_1383] {strides = array<i32>} : memref<8x256xf32, #tpu.memory_space<vmem>>, vector<1x16xf32>,
    %get3A_1385 = vector.shape_cast %get3A_1384 : vector<1x16xf32> to vector<16xf32>
    %get3A_1386 = arith.constant 1488 : index
    %get3A_1387 = tpu.vector_load %arg8[%get3A_1386] {strides = array<i32>} : memref<2048xf32, #tpu.memory_space<vmem>>, vector<16xf32>,
    %get3A_1388 = vector.shape_cast %get3A_1387 : vector<16xf32> to vector<16xf32>
    %mul3A_1389 = arith.mulf %get3A_1385, %get3A_1388 : vector<16xf32>
    %add3A_1390 = arith.addf %add3A_1380, %mul3A_1389 : vector<16xf32>
    %get3A_1391 = arith.constant 6 : i32
    %get3A_1392 = arith.index_cast %get3A_1391 : i32 to index
    %get3A_1393 = arith.constant 208 : index
    %get3A_1394 = tpu.vector_load %arg7[%get3A_1392, %get3A_1393] {strides = array<i32>} : memref<8x256xf32, #tpu.memory_space<vmem>>, vector<1x16xf32>,
    %get3A_1395 = vector.shape_cast %get3A_1394 : vector<1x16xf32> to vector<16xf32>
    %get3A_1396 = arith.constant 1744 : index
    %get3A_1397 = tpu.vector_load %arg8[%get3A_1396] {strides = array<i32>} : memref<2048xf32, #tpu.memory_space<vmem>>, vector<16xf32>,
    %get3A_1398 = vector.shape_cast %get3A_1397 : vector<16xf32> to vector<16xf32>
    %mul3A_1399 = arith.mulf %get3A_1395, %get3A_1398 : vector<16xf32>
    %add3A_1400 = arith.addf %add3A_1390, %mul3A_1399 : vector<16xf32>
    %get3A_1401 = arith.constant 7 : i32
    %get3A_1402 = arith.index_cast %get3A_1401 : i32 to index
    %get3A_1403 = arith.constant 208 : index
    %get3A_1404 = tpu.vector_load %arg7[%get3A_1402, %get3A_1403] {strides = array<i32>} : memref<8x256xf32, #tpu.memory_space<vmem>>, vector<1x16xf32>,
    %get3A_1405 = vector.shape_cast %get3A_1404 : vector<1x16xf32> to vector<16xf32>
    %get3A_1406 = arith.constant 2000 : index
    %get3A_1407 = tpu.vector_load %arg8[%get3A_1406] {strides = array<i32>} : memref<2048xf32, #tpu.memory_space<vmem>>, vector<16xf32>,
    %get3A_1408 = vector.shape_cast %get3A_1407 : vector<16xf32> to vector<16xf32>
    %mul3A_1409 = arith.mulf %get3A_1405, %get3A_1408 : vector<16xf32>
    %add3A_1410 = arith.addf %add3A_1400, %mul3A_1409 : vector<16xf32>
    %swap3A_1411 = arith.constant 208 : index
    %swap3A_1412 = tpu.vector_load %arg9[%swap3A_1411] {strides = array<i32>} : memref<256xf32, #tpu.memory_space<vmem>>, vector<16xf32>,
    %swap3A_1413 = vector.shape_cast %swap3A_1412 : vector<16xf32> to vector<16xf32>
    %swap3A_1414 = vector.shape_cast %add3A_1410 : vector<16xf32> to vector<16xf32>
    tpu.vector_store %arg9[%swap3A_1411], %swap3A_1414 {strides = array<i32>} : memref<256xf32, #tpu.memory_space<vmem>>, vector<16xf32>,
    %get3A_1415 = arith.constant 0 : i32
    %get3A_1416 = arith.index_cast %get3A_1415 : i32 to index
    %get3A_1417 = arith.constant 224 : index
    %get3A_1418 = tpu.vector_load %arg7[%get3A_1416, %get3A_1417] {strides = array<i32>} : memref<8x256xf32, #tpu.memory_space<vmem>>, vector<1x16xf32>,
    %get3A_1419 = vector.shape_cast %get3A_1418 : vector<1x16xf32> to vector<16xf32>
    %get3A_1420 = arith.constant 224 : index
    %get3A_1421 = tpu.vector_load %arg8[%get3A_1420] {strides = array<i32>} : memref<2048xf32, #tpu.memory_space<vmem>>, vector<16xf32>,
    %get3A_1422 = vector.shape_cast %get3A_1421 : vector<16xf32> to vector<16xf32>
    %mul3A_1423 = arith.mulf %get3A_1419, %get3A_1422 : vector<16xf32>
    %get3A_1424 = arith.constant 1 : i32
    %get3A_1425 = arith.index_cast %get3A_1424 : i32 to index
    %get3A_1426 = arith.constant 224 : index
    %get3A_1427 = tpu.vector_load %arg7[%get3A_1425, %get3A_1426] {strides = array<i32>} : memref<8x256xf32, #tpu.memory_space<vmem>>, vector<1x16xf32>,
    %get3A_1428 = vector.shape_cast %get3A_1427 : vector<1x16xf32> to vector<16xf32>
    %get3A_1429 = arith.constant 480 : index
    %get3A_1430 = tpu.vector_load %arg8[%get3A_1429] {strides = array<i32>} : memref<2048xf32, #tpu.memory_space<vmem>>, vector<16xf32>,
    %get3A_1431 = vector.shape_cast %get3A_1430 : vector<16xf32> to vector<16xf32>
    %mul3A_1432 = arith.mulf %get3A_1428, %get3A_1431 : vector<16xf32>
    %add3A_1433 = arith.addf %mul3A_1423, %mul3A_1432 : vector<16xf32>
    %get3A_1434 = arith.constant 2 : i32
    %get3A_1435 = arith.index_cast %get3A_1434 : i32 to index
    %get3A_1436 = arith.constant 224 : index
    %get3A_1437 = tpu.vector_load %arg7[%get3A_1435, %get3A_1436] {strides = array<i32>} : memref<8x256xf32, #tpu.memory_space<vmem>>, vector<1x16xf32>,
    %get3A_1438 = vector.shape_cast %get3A_1437 : vector<1x16xf32> to vector<16xf32>
    %get3A_1439 = arith.constant 736 : index
    %get3A_1440 = tpu.vector_load %arg8[%get3A_1439] {strides = array<i32>} : memref<2048xf32, #tpu.memory_space<vmem>>, vector<16xf32>,
    %get3A_1441 = vector.shape_cast %get3A_1440 : vector<16xf32> to vector<16xf32>
    %mul3A_1442 = arith.mulf %get3A_1438, %get3A_1441 : vector<16xf32>
    %add3A_1443 = arith.addf %add3A_1433, %mul3A_1442 : vector<16xf32>
    %get3A_1444 = arith.constant 3 : i32
    %get3A_1445 = arith.index_cast %get3A_1444 : i32 to index
    %get3A_1446 = arith.constant 224 : index
    %get3A_1447 = tpu.vector_load %arg7[%get3A_1445, %get3A_1446] {strides = array<i32>} : memref<8x256xf32, #tpu.memory_space<vmem>>, vector<1x16xf32>,
    %get3A_1448 = vector.shape_cast %get3A_1447 : vector<1x16xf32> to vector<16xf32>
    %get3A_1449 = arith.constant 992 : index
    %get3A_1450 = tpu.vector_load %arg8[%get3A_1449] {strides = array<i32>} : memref<2048xf32, #tpu.memory_space<vmem>>, vector<16xf32>,
    %get3A_1451 = vector.shape_cast %get3A_1450 : vector<16xf32> to vector<16xf32>
    %mul3A_1452 = arith.mulf %get3A_1448, %get3A_1451 : vector<16xf32>
    %add3A_1453 = arith.addf %add3A_1443, %mul3A_1452 : vector<16xf32>
    %get3A_1454 = arith.constant 4 : i32
    %get3A_1455 = arith.index_cast %get3A_1454 : i32 to index
    %get3A_1456 = arith.constant 224 : index
    %get3A_1457 = tpu.vector_load %arg7[%get3A_1455, %get3A_1456] {strides = array<i32>} : memref<8x256xf32, #tpu.memory_space<vmem>>, vector<1x16xf32>,
    %get3A_1458 = vector.shape_cast %get3A_1457 : vector<1x16xf32> to vector<16xf32>
    %get3A_1459 = arith.constant 1248 : index
    %get3A_1460 = tpu.vector_load %arg8[%get3A_1459] {strides = array<i32>} : memref<2048xf32, #tpu.memory_space<vmem>>, vector<16xf32>,
    %get3A_1461 = vector.shape_cast %get3A_1460 : vector<16xf32> to vector<16xf32>
    %mul3A_1462 = arith.mulf %get3A_1458, %get3A_1461 : vector<16xf32>
    %add3A_1463 = arith.addf %add3A_1453, %mul3A_1462 : vector<16xf32>
    %get3A_1464 = arith.constant 5 : i32
    %get3A_1465 = arith.index_cast %get3A_1464 : i32 to index
    %get3A_1466 = arith.constant 224 : index
    %get3A_1467 = tpu.vector_load %arg7[%get3A_1465, %get3A_1466] {strides = array<i32>} : memref<8x256xf32, #tpu.memory_space<vmem>>, vector<1x16xf32>,
    %get3A_1468 = vector.shape_cast %get3A_1467 : vector<1x16xf32> to vector<16xf32>
    %get3A_1469 = arith.constant 1504 : index
    %get3A_1470 = tpu.vector_load %arg8[%get3A_1469] {strides = array<i32>} : memref<2048xf32, #tpu.memory_space<vmem>>, vector<16xf32>,
    %get3A_1471 = vector.shape_cast %get3A_1470 : vector<16xf32> to vector<16xf32>
    %mul3A_1472 = arith.mulf %get3A_1468, %get3A_1471 : vector<16xf32>
    %add3A_1473 = arith.addf %add3A_1463, %mul3A_1472 : vector<16xf32>
    %get3A_1474 = arith.constant 6 : i32
    %get3A_1475 = arith.index_cast %get3A_1474 : i32 to index
    %get3A_1476 = arith.constant 224 : index
    %get3A_1477 = tpu.vector_load %arg7[%get3A_1475, %get3A_1476] {strides = array<i32>} : memref<8x256xf32, #tpu.memory_space<vmem>>, vector<1x16xf32>,
    %get3A_1478 = vector.shape_cast %get3A_1477 : vector<1x16xf32> to vector<16xf32>
    %get3A_1479 = arith.constant 1760 : index
    %get3A_1480 = tpu.vector_load %arg8[%get3A_1479] {strides = array<i32>} : memref<2048xf32, #tpu.memory_space<vmem>>, vector<16xf32>,
    %get3A_1481 = vector.shape_cast %get3A_1480 : vector<16xf32> to vector<16xf32>
    %mul3A_1482 = arith.mulf %get3A_1478, %get3A_1481 : vector<16xf32>
    %add3A_1483 = arith.addf %add3A_1473, %mul3A_1482 : vector<16xf32>
    %get3A_1484 = arith.constant 7 : i32
    %get3A_1485 = arith.index_cast %get3A_1484 : i32 to index
    %get3A_1486 = arith.constant 224 : index
    %get3A_1487 = tpu.vector_load %arg7[%get3A_1485, %get3A_1486] {strides = array<i32>} : memref<8x256xf32, #tpu.memory_space<vmem>>, vector<1x16xf32>,
    %get3A_1488 = vector.shape_cast %get3A_1487 : vector<1x16xf32> to vector<16xf32>
    %get3A_1489 = arith.constant 2016 : index
    %get3A_1490 = tpu.vector_load %arg8[%get3A_1489] {strides = array<i32>} : memref<2048xf32, #tpu.memory_space<vmem>>, vector<16xf32>,
    %get3A_1491 = vector.shape_cast %get3A_1490 : vector<16xf32> to vector<16xf32>
    %mul3A_1492 = arith.mulf %get3A_1488, %get3A_1491 : vector<16xf32>
    %add3A_1493 = arith.addf %add3A_1483, %mul3A_1492 : vector<16xf32>
    %swap3A_1494 = arith.constant 224 : index
    %swap3A_1495 = tpu.vector_load %arg9[%swap3A_1494] {strides = array<i32>} : memref<256xf32, #tpu.memory_space<vmem>>, vector<16xf32>,
    %swap3A_1496 = vector.shape_cast %swap3A_1495 : vector<16xf32> to vector<16xf32>
    %swap3A_1497 = vector.shape_cast %add3A_1493 : vector<16xf32> to vector<16xf32>
    tpu.vector_store %arg9[%swap3A_1494], %swap3A_1497 {strides = array<i32>} : memref<256xf32, #tpu.memory_space<vmem>>, vector<16xf32>,
    %get3A_1498 = arith.constant 0 : i32
    %get3A_1499 = arith.index_cast %get3A_1498 : i32 to index
    %get3A_1500 = arith.constant 240 : index
    %get3A_1501 = tpu.vector_load %arg7[%get3A_1499, %get3A_1500] {strides = array<i32>} : memref<8x256xf32, #tpu.memory_space<vmem>>, vector<1x16xf32>,
    %get3A_1502 = vector.shape_cast %get3A_1501 : vector<1x16xf32> to vector<16xf32>
    %get3A_1503 = arith.constant 240 : index
    %get3A_1504 = tpu.vector_load %arg8[%get3A_1503] {strides = array<i32>} : memref<2048xf32, #tpu.memory_space<vmem>>, vector<16xf32>,
    %get3A_1505 = vector.shape_cast %get3A_1504 : vector<16xf32> to vector<16xf32>
    %mul3A_1506 = arith.mulf %get3A_1502, %get3A_1505 : vector<16xf32>
    %get3A_1507 = arith.constant 1 : i32
    %get3A_1508 = arith.index_cast %get3A_1507 : i32 to index
    %get3A_1509 = arith.constant 240 : index
    %get3A_1510 = tpu.vector_load %arg7[%get3A_1508, %get3A_1509] {strides = array<i32>} : memref<8x256xf32, #tpu.memory_space<vmem>>, vector<1x16xf32>,
    %get3A_1511 = vector.shape_cast %get3A_1510 : vector<1x16xf32> to vector<16xf32>
    %get3A_1512 = arith.constant 496 : index
    %get3A_1513 = tpu.vector_load %arg8[%get3A_1512] {strides = array<i32>} : memref<2048xf32, #tpu.memory_space<vmem>>, vector<16xf32>,
    %get3A_1514 = vector.shape_cast %get3A_1513 : vector<16xf32> to vector<16xf32>
    %mul3A_1515 = arith.mulf %get3A_1511, %get3A_1514 : vector<16xf32>
    %add3A_1516 = arith.addf %mul3A_1506, %mul3A_1515 : vector<16xf32>
    %get3A_1517 = arith.constant 2 : i32
    %get3A_1518 = arith.index_cast %get3A_1517 : i32 to index
    %get3A_1519 = arith.constant 240 : index
    %get3A_1520 = tpu.vector_load %arg7[%get3A_1518, %get3A_1519] {strides = array<i32>} : memref<8x256xf32, #tpu.memory_space<vmem>>, vector<1x16xf32>,
    %get3A_1521 = vector.shape_cast %get3A_1520 : vector<1x16xf32> to vector<16xf32>
    %get3A_1522 = arith.constant 752 : index
    %get3A_1523 = tpu.vector_load %arg8[%get3A_1522] {strides = array<i32>} : memref<2048xf32, #tpu.memory_space<vmem>>, vector<16xf32>,
    %get3A_1524 = vector.shape_cast %get3A_1523 : vector<16xf32> to vector<16xf32>
    %mul3A_1525 = arith.mulf %get3A_1521, %get3A_1524 : vector<16xf32>
    %add3A_1526 = arith.addf %add3A_1516, %mul3A_1525 : vector<16xf32>
    %get3A_1527 = arith.constant 3 : i32
    %get3A_1528 = arith.index_cast %get3A_1527 : i32 to index
    %get3A_1529 = arith.constant 240 : index
    %get3A_1530 = tpu.vector_load %arg7[%get3A_1528, %get3A_1529] {strides = array<i32>} : memref<8x256xf32, #tpu.memory_space<vmem>>, vector<1x16xf32>,
    %get3A_1531 = vector.shape_cast %get3A_1530 : vector<1x16xf32> to vector<16xf32>
    %get3A_1532 = arith.constant 1008 : index
    %get3A_1533 = tpu.vector_load %arg8[%get3A_1532] {strides = array<i32>} : memref<2048xf32, #tpu.memory_space<vmem>>, vector<16xf32>,
    %get3A_1534 = vector.shape_cast %get3A_1533 : vector<16xf32> to vector<16xf32>
    %mul3A_1535 = arith.mulf %get3A_1531, %get3A_1534 : vector<16xf32>
    %add3A_1536 = arith.addf %add3A_1526, %mul3A_1535 : vector<16xf32>
    %get3A_1537 = arith.constant 4 : i32
    %get3A_1538 = arith.index_cast %get3A_1537 : i32 to index
    %get3A_1539 = arith.constant 240 : index
    %get3A_1540 = tpu.vector_load %arg7[%get3A_1538, %get3A_1539] {strides = array<i32>} : memref<8x256xf32, #tpu.memory_space<vmem>>, vector<1x16xf32>,
    %get3A_1541 = vector.shape_cast %get3A_1540 : vector<1x16xf32> to vector<16xf32>
    %get3A_1542 = arith.constant 1264 : index
    %get3A_1543 = tpu.vector_load %arg8[%get3A_1542] {strides = array<i32>} : memref<2048xf32, #tpu.memory_space<vmem>>, vector<16xf32>,
    %get3A_1544 = vector.shape_cast %get3A_1543 : vector<16xf32> to vector<16xf32>
    %mul3A_1545 = arith.mulf %get3A_1541, %get3A_1544 : vector<16xf32>
    %add3A_1546 = arith.addf %add3A_1536, %mul3A_1545 : vector<16xf32>
    %get3A_1547 = arith.constant 5 : i32
    %get3A_1548 = arith.index_cast %get3A_1547 : i32 to index
    %get3A_1549 = arith.constant 240 : index
    %get3A_1550 = tpu.vector_load %arg7[%get3A_1548, %get3A_1549] {strides = array<i32>} : memref<8x256xf32, #tpu.memory_space<vmem>>, vector<1x16xf32>,
    %get3A_1551 = vector.shape_cast %get3A_1550 : vector<1x16xf32> to vector<16xf32>
    %get3A_1552 = arith.constant 1520 : index
    %get3A_1553 = tpu.vector_load %arg8[%get3A_1552] {strides = array<i32>} : memref<2048xf32, #tpu.memory_space<vmem>>, vector<16xf32>,
    %get3A_1554 = vector.shape_cast %get3A_1553 : vector<16xf32> to vector<16xf32>
    %mul3A_1555 = arith.mulf %get3A_1551, %get3A_1554 : vector<16xf32>
    %add3A_1556 = arith.addf %add3A_1546, %mul3A_1555 : vector<16xf32>
    %get3A_1557 = arith.constant 6 : i32
    %get3A_1558 = arith.index_cast %get3A_1557 : i32 to index
    %get3A_1559 = arith.constant 240 : index
    %get3A_1560 = tpu.vector_load %arg7[%get3A_1558, %get3A_1559] {strides = array<i32>} : memref<8x256xf32, #tpu.memory_space<vmem>>, vector<1x16xf32>,
    %get3A_1561 = vector.shape_cast %get3A_1560 : vector<1x16xf32> to vector<16xf32>
    %get3A_1562 = arith.constant 1776 : index
    %get3A_1563 = tpu.vector_load %arg8[%get3A_1562] {strides = array<i32>} : memref<2048xf32, #tpu.memory_space<vmem>>, vector<16xf32>,
    %get3A_1564 = vector.shape_cast %get3A_1563 : vector<16xf32> to vector<16xf32>
    %mul3A_1565 = arith.mulf %get3A_1561, %get3A_1564 : vector<16xf32>
    %add3A_1566 = arith.addf %add3A_1556, %mul3A_1565 : vector<16xf32>
    %get3A_1567 = arith.constant 7 : i32
    %get3A_1568 = arith.index_cast %get3A_1567 : i32 to index
    %get3A_1569 = arith.constant 240 : index
    %get3A_1570 = tpu.vector_load %arg7[%get3A_1568, %get3A_1569] {strides = array<i32>} : memref<8x256xf32, #tpu.memory_space<vmem>>, vector<1x16xf32>,
    %get3A_1571 = vector.shape_cast %get3A_1570 : vector<1x16xf32> to vector<16xf32>
    %get3A_1572 = arith.constant 2032 : index
    %get3A_1573 = tpu.vector_load %arg8[%get3A_1572] {strides = array<i32>} : memref<2048xf32, #tpu.memory_space<vmem>>, vector<16xf32>,
    %get3A_1574 = vector.shape_cast %get3A_1573 : vector<16xf32> to vector<16xf32>
    %mul3A_1575 = arith.mulf %get3A_1571, %get3A_1574 : vector<16xf32>
    %add3A_1576 = arith.addf %add3A_1566, %mul3A_1575 : vector<16xf32>
    %swap3A_1577 = arith.constant 240 : index
    %swap3A_1578 = tpu.vector_load %arg9[%swap3A_1577] {strides = array<i32>} : memref<256xf32, #tpu.memory_space<vmem>>, vector<16xf32>,
    %swap3A_1579 = vector.shape_cast %swap3A_1578 : vector<16xf32> to vector<16xf32>
    %swap3A_1580 = vector.shape_cast %add3A_1576 : vector<16xf32> to vector<16xf32>
    tpu.vector_store %arg9[%swap3A_1577], %swap3A_1580 {strides = array<i32>} : memref<256xf32, #tpu.memory_space<vmem>>, vector<16xf32>,
    "tpu.region"() ({
      %run_scoped3A = tpu.sem_alloc : memref<!tpu.dma_semaphore, #tpu.memory_space<semaphore_mem>>
      %dma_start3A_1581 = arith.constant 0 : i32
      %dma_start3A_1582 = tpu.memref_slice %arg5[%add3A, %dma_start3A_1581] : memref<32x256xf32, #tpu.memory_space<hbm>> -> memref<1x256xf32, #tpu.memory_space<hbm>>
      %dma_start3A_1583 = tpu.memref_squeeze %dma_start3A_1582 : memref<1x256xf32, #tpu.memory_space<hbm>> -> memref<256xf32, #tpu.memory_space<hbm>>
      %dma_start3A_1584 = arith.constant 0 : i32
      %dma_start3A_1585 = tpu.memref_slice %arg5[%add3A, %dma_start3A_1584] : memref<32x256xf32, #tpu.memory_space<hbm>> -> memref<1x256xf32, #tpu.memory_space<hbm>>
      %dma_start3A_1586 = tpu.memref_squeeze %dma_start3A_1585 : memref<1x256xf32, #tpu.memory_space<hbm>> -> memref<256xf32, #tpu.memory_space<hbm>>
      tpu.enqueue_dma source(%arg9 : memref<256xf32, #tpu.memory_space<vmem>>) target(%dma_start3A_1586 : memref<256xf32, #tpu.memory_space<hbm>>) target_semaphore(%run_scoped3A : memref<!tpu.dma_semaphore, #tpu.memory_space<semaphore_mem>>)
      %dma_wait3A_1587 = arith.constant 0 : i32
      %dma_wait3A_1588 = tpu.memref_slice %arg5[%add3A, %dma_wait3A_1587] : memref<32x256xf32, #tpu.memory_space<hbm>> -> memref<1x256xf32, #tpu.memory_space<hbm>>
      %dma_wait3A_1589 = tpu.memref_squeeze %dma_wait3A_1588 : memref<1x256xf32, #tpu.memory_space<hbm>> -> memref<256xf32, #tpu.memory_space<hbm>>
      %dma_wait3A_1590 = arith.constant 0 : i32
      %dma_wait3A_1591 = tpu.memref_slice %arg5[%add3A, %dma_wait3A_1590] : memref<32x256xf32, #tpu.memory_space<hbm>> -> memref<1x256xf32, #tpu.memory_space<hbm>>
      %dma_wait3A_1592 = tpu.memref_squeeze %dma_wait3A_1591 : memref<1x256xf32, #tpu.memory_space<hbm>> -> memref<256xf32, #tpu.memory_space<hbm>>
      tpu.wait_dma2 semaphore(%run_scoped3A : memref<!tpu.dma_semaphore, #tpu.memory_space<semaphore_mem>>) src(%arg9 : memref<256xf32, #tpu.memory_space<vmem>>) dst(%dma_wait3A_1592 : memref<256xf32, #tpu.memory_space<hbm>>)
      tpu.yield
    }) : () -> ()
    return
  }
}

module attributes {stable_mosaic.version = 14 : i64} {
  func.func @_stream_body(%arg0: i32, %arg1: i32, %arg2: memref<1x256x128xf32, #tpu.memory_space<vmem>>, %arg3: memref<1x256x1xf32, #tpu.memory_space<vmem>>, %arg4: memref<4096x128xf32, #tpu.memory_space<vmem>>, %arg5: memref<1x4096xf32, #tpu.memory_space<vmem>>, %arg6: memref<1x256x2048xf32, #tpu.memory_space<vmem>>, %arg7: memref<1x256x2048xf32, #tpu.memory_space<vmem>>, %arg8: memref<1x256x2048xf32, #tpu.memory_space<vmem>>, %arg9: memref<1x256x2048xi32, #tpu.memory_space<vmem>>, %arg10: memref<1x256x2048xi32, #tpu.memory_space<vmem>>, %arg11: memref<1x256x2048xi32, #tpu.memory_space<vmem>>) attributes {dimension_semantics = [#tpu.dimension_semantics<arbitrary>, #tpu.dimension_semantics<arbitrary>], iteration_bounds = array<i64: 4, 25>, scalar_prefetch = 0 : i64, scratch_operands = 0 : i64, tpu.core_type = #tpu.core_type<tc>, window_params = [{transform_indices = @transform_0, window_bounds = array<i64: 1, 256, 128>}, {transform_indices = @transform_1, window_bounds = array<i64: 1, 256, 1>}, {transform_indices = @transform_2, window_bounds = array<i64: 4096, 128>}, {transform_indices = @transform_3, window_bounds = array<i64: 1, 4096>}, {transform_indices = @transform_4, window_bounds = array<i64: 1, 256, 2048>}, {transform_indices = @transform_5, window_bounds = array<i64: 1, 256, 2048>}, {transform_indices = @transform_6, window_bounds = array<i64: 1, 256, 2048>}, {transform_indices = @transform_7, window_bounds = array<i64: 1, 256, 2048>}, {transform_indices = @transform_8, window_bounds = array<i64: 1, 256, 2048>}, {transform_indices = @transform_9, window_bounds = array<i64: 1, 256, 2048>}]} {
    %eq3A = arith.constant 0 : i32
    %eq3A_0 = arith.cmpi eq, %arg1, %eq3A : i32
    %convert_element_type3A = arith.extui %eq3A_0 : i1 to i32
    %cond3A = arith.constant 0 : i32
    %cond3A_1 = arith.cmpi ne, %convert_element_type3A, %cond3A : i32
    scf.if %cond3A_1 {
      %broadcast_in_dim3A_125 = arith.constant 0x7F800000 : f32
      %broadcast_in_dim3A_126 = vector.broadcast %broadcast_in_dim3A_125 : f32 to vector<256x2048xf32>
      %broadcast_in_dim3A_127 = arith.constant 0 : i32
      %broadcast_in_dim3A_128 = vector.broadcast %broadcast_in_dim3A_127 : i32 to vector<256x2048xi32>
      %swap3A_129 = arith.constant 0 : index
      %swap3A_130 = arith.constant 0 : index
      %swap3A_131 = arith.constant 0 : index
      %swap3A_132 = vector.load %arg6[%swap3A_129, %swap3A_130, %swap3A_131] : memref<1x256x2048xf32, #tpu.memory_space<vmem>>, vector<1x256x2048xf32>
      %swap3A_133 = vector.shape_cast %swap3A_132 : vector<1x256x2048xf32> to vector<256x2048xf32>
      %swap3A_134 = vector.shape_cast %broadcast_in_dim3A_126 : vector<256x2048xf32> to vector<1x256x2048xf32>
      tpu.vector_store %arg6[%swap3A_129, %swap3A_130, %swap3A_131], %swap3A_134 {strides = array<i32>} : memref<1x256x2048xf32, #tpu.memory_space<vmem>>, vector<1x256x2048xf32>,
      %swap3A_135 = arith.constant 0 : index
      %swap3A_136 = arith.constant 0 : index
      %swap3A_137 = arith.constant 0 : index
      %swap3A_138 = vector.load %arg7[%swap3A_135, %swap3A_136, %swap3A_137] : memref<1x256x2048xf32, #tpu.memory_space<vmem>>, vector<1x256x2048xf32>
      %swap3A_139 = vector.shape_cast %swap3A_138 : vector<1x256x2048xf32> to vector<256x2048xf32>
      %swap3A_140 = vector.shape_cast %broadcast_in_dim3A_126 : vector<256x2048xf32> to vector<1x256x2048xf32>
      tpu.vector_store %arg7[%swap3A_135, %swap3A_136, %swap3A_137], %swap3A_140 {strides = array<i32>} : memref<1x256x2048xf32, #tpu.memory_space<vmem>>, vector<1x256x2048xf32>,
      %swap3A_141 = arith.constant 0 : index
      %swap3A_142 = arith.constant 0 : index
      %swap3A_143 = arith.constant 0 : index
      %swap3A_144 = vector.load %arg8[%swap3A_141, %swap3A_142, %swap3A_143] : memref<1x256x2048xf32, #tpu.memory_space<vmem>>, vector<1x256x2048xf32>
      %swap3A_145 = vector.shape_cast %swap3A_144 : vector<1x256x2048xf32> to vector<256x2048xf32>
      %swap3A_146 = vector.shape_cast %broadcast_in_dim3A_126 : vector<256x2048xf32> to vector<1x256x2048xf32>
      tpu.vector_store %arg8[%swap3A_141, %swap3A_142, %swap3A_143], %swap3A_146 {strides = array<i32>} : memref<1x256x2048xf32, #tpu.memory_space<vmem>>, vector<1x256x2048xf32>,
      %swap3A_147 = arith.constant 0 : index
      %swap3A_148 = arith.constant 0 : index
      %swap3A_149 = arith.constant 0 : index
      %swap3A_150 = vector.load %arg9[%swap3A_147, %swap3A_148, %swap3A_149] : memref<1x256x2048xi32, #tpu.memory_space<vmem>>, vector<1x256x2048xi32>
      %swap3A_151 = vector.shape_cast %swap3A_150 : vector<1x256x2048xi32> to vector<256x2048xi32>
      %swap3A_152 = vector.shape_cast %broadcast_in_dim3A_128 : vector<256x2048xi32> to vector<1x256x2048xi32>
      tpu.vector_store %arg9[%swap3A_147, %swap3A_148, %swap3A_149], %swap3A_152 {strides = array<i32>} : memref<1x256x2048xi32, #tpu.memory_space<vmem>>, vector<1x256x2048xi32>,
      %swap3A_153 = arith.constant 0 : index
      %swap3A_154 = arith.constant 0 : index
      %swap3A_155 = arith.constant 0 : index
      %swap3A_156 = vector.load %arg10[%swap3A_153, %swap3A_154, %swap3A_155] : memref<1x256x2048xi32, #tpu.memory_space<vmem>>, vector<1x256x2048xi32>
      %swap3A_157 = vector.shape_cast %swap3A_156 : vector<1x256x2048xi32> to vector<256x2048xi32>
      %swap3A_158 = vector.shape_cast %broadcast_in_dim3A_128 : vector<256x2048xi32> to vector<1x256x2048xi32>
      tpu.vector_store %arg10[%swap3A_153, %swap3A_154, %swap3A_155], %swap3A_158 {strides = array<i32>} : memref<1x256x2048xi32, #tpu.memory_space<vmem>>, vector<1x256x2048xi32>,
      %swap3A_159 = arith.constant 0 : index
      %swap3A_160 = arith.constant 0 : index
      %swap3A_161 = arith.constant 0 : index
      %swap3A_162 = vector.load %arg11[%swap3A_159, %swap3A_160, %swap3A_161] : memref<1x256x2048xi32, #tpu.memory_space<vmem>>, vector<1x256x2048xi32>
      %swap3A_163 = vector.shape_cast %swap3A_162 : vector<1x256x2048xi32> to vector<256x2048xi32>
      %swap3A_164 = vector.shape_cast %broadcast_in_dim3A_128 : vector<256x2048xi32> to vector<1x256x2048xi32>
      tpu.vector_store %arg11[%swap3A_159, %swap3A_160, %swap3A_161], %swap3A_164 {strides = array<i32>} : memref<1x256x2048xi32, #tpu.memory_space<vmem>>, vector<1x256x2048xi32>,
    } else {
    }
    %get3A = arith.constant 0 : index
    %get3A_2 = arith.constant 0 : index
    %get3A_3 = arith.constant 0 : index
    %get3A_4 = vector.load %arg2[%get3A, %get3A_2, %get3A_3] : memref<1x256x128xf32, #tpu.memory_space<vmem>>, vector<1x256x128xf32>
    %get3A_5 = vector.shape_cast %get3A_4 : vector<1x256x128xf32> to vector<256x128xf32>
    %get3A_6 = arith.constant 0 : index
    %get3A_7 = arith.constant 0 : index
    %get3A_8 = vector.load %arg4[%get3A_6, %get3A_7] : memref<4096x128xf32, #tpu.memory_space<vmem>>, vector<4096x128xf32>
    %dot_general3A = arith.constant dense<0.000000e+00> : vector<256x4096xf32>
    %dot_general3A_9 = tpu.matmul %get3A_5, %get3A_8, %dot_general3A {dimension_numbers = #tpu.dot_dimension_numbers<[1], [1], [0], [0], [0, 0, 1, 0], [], []>, transpose_lhs_hint = false} : vector<256x128xf32>, vector<4096x128xf32>, vector<256x4096xf32> -> vector<256x4096xf32>
    %get3A_10 = arith.constant 0 : index
    %get3A_11 = arith.constant 0 : index
    %get3A_12 = arith.constant 0 : index
    %get3A_13 = vector.load %arg3[%get3A_10, %get3A_11, %get3A_12] : memref<1x256x1xf32, #tpu.memory_space<vmem>>, vector<1x256x1xf32>
    %get3A_14 = vector.shape_cast %get3A_13 : vector<1x256x1xf32> to vector<256x1xf32>
    %get3A_15 = arith.constant 0 : index
    %get3A_16 = arith.constant 0 : index
    %get3A_17 = vector.load %arg5[%get3A_15, %get3A_16] : memref<1x4096xf32, #tpu.memory_space<vmem>>, vector<1x4096xf32>
    %add3A = vector.broadcast %get3A_14 : vector<256x1xf32> to vector<256x4096xf32>
    %add3A_18 = vector.broadcast %get3A_17 : vector<1x4096xf32> to vector<256x4096xf32>
    %add3A_19 = arith.addf %add3A, %add3A_18 : vector<256x4096xf32>
    %mul3A = arith.constant 2.000000e+00 : f32
    %mul3A_20 = vector.broadcast %mul3A : f32 to vector<256x4096xf32>
    %mul3A_21 = arith.mulf %mul3A_20, %dot_general3A_9 : vector<256x4096xf32>
    %sub3A = arith.subf %add3A_19, %mul3A_21 : vector<256x4096xf32>
    %get3A_22 = arith.constant 0 : index
    %get3A_23 = arith.constant 0 : index
    %get3A_24 = arith.constant 0 : index
    %get3A_25 = vector.load %arg6[%get3A_22, %get3A_23, %get3A_24] : memref<1x256x2048xf32, #tpu.memory_space<vmem>>, vector<1x256x2048xf32>
    %get3A_26 = vector.shape_cast %get3A_25 : vector<1x256x2048xf32> to vector<256x2048xf32>
    %get3A_27 = arith.constant 0 : index
    %get3A_28 = arith.constant 0 : index
    %get3A_29 = arith.constant 0 : index
    %get3A_30 = vector.load %arg7[%get3A_27, %get3A_28, %get3A_29] : memref<1x256x2048xf32, #tpu.memory_space<vmem>>, vector<1x256x2048xf32>
    %get3A_31 = vector.shape_cast %get3A_30 : vector<1x256x2048xf32> to vector<256x2048xf32>
    %get3A_32 = arith.constant 0 : index
    %get3A_33 = arith.constant 0 : index
    %get3A_34 = arith.constant 0 : index
    %get3A_35 = vector.load %arg8[%get3A_32, %get3A_33, %get3A_34] : memref<1x256x2048xf32, #tpu.memory_space<vmem>>, vector<1x256x2048xf32>
    %get3A_36 = vector.shape_cast %get3A_35 : vector<1x256x2048xf32> to vector<256x2048xf32>
    %get3A_37 = arith.constant 0 : index
    %get3A_38 = arith.constant 0 : index
    %get3A_39 = arith.constant 0 : index
    %get3A_40 = vector.load %arg9[%get3A_37, %get3A_38, %get3A_39] : memref<1x256x2048xi32, #tpu.memory_space<vmem>>, vector<1x256x2048xi32>
    %get3A_41 = vector.shape_cast %get3A_40 : vector<1x256x2048xi32> to vector<256x2048xi32>
    %get3A_42 = arith.constant 0 : index
    %get3A_43 = arith.constant 0 : index
    %get3A_44 = arith.constant 0 : index
    %get3A_45 = vector.load %arg10[%get3A_42, %get3A_43, %get3A_44] : memref<1x256x2048xi32, #tpu.memory_space<vmem>>, vector<1x256x2048xi32>
    %get3A_46 = vector.shape_cast %get3A_45 : vector<1x256x2048xi32> to vector<256x2048xi32>
    %get3A_47 = arith.constant 0 : index
    %get3A_48 = arith.constant 0 : index
    %get3A_49 = arith.constant 0 : index
    %get3A_50 = vector.load %arg11[%get3A_47, %get3A_48, %get3A_49] : memref<1x256x2048xi32, #tpu.memory_space<vmem>>, vector<1x256x2048xi32>
    %get3A_51 = vector.shape_cast %get3A_50 : vector<1x256x2048xi32> to vector<256x2048xi32>
    %slice3A = vector.extract_strided_slice %sub3A {offsets = [0, 0], sizes = [256, 2048], strides = [1, 1]} : vector<256x4096xf32> to vector<256x2048xf32>
    %mul3A_52 = arith.constant 2 : i32
    %mul3A_53 = arith.muli %arg1, %mul3A_52 : i32
    %add3A_54 = arith.constant 0 : i32
    %add3A_55 = arith.addi %mul3A_53, %add3A_54 : i32
    %lt3A = arith.cmpf olt, %slice3A, %get3A_26 : vector<256x2048xf32>
    %lt3A_56 = arith.cmpf olt, %slice3A, %get3A_31 : vector<256x2048xf32>
    %lt3A_57 = arith.cmpf olt, %slice3A, %get3A_36 : vector<256x2048xf32>
    %select_n3A = arith.select %lt3A, %slice3A, %get3A_26 : vector<256x2048xi1>, vector<256x2048xf32>
    %broadcast_in_dim3A = vector.broadcast %add3A_55 : i32 to vector<256x2048xi32>
    %select_n3A_58 = arith.select %lt3A, %broadcast_in_dim3A, %get3A_41 : vector<256x2048xi1>, vector<256x2048xi32>
    %select_n3A_59 = arith.select %lt3A_56, %slice3A, %get3A_31 : vector<256x2048xi1>, vector<256x2048xf32>
    %select_n3A_60 = arith.select %lt3A, %get3A_26, %select_n3A_59 : vector<256x2048xi1>, vector<256x2048xf32>
    %broadcast_in_dim3A_61 = vector.broadcast %add3A_55 : i32 to vector<256x2048xi32>
    %select_n3A_62 = arith.select %lt3A_56, %broadcast_in_dim3A_61, %get3A_46 : vector<256x2048xi1>, vector<256x2048xi32>
    %select_n3A_63 = arith.select %lt3A, %get3A_41, %select_n3A_62 : vector<256x2048xi1>, vector<256x2048xi32>
    %select_n3A_64 = arith.select %lt3A_57, %slice3A, %get3A_36 : vector<256x2048xi1>, vector<256x2048xf32>
    %select_n3A_65 = arith.select %lt3A_56, %get3A_31, %select_n3A_64 : vector<256x2048xi1>, vector<256x2048xf32>
    %broadcast_in_dim3A_66 = vector.broadcast %add3A_55 : i32 to vector<256x2048xi32>
    %select_n3A_67 = arith.select %lt3A_57, %broadcast_in_dim3A_66, %get3A_51 : vector<256x2048xi1>, vector<256x2048xi32>
    %select_n3A_68 = arith.select %lt3A_56, %get3A_46, %select_n3A_67 : vector<256x2048xi1>, vector<256x2048xi32>
    %slice3A_69 = vector.extract_strided_slice %sub3A {offsets = [0, 2048], sizes = [256, 2048], strides = [1, 1]} : vector<256x4096xf32> to vector<256x2048xf32>
    %mul3A_70 = arith.constant 2 : i32
    %mul3A_71 = arith.muli %arg1, %mul3A_70 : i32
    %add3A_72 = arith.constant 1 : i32
    %add3A_73 = arith.addi %mul3A_71, %add3A_72 : i32
    %lt3A_74 = arith.cmpf olt, %slice3A_69, %select_n3A : vector<256x2048xf32>
    %lt3A_75 = arith.cmpf olt, %slice3A_69, %select_n3A_60 : vector<256x2048xf32>
    %lt3A_76 = arith.cmpf olt, %slice3A_69, %select_n3A_65 : vector<256x2048xf32>
    %select_n3A_77 = arith.select %lt3A_74, %slice3A_69, %select_n3A : vector<256x2048xi1>, vector<256x2048xf32>
    %broadcast_in_dim3A_78 = vector.broadcast %add3A_73 : i32 to vector<256x2048xi32>
    %select_n3A_79 = arith.select %lt3A_74, %broadcast_in_dim3A_78, %select_n3A_58 : vector<256x2048xi1>, vector<256x2048xi32>
    %select_n3A_80 = arith.select %lt3A_75, %slice3A_69, %select_n3A_60 : vector<256x2048xi1>, vector<256x2048xf32>
    %select_n3A_81 = arith.select %lt3A_74, %select_n3A, %select_n3A_80 : vector<256x2048xi1>, vector<256x2048xf32>
    %broadcast_in_dim3A_82 = vector.broadcast %add3A_73 : i32 to vector<256x2048xi32>
    %select_n3A_83 = arith.select %lt3A_75, %broadcast_in_dim3A_82, %select_n3A_63 : vector<256x2048xi1>, vector<256x2048xi32>
    %select_n3A_84 = arith.select %lt3A_74, %select_n3A_58, %select_n3A_83 : vector<256x2048xi1>, vector<256x2048xi32>
    %select_n3A_85 = arith.select %lt3A_76, %slice3A_69, %select_n3A_65 : vector<256x2048xi1>, vector<256x2048xf32>
    %select_n3A_86 = arith.select %lt3A_75, %select_n3A_60, %select_n3A_85 : vector<256x2048xi1>, vector<256x2048xf32>
    %broadcast_in_dim3A_87 = vector.broadcast %add3A_73 : i32 to vector<256x2048xi32>
    %select_n3A_88 = arith.select %lt3A_76, %broadcast_in_dim3A_87, %select_n3A_68 : vector<256x2048xi1>, vector<256x2048xi32>
    %select_n3A_89 = arith.select %lt3A_75, %select_n3A_63, %select_n3A_88 : vector<256x2048xi1>, vector<256x2048xi32>
    %swap3A = arith.constant 0 : index
    %swap3A_90 = arith.constant 0 : index
    %swap3A_91 = arith.constant 0 : index
    %swap3A_92 = vector.load %arg6[%swap3A, %swap3A_90, %swap3A_91] : memref<1x256x2048xf32, #tpu.memory_space<vmem>>, vector<1x256x2048xf32>
    %swap3A_93 = vector.shape_cast %swap3A_92 : vector<1x256x2048xf32> to vector<256x2048xf32>
    %swap3A_94 = vector.shape_cast %select_n3A_77 : vector<256x2048xf32> to vector<1x256x2048xf32>
    tpu.vector_store %arg6[%swap3A, %swap3A_90, %swap3A_91], %swap3A_94 {strides = array<i32>} : memref<1x256x2048xf32, #tpu.memory_space<vmem>>, vector<1x256x2048xf32>,
    %swap3A_95 = arith.constant 0 : index
    %swap3A_96 = arith.constant 0 : index
    %swap3A_97 = arith.constant 0 : index
    %swap3A_98 = vector.load %arg7[%swap3A_95, %swap3A_96, %swap3A_97] : memref<1x256x2048xf32, #tpu.memory_space<vmem>>, vector<1x256x2048xf32>
    %swap3A_99 = vector.shape_cast %swap3A_98 : vector<1x256x2048xf32> to vector<256x2048xf32>
    %swap3A_100 = vector.shape_cast %select_n3A_81 : vector<256x2048xf32> to vector<1x256x2048xf32>
    tpu.vector_store %arg7[%swap3A_95, %swap3A_96, %swap3A_97], %swap3A_100 {strides = array<i32>} : memref<1x256x2048xf32, #tpu.memory_space<vmem>>, vector<1x256x2048xf32>,
    %swap3A_101 = arith.constant 0 : index
    %swap3A_102 = arith.constant 0 : index
    %swap3A_103 = arith.constant 0 : index
    %swap3A_104 = vector.load %arg8[%swap3A_101, %swap3A_102, %swap3A_103] : memref<1x256x2048xf32, #tpu.memory_space<vmem>>, vector<1x256x2048xf32>
    %swap3A_105 = vector.shape_cast %swap3A_104 : vector<1x256x2048xf32> to vector<256x2048xf32>
    %swap3A_106 = vector.shape_cast %select_n3A_86 : vector<256x2048xf32> to vector<1x256x2048xf32>
    tpu.vector_store %arg8[%swap3A_101, %swap3A_102, %swap3A_103], %swap3A_106 {strides = array<i32>} : memref<1x256x2048xf32, #tpu.memory_space<vmem>>, vector<1x256x2048xf32>,
    %swap3A_107 = arith.constant 0 : index
    %swap3A_108 = arith.constant 0 : index
    %swap3A_109 = arith.constant 0 : index
    %swap3A_110 = vector.load %arg9[%swap3A_107, %swap3A_108, %swap3A_109] : memref<1x256x2048xi32, #tpu.memory_space<vmem>>, vector<1x256x2048xi32>
    %swap3A_111 = vector.shape_cast %swap3A_110 : vector<1x256x2048xi32> to vector<256x2048xi32>
    %swap3A_112 = vector.shape_cast %select_n3A_79 : vector<256x2048xi32> to vector<1x256x2048xi32>
    tpu.vector_store %arg9[%swap3A_107, %swap3A_108, %swap3A_109], %swap3A_112 {strides = array<i32>} : memref<1x256x2048xi32, #tpu.memory_space<vmem>>, vector<1x256x2048xi32>,
    %swap3A_113 = arith.constant 0 : index
    %swap3A_114 = arith.constant 0 : index
    %swap3A_115 = arith.constant 0 : index
    %swap3A_116 = vector.load %arg10[%swap3A_113, %swap3A_114, %swap3A_115] : memref<1x256x2048xi32, #tpu.memory_space<vmem>>, vector<1x256x2048xi32>
    %swap3A_117 = vector.shape_cast %swap3A_116 : vector<1x256x2048xi32> to vector<256x2048xi32>
    %swap3A_118 = vector.shape_cast %select_n3A_84 : vector<256x2048xi32> to vector<1x256x2048xi32>
    tpu.vector_store %arg10[%swap3A_113, %swap3A_114, %swap3A_115], %swap3A_118 {strides = array<i32>} : memref<1x256x2048xi32, #tpu.memory_space<vmem>>, vector<1x256x2048xi32>,
    %swap3A_119 = arith.constant 0 : index
    %swap3A_120 = arith.constant 0 : index
    %swap3A_121 = arith.constant 0 : index
    %swap3A_122 = vector.load %arg11[%swap3A_119, %swap3A_120, %swap3A_121] : memref<1x256x2048xi32, #tpu.memory_space<vmem>>, vector<1x256x2048xi32>
    %swap3A_123 = vector.shape_cast %swap3A_122 : vector<1x256x2048xi32> to vector<256x2048xi32>
    %swap3A_124 = vector.shape_cast %select_n3A_89 : vector<256x2048xi32> to vector<1x256x2048xi32>
    tpu.vector_store %arg11[%swap3A_119, %swap3A_120, %swap3A_121], %swap3A_124 {strides = array<i32>} : memref<1x256x2048xi32, #tpu.memory_space<vmem>>, vector<1x256x2048xi32>,
    return
  }
  func.func @transform_0(%arg0: i32, %arg1: i32) -> (i32, i32, i32) {
    %c0_i32 = arith.constant 0 : i32
    %c0_i32_0 = arith.constant 0 : i32
    %c0_i32_1 = arith.constant 0 : i32
    return %arg0, %c0_i32, %c0_i32_0 : i32, i32, i32
  }
  func.func @transform_1(%arg0: i32, %arg1: i32) -> (i32, i32, i32) {
    %c0_i32 = arith.constant 0 : i32
    %c0_i32_0 = arith.constant 0 : i32
    %c0_i32_1 = arith.constant 0 : i32
    return %arg0, %c0_i32, %c0_i32_0 : i32, i32, i32
  }
  func.func @transform_2(%arg0: i32, %arg1: i32) -> (i32, i32) {
    %c0_i32 = arith.constant 0 : i32
    %c0_i32_0 = arith.constant 0 : i32
    return %arg1, %c0_i32 : i32, i32
  }
  func.func @transform_3(%arg0: i32, %arg1: i32) -> (i32, i32) {
    %c0_i32 = arith.constant 0 : i32
    %c0_i32_0 = arith.constant 0 : i32
    return %c0_i32, %arg1 : i32, i32
  }
  func.func @transform_4(%arg0: i32, %arg1: i32) -> (i32, i32, i32) {
    %c0_i32 = arith.constant 0 : i32
    %c0_i32_0 = arith.constant 0 : i32
    %c0_i32_1 = arith.constant 0 : i32
    return %arg0, %c0_i32, %c0_i32_0 : i32, i32, i32
  }
  func.func @transform_5(%arg0: i32, %arg1: i32) -> (i32, i32, i32) {
    %c0_i32 = arith.constant 0 : i32
    %c0_i32_0 = arith.constant 0 : i32
    %c0_i32_1 = arith.constant 0 : i32
    return %arg0, %c0_i32, %c0_i32_0 : i32, i32, i32
  }
  func.func @transform_6(%arg0: i32, %arg1: i32) -> (i32, i32, i32) {
    %c0_i32 = arith.constant 0 : i32
    %c0_i32_0 = arith.constant 0 : i32
    %c0_i32_1 = arith.constant 0 : i32
    return %arg0, %c0_i32, %c0_i32_0 : i32, i32, i32
  }
  func.func @transform_7(%arg0: i32, %arg1: i32) -> (i32, i32, i32) {
    %c0_i32 = arith.constant 0 : i32
    %c0_i32_0 = arith.constant 0 : i32
    %c0_i32_1 = arith.constant 0 : i32
    return %arg0, %c0_i32, %c0_i32_0 : i32, i32, i32
  }
  func.func @transform_8(%arg0: i32, %arg1: i32) -> (i32, i32, i32) {
    %c0_i32 = arith.constant 0 : i32
    %c0_i32_0 = arith.constant 0 : i32
    %c0_i32_1 = arith.constant 0 : i32
    return %arg0, %c0_i32, %c0_i32_0 : i32, i32, i32
  }
  func.func @transform_9(%arg0: i32, %arg1: i32) -> (i32, i32, i32) {
    %c0_i32 = arith.constant 0 : i32
    %c0_i32_0 = arith.constant 0 : i32
    %c0_i32_1 = arith.constant 0 : i32
    return %arg0, %c0_i32, %c0_i32_0 : i32, i32, i32
  }
}

module attributes {stable_mosaic.version = 14 : i64} {
  func.func @_extract_body(%arg0: i32, %arg1: memref<1x64x2048xf32, #tpu.memory_space<vmem>>, %arg2: memref<1x64x2048xf32, #tpu.memory_space<vmem>>, %arg3: memref<1x64x2048xf32, #tpu.memory_space<vmem>>, %arg4: memref<1x64x2048xi32, #tpu.memory_space<vmem>>, %arg5: memref<1x64x2048xi32, #tpu.memory_space<vmem>>, %arg6: memref<1x64x2048xi32, #tpu.memory_space<vmem>>, %arg7: memref<64x8xi32, #tpu.memory_space<vmem>>, %arg8: memref<64x8xf32, #tpu.memory_space<vmem>>) attributes {dimension_semantics = [#tpu.dimension_semantics<arbitrary>], iteration_bounds = array<i64: 16>, scalar_prefetch = 0 : i64, scratch_operands = 0 : i64, tpu.core_type = #tpu.core_type<tc>, window_params = [{transform_indices = @transform_0, window_bounds = array<i64: 1, 64, 2048>}, {transform_indices = @transform_1, window_bounds = array<i64: 1, 64, 2048>}, {transform_indices = @transform_2, window_bounds = array<i64: 1, 64, 2048>}, {transform_indices = @transform_3, window_bounds = array<i64: 1, 64, 2048>}, {transform_indices = @transform_4, window_bounds = array<i64: 1, 64, 2048>}, {transform_indices = @transform_5, window_bounds = array<i64: 1, 64, 2048>}, {transform_indices = @transform_6, window_bounds = array<i64: 64, 8>}, {transform_indices = @transform_7, window_bounds = array<i64: 64, 8>}]} {
    %get3A = arith.constant 0 : index
    %get3A_0 = arith.constant 0 : index
    %get3A_1 = arith.constant 0 : index
    %get3A_2 = vector.load %arg1[%get3A, %get3A_0, %get3A_1] : memref<1x64x2048xf32, #tpu.memory_space<vmem>>, vector<1x64x2048xf32>
    %get3A_3 = vector.shape_cast %get3A_2 : vector<1x64x2048xf32> to vector<64x2048xf32>
    %max3A = arith.constant 9.99999996E-13 : f32
    %max3A_4 = vector.broadcast %max3A : f32 to vector<64x2048xf32>
    %max3A_5 = arith.maximumf %get3A_3, %max3A_4 : vector<64x2048xf32>
    %sqrt3A = math.sqrt %max3A_5 : vector<64x2048xf32>
    %get3A_6 = arith.constant 0 : index
    %get3A_7 = arith.constant 0 : index
    %get3A_8 = arith.constant 0 : index
    %get3A_9 = vector.load %arg2[%get3A_6, %get3A_7, %get3A_8] : memref<1x64x2048xf32, #tpu.memory_space<vmem>>, vector<1x64x2048xf32>
    %get3A_10 = vector.shape_cast %get3A_9 : vector<1x64x2048xf32> to vector<64x2048xf32>
    %max3A_11 = arith.constant 9.99999996E-13 : f32
    %max3A_12 = vector.broadcast %max3A_11 : f32 to vector<64x2048xf32>
    %max3A_13 = arith.maximumf %get3A_10, %max3A_12 : vector<64x2048xf32>
    %sqrt3A_14 = math.sqrt %max3A_13 : vector<64x2048xf32>
    %get3A_15 = arith.constant 0 : index
    %get3A_16 = arith.constant 0 : index
    %get3A_17 = arith.constant 0 : index
    %get3A_18 = vector.load %arg3[%get3A_15, %get3A_16, %get3A_17] : memref<1x64x2048xf32, #tpu.memory_space<vmem>>, vector<1x64x2048xf32>
    %get3A_19 = vector.shape_cast %get3A_18 : vector<1x64x2048xf32> to vector<64x2048xf32>
    %max3A_20 = arith.constant 9.99999996E-13 : f32
    %max3A_21 = vector.broadcast %max3A_20 : f32 to vector<64x2048xf32>
    %max3A_22 = arith.maximumf %get3A_19, %max3A_21 : vector<64x2048xf32>
    %sqrt3A_23 = math.sqrt %max3A_22 : vector<64x2048xf32>
    %iota3A = tpu.iota {dimensions = array<i32: 1>} : vector<64x2048xi32>
    %get3A_24 = arith.constant 0 : index
    %get3A_25 = arith.constant 0 : index
    %get3A_26 = arith.constant 0 : index
    %get3A_27 = vector.load %arg4[%get3A_24, %get3A_25, %get3A_26] : memref<1x64x2048xi32, #tpu.memory_space<vmem>>, vector<1x64x2048xi32>
    %get3A_28 = vector.shape_cast %get3A_27 : vector<1x64x2048xi32> to vector<64x2048xi32>
    %mul3A = arith.constant 2048 : i32
    %mul3A_29 = vector.broadcast %mul3A : i32 to vector<64x2048xi32>
    %mul3A_30 = arith.muli %get3A_28, %mul3A_29 : vector<64x2048xi32>
    %add3A = arith.addi %mul3A_30, %iota3A : vector<64x2048xi32>
    %get3A_31 = arith.constant 0 : index
    %get3A_32 = arith.constant 0 : index
    %get3A_33 = arith.constant 0 : index
    %get3A_34 = vector.load %arg5[%get3A_31, %get3A_32, %get3A_33] : memref<1x64x2048xi32, #tpu.memory_space<vmem>>, vector<1x64x2048xi32>
    %get3A_35 = vector.shape_cast %get3A_34 : vector<1x64x2048xi32> to vector<64x2048xi32>
    %mul3A_36 = arith.constant 2048 : i32
    %mul3A_37 = vector.broadcast %mul3A_36 : i32 to vector<64x2048xi32>
    %mul3A_38 = arith.muli %get3A_35, %mul3A_37 : vector<64x2048xi32>
    %add3A_39 = arith.addi %mul3A_38, %iota3A : vector<64x2048xi32>
    %get3A_40 = arith.constant 0 : index
    %get3A_41 = arith.constant 0 : index
    %get3A_42 = arith.constant 0 : index
    %get3A_43 = vector.load %arg6[%get3A_40, %get3A_41, %get3A_42] : memref<1x64x2048xi32, #tpu.memory_space<vmem>>, vector<1x64x2048xi32>
    %get3A_44 = vector.shape_cast %get3A_43 : vector<1x64x2048xi32> to vector<64x2048xi32>
    %mul3A_45 = arith.constant 2048 : i32
    %mul3A_46 = vector.broadcast %mul3A_45 : i32 to vector<64x2048xi32>
    %mul3A_47 = arith.muli %get3A_44, %mul3A_46 : vector<64x2048xi32>
    %add3A_48 = arith.addi %mul3A_47, %iota3A : vector<64x2048xi32>
    %reduce_min3A = arith.constant dense<0x7F800000> : vector<64xf32>
    %reduce_min3A_49 = vector.multi_reduction <minimumf>, %sqrt3A, %reduce_min3A [1] : vector<64x2048xf32> to vector<64xf32>
    %broadcast_in_dim3A = vector.shape_cast %reduce_min3A_49 : vector<64xf32> to vector<64x1xf32>
    %eq3A = vector.broadcast %broadcast_in_dim3A : vector<64x1xf32> to vector<64x2048xf32>
    %eq3A_50 = arith.cmpf oeq, %sqrt3A, %eq3A : vector<64x2048xf32>
    %jit3A = arith.constant 1073741824 : i32
    %broadcast_in_dim3A_51 = vector.broadcast %jit3A : i32 to vector<64x2048xi32>
    %select_n3A = arith.select %eq3A_50, %add3A, %broadcast_in_dim3A_51 : vector<64x2048xi1>, vector<64x2048xi32>
    %reduce_min3A_52 = arith.constant dense<2147483647> : vector<64xi32>
    %reduce_min3A_53 = vector.multi_reduction <minsi>, %select_n3A, %reduce_min3A_52 [1] : vector<64x2048xi32> to vector<64xi32>
    %broadcast_in_dim3A_54 = vector.shape_cast %reduce_min3A_53 : vector<64xi32> to vector<64x1xi32>
    %eq3A_55 = vector.broadcast %broadcast_in_dim3A : vector<64x1xf32> to vector<64x2048xf32>
    %eq3A_56 = arith.cmpf oeq, %sqrt3A, %eq3A_55 : vector<64x2048xf32>
    %eq3A_57 = vector.broadcast %broadcast_in_dim3A_54 : vector<64x1xi32> to vector<64x2048xi32>
    %eq3A_58 = arith.cmpi eq, %add3A, %eq3A_57 : vector<64x2048xi32>
    %and3A = arith.andi %eq3A_56, %eq3A_58 : vector<64x2048xi1>
    %select_n3A_59 = arith.select %and3A, %sqrt3A_14, %sqrt3A : vector<64x2048xi1>, vector<64x2048xf32>
    %select_n3A_60 = arith.select %and3A, %add3A_39, %add3A : vector<64x2048xi1>, vector<64x2048xi32>
    %select_n3A_61 = arith.select %and3A, %sqrt3A_23, %sqrt3A_14 : vector<64x2048xi1>, vector<64x2048xf32>
    %select_n3A_62 = arith.select %and3A, %add3A_48, %add3A_39 : vector<64x2048xi1>, vector<64x2048xi32>
    %jit3A_63 = arith.constant 0x7F800000 : f32
    %broadcast_in_dim3A_64 = vector.broadcast %jit3A_63 : f32 to vector<64x2048xf32>
    %select_n3A_65 = arith.select %and3A, %broadcast_in_dim3A_64, %sqrt3A_23 : vector<64x2048xi1>, vector<64x2048xf32>
    %reduce_min3A_66 = arith.constant dense<0x7F800000> : vector<64xf32>
    %reduce_min3A_67 = vector.multi_reduction <minimumf>, %select_n3A_59, %reduce_min3A_66 [1] : vector<64x2048xf32> to vector<64xf32>
    %broadcast_in_dim3A_68 = vector.shape_cast %reduce_min3A_67 : vector<64xf32> to vector<64x1xf32>
    %eq3A_69 = vector.broadcast %broadcast_in_dim3A_68 : vector<64x1xf32> to vector<64x2048xf32>
    %eq3A_70 = arith.cmpf oeq, %select_n3A_59, %eq3A_69 : vector<64x2048xf32>
    %jit3A_71 = arith.constant 1073741824 : i32
    %broadcast_in_dim3A_72 = vector.broadcast %jit3A_71 : i32 to vector<64x2048xi32>
    %select_n3A_73 = arith.select %eq3A_70, %select_n3A_60, %broadcast_in_dim3A_72 : vector<64x2048xi1>, vector<64x2048xi32>
    %reduce_min3A_74 = arith.constant dense<2147483647> : vector<64xi32>
    %reduce_min3A_75 = vector.multi_reduction <minsi>, %select_n3A_73, %reduce_min3A_74 [1] : vector<64x2048xi32> to vector<64xi32>
    %broadcast_in_dim3A_76 = vector.shape_cast %reduce_min3A_75 : vector<64xi32> to vector<64x1xi32>
    %eq3A_77 = vector.broadcast %broadcast_in_dim3A_68 : vector<64x1xf32> to vector<64x2048xf32>
    %eq3A_78 = arith.cmpf oeq, %select_n3A_59, %eq3A_77 : vector<64x2048xf32>
    %eq3A_79 = vector.broadcast %broadcast_in_dim3A_76 : vector<64x1xi32> to vector<64x2048xi32>
    %eq3A_80 = arith.cmpi eq, %select_n3A_60, %eq3A_79 : vector<64x2048xi32>
    %and3A_81 = arith.andi %eq3A_78, %eq3A_80 : vector<64x2048xi1>
    %select_n3A_82 = arith.select %and3A_81, %select_n3A_61, %select_n3A_59 : vector<64x2048xi1>, vector<64x2048xf32>
    %select_n3A_83 = arith.select %and3A_81, %select_n3A_62, %select_n3A_60 : vector<64x2048xi1>, vector<64x2048xi32>
    %select_n3A_84 = arith.select %and3A_81, %select_n3A_65, %select_n3A_61 : vector<64x2048xi1>, vector<64x2048xf32>
    %select_n3A_85 = arith.select %and3A_81, %add3A_48, %select_n3A_62 : vector<64x2048xi1>, vector<64x2048xi32>
    %jit3A_86 = arith.constant 0x7F800000 : f32
    %broadcast_in_dim3A_87 = vector.broadcast %jit3A_86 : f32 to vector<64x2048xf32>
    %select_n3A_88 = arith.select %and3A_81, %broadcast_in_dim3A_87, %select_n3A_65 : vector<64x2048xi1>, vector<64x2048xf32>
    %reduce_min3A_89 = arith.constant dense<0x7F800000> : vector<64xf32>
    %reduce_min3A_90 = vector.multi_reduction <minimumf>, %select_n3A_82, %reduce_min3A_89 [1] : vector<64x2048xf32> to vector<64xf32>
    %broadcast_in_dim3A_91 = vector.shape_cast %reduce_min3A_90 : vector<64xf32> to vector<64x1xf32>
    %eq3A_92 = vector.broadcast %broadcast_in_dim3A_91 : vector<64x1xf32> to vector<64x2048xf32>
    %eq3A_93 = arith.cmpf oeq, %select_n3A_82, %eq3A_92 : vector<64x2048xf32>
    %jit3A_94 = arith.constant 1073741824 : i32
    %broadcast_in_dim3A_95 = vector.broadcast %jit3A_94 : i32 to vector<64x2048xi32>
    %select_n3A_96 = arith.select %eq3A_93, %select_n3A_83, %broadcast_in_dim3A_95 : vector<64x2048xi1>, vector<64x2048xi32>
    %reduce_min3A_97 = arith.constant dense<2147483647> : vector<64xi32>
    %reduce_min3A_98 = vector.multi_reduction <minsi>, %select_n3A_96, %reduce_min3A_97 [1] : vector<64x2048xi32> to vector<64xi32>
    %broadcast_in_dim3A_99 = vector.shape_cast %reduce_min3A_98 : vector<64xi32> to vector<64x1xi32>
    %eq3A_100 = vector.broadcast %broadcast_in_dim3A_91 : vector<64x1xf32> to vector<64x2048xf32>
    %eq3A_101 = arith.cmpf oeq, %select_n3A_82, %eq3A_100 : vector<64x2048xf32>
    %eq3A_102 = vector.broadcast %broadcast_in_dim3A_99 : vector<64x1xi32> to vector<64x2048xi32>
    %eq3A_103 = arith.cmpi eq, %select_n3A_83, %eq3A_102 : vector<64x2048xi32>
    %and3A_104 = arith.andi %eq3A_101, %eq3A_103 : vector<64x2048xi1>
    %select_n3A_105 = arith.select %and3A_104, %select_n3A_84, %select_n3A_82 : vector<64x2048xi1>, vector<64x2048xf32>
    %select_n3A_106 = arith.select %and3A_104, %select_n3A_85, %select_n3A_83 : vector<64x2048xi1>, vector<64x2048xi32>
    %select_n3A_107 = arith.select %and3A_104, %select_n3A_88, %select_n3A_84 : vector<64x2048xi1>, vector<64x2048xf32>
    %select_n3A_108 = arith.select %and3A_104, %add3A_48, %select_n3A_85 : vector<64x2048xi1>, vector<64x2048xi32>
    %jit3A_109 = arith.constant 0x7F800000 : f32
    %broadcast_in_dim3A_110 = vector.broadcast %jit3A_109 : f32 to vector<64x2048xf32>
    %select_n3A_111 = arith.select %and3A_104, %broadcast_in_dim3A_110, %select_n3A_88 : vector<64x2048xi1>, vector<64x2048xf32>
    %reduce_min3A_112 = arith.constant dense<0x7F800000> : vector<64xf32>
    %reduce_min3A_113 = vector.multi_reduction <minimumf>, %select_n3A_105, %reduce_min3A_112 [1] : vector<64x2048xf32> to vector<64xf32>
    %broadcast_in_dim3A_114 = vector.shape_cast %reduce_min3A_113 : vector<64xf32> to vector<64x1xf32>
    %eq3A_115 = vector.broadcast %broadcast_in_dim3A_114 : vector<64x1xf32> to vector<64x2048xf32>
    %eq3A_116 = arith.cmpf oeq, %select_n3A_105, %eq3A_115 : vector<64x2048xf32>
    %jit3A_117 = arith.constant 1073741824 : i32
    %broadcast_in_dim3A_118 = vector.broadcast %jit3A_117 : i32 to vector<64x2048xi32>
    %select_n3A_119 = arith.select %eq3A_116, %select_n3A_106, %broadcast_in_dim3A_118 : vector<64x2048xi1>, vector<64x2048xi32>
    %reduce_min3A_120 = arith.constant dense<2147483647> : vector<64xi32>
    %reduce_min3A_121 = vector.multi_reduction <minsi>, %select_n3A_119, %reduce_min3A_120 [1] : vector<64x2048xi32> to vector<64xi32>
    %broadcast_in_dim3A_122 = vector.shape_cast %reduce_min3A_121 : vector<64xi32> to vector<64x1xi32>
    %eq3A_123 = vector.broadcast %broadcast_in_dim3A_114 : vector<64x1xf32> to vector<64x2048xf32>
    %eq3A_124 = arith.cmpf oeq, %select_n3A_105, %eq3A_123 : vector<64x2048xf32>
    %eq3A_125 = vector.broadcast %broadcast_in_dim3A_122 : vector<64x1xi32> to vector<64x2048xi32>
    %eq3A_126 = arith.cmpi eq, %select_n3A_106, %eq3A_125 : vector<64x2048xi32>
    %and3A_127 = arith.andi %eq3A_124, %eq3A_126 : vector<64x2048xi1>
    %select_n3A_128 = arith.select %and3A_127, %select_n3A_107, %select_n3A_105 : vector<64x2048xi1>, vector<64x2048xf32>
    %select_n3A_129 = arith.select %and3A_127, %select_n3A_108, %select_n3A_106 : vector<64x2048xi1>, vector<64x2048xi32>
    %select_n3A_130 = arith.select %and3A_127, %select_n3A_111, %select_n3A_107 : vector<64x2048xi1>, vector<64x2048xf32>
    %select_n3A_131 = arith.select %and3A_127, %add3A_48, %select_n3A_108 : vector<64x2048xi1>, vector<64x2048xi32>
    %jit3A_132 = arith.constant 0x7F800000 : f32
    %broadcast_in_dim3A_133 = vector.broadcast %jit3A_132 : f32 to vector<64x2048xf32>
    %select_n3A_134 = arith.select %and3A_127, %broadcast_in_dim3A_133, %select_n3A_111 : vector<64x2048xi1>, vector<64x2048xf32>
    %reduce_min3A_135 = arith.constant dense<0x7F800000> : vector<64xf32>
    %reduce_min3A_136 = vector.multi_reduction <minimumf>, %select_n3A_128, %reduce_min3A_135 [1] : vector<64x2048xf32> to vector<64xf32>
    %broadcast_in_dim3A_137 = vector.shape_cast %reduce_min3A_136 : vector<64xf32> to vector<64x1xf32>
    %eq3A_138 = vector.broadcast %broadcast_in_dim3A_137 : vector<64x1xf32> to vector<64x2048xf32>
    %eq3A_139 = arith.cmpf oeq, %select_n3A_128, %eq3A_138 : vector<64x2048xf32>
    %jit3A_140 = arith.constant 1073741824 : i32
    %broadcast_in_dim3A_141 = vector.broadcast %jit3A_140 : i32 to vector<64x2048xi32>
    %select_n3A_142 = arith.select %eq3A_139, %select_n3A_129, %broadcast_in_dim3A_141 : vector<64x2048xi1>, vector<64x2048xi32>
    %reduce_min3A_143 = arith.constant dense<2147483647> : vector<64xi32>
    %reduce_min3A_144 = vector.multi_reduction <minsi>, %select_n3A_142, %reduce_min3A_143 [1] : vector<64x2048xi32> to vector<64xi32>
    %broadcast_in_dim3A_145 = vector.shape_cast %reduce_min3A_144 : vector<64xi32> to vector<64x1xi32>
    %eq3A_146 = vector.broadcast %broadcast_in_dim3A_137 : vector<64x1xf32> to vector<64x2048xf32>
    %eq3A_147 = arith.cmpf oeq, %select_n3A_128, %eq3A_146 : vector<64x2048xf32>
    %eq3A_148 = vector.broadcast %broadcast_in_dim3A_145 : vector<64x1xi32> to vector<64x2048xi32>
    %eq3A_149 = arith.cmpi eq, %select_n3A_129, %eq3A_148 : vector<64x2048xi32>
    %and3A_150 = arith.andi %eq3A_147, %eq3A_149 : vector<64x2048xi1>
    %select_n3A_151 = arith.select %and3A_150, %select_n3A_130, %select_n3A_128 : vector<64x2048xi1>, vector<64x2048xf32>
    %select_n3A_152 = arith.select %and3A_150, %select_n3A_131, %select_n3A_129 : vector<64x2048xi1>, vector<64x2048xi32>
    %select_n3A_153 = arith.select %and3A_150, %select_n3A_134, %select_n3A_130 : vector<64x2048xi1>, vector<64x2048xf32>
    %select_n3A_154 = arith.select %and3A_150, %add3A_48, %select_n3A_131 : vector<64x2048xi1>, vector<64x2048xi32>
    %jit3A_155 = arith.constant 0x7F800000 : f32
    %broadcast_in_dim3A_156 = vector.broadcast %jit3A_155 : f32 to vector<64x2048xf32>
    %select_n3A_157 = arith.select %and3A_150, %broadcast_in_dim3A_156, %select_n3A_134 : vector<64x2048xi1>, vector<64x2048xf32>
    %reduce_min3A_158 = arith.constant dense<0x7F800000> : vector<64xf32>
    %reduce_min3A_159 = vector.multi_reduction <minimumf>, %select_n3A_151, %reduce_min3A_158 [1] : vector<64x2048xf32> to vector<64xf32>
    %broadcast_in_dim3A_160 = vector.shape_cast %reduce_min3A_159 : vector<64xf32> to vector<64x1xf32>
    %eq3A_161 = vector.broadcast %broadcast_in_dim3A_160 : vector<64x1xf32> to vector<64x2048xf32>
    %eq3A_162 = arith.cmpf oeq, %select_n3A_151, %eq3A_161 : vector<64x2048xf32>
    %jit3A_163 = arith.constant 1073741824 : i32
    %broadcast_in_dim3A_164 = vector.broadcast %jit3A_163 : i32 to vector<64x2048xi32>
    %select_n3A_165 = arith.select %eq3A_162, %select_n3A_152, %broadcast_in_dim3A_164 : vector<64x2048xi1>, vector<64x2048xi32>
    %reduce_min3A_166 = arith.constant dense<2147483647> : vector<64xi32>
    %reduce_min3A_167 = vector.multi_reduction <minsi>, %select_n3A_165, %reduce_min3A_166 [1] : vector<64x2048xi32> to vector<64xi32>
    %broadcast_in_dim3A_168 = vector.shape_cast %reduce_min3A_167 : vector<64xi32> to vector<64x1xi32>
    %eq3A_169 = vector.broadcast %broadcast_in_dim3A_160 : vector<64x1xf32> to vector<64x2048xf32>
    %eq3A_170 = arith.cmpf oeq, %select_n3A_151, %eq3A_169 : vector<64x2048xf32>
    %eq3A_171 = vector.broadcast %broadcast_in_dim3A_168 : vector<64x1xi32> to vector<64x2048xi32>
    %eq3A_172 = arith.cmpi eq, %select_n3A_152, %eq3A_171 : vector<64x2048xi32>
    %and3A_173 = arith.andi %eq3A_170, %eq3A_172 : vector<64x2048xi1>
    %select_n3A_174 = arith.select %and3A_173, %select_n3A_153, %select_n3A_151 : vector<64x2048xi1>, vector<64x2048xf32>
    %select_n3A_175 = arith.select %and3A_173, %select_n3A_154, %select_n3A_152 : vector<64x2048xi1>, vector<64x2048xi32>
    %select_n3A_176 = arith.select %and3A_173, %select_n3A_157, %select_n3A_153 : vector<64x2048xi1>, vector<64x2048xf32>
    %select_n3A_177 = arith.select %and3A_173, %add3A_48, %select_n3A_154 : vector<64x2048xi1>, vector<64x2048xi32>
    %reduce_min3A_178 = arith.constant dense<0x7F800000> : vector<64xf32>
    %reduce_min3A_179 = vector.multi_reduction <minimumf>, %select_n3A_174, %reduce_min3A_178 [1] : vector<64x2048xf32> to vector<64xf32>
    %broadcast_in_dim3A_180 = vector.shape_cast %reduce_min3A_179 : vector<64xf32> to vector<64x1xf32>
    %eq3A_181 = vector.broadcast %broadcast_in_dim3A_180 : vector<64x1xf32> to vector<64x2048xf32>
    %eq3A_182 = arith.cmpf oeq, %select_n3A_174, %eq3A_181 : vector<64x2048xf32>
    %jit3A_183 = arith.constant 1073741824 : i32
    %broadcast_in_dim3A_184 = vector.broadcast %jit3A_183 : i32 to vector<64x2048xi32>
    %select_n3A_185 = arith.select %eq3A_182, %select_n3A_175, %broadcast_in_dim3A_184 : vector<64x2048xi1>, vector<64x2048xi32>
    %reduce_min3A_186 = arith.constant dense<2147483647> : vector<64xi32>
    %reduce_min3A_187 = vector.multi_reduction <minsi>, %select_n3A_185, %reduce_min3A_186 [1] : vector<64x2048xi32> to vector<64xi32>
    %broadcast_in_dim3A_188 = vector.shape_cast %reduce_min3A_187 : vector<64xi32> to vector<64x1xi32>
    %eq3A_189 = vector.broadcast %broadcast_in_dim3A_180 : vector<64x1xf32> to vector<64x2048xf32>
    %eq3A_190 = arith.cmpf oeq, %select_n3A_174, %eq3A_189 : vector<64x2048xf32>
    %eq3A_191 = vector.broadcast %broadcast_in_dim3A_188 : vector<64x1xi32> to vector<64x2048xi32>
    %eq3A_192 = arith.cmpi eq, %select_n3A_175, %eq3A_191 : vector<64x2048xi32>
    %and3A_193 = arith.andi %eq3A_190, %eq3A_192 : vector<64x2048xi1>
    %select_n3A_194 = arith.select %and3A_193, %select_n3A_176, %select_n3A_174 : vector<64x2048xi1>, vector<64x2048xf32>
    %select_n3A_195 = arith.select %and3A_193, %select_n3A_177, %select_n3A_175 : vector<64x2048xi1>, vector<64x2048xi32>
    %reduce_min3A_196 = arith.constant dense<0x7F800000> : vector<64xf32>
    %reduce_min3A_197 = vector.multi_reduction <minimumf>, %select_n3A_194, %reduce_min3A_196 [1] : vector<64x2048xf32> to vector<64xf32>
    %broadcast_in_dim3A_198 = vector.shape_cast %reduce_min3A_197 : vector<64xf32> to vector<64x1xf32>
    %eq3A_199 = vector.broadcast %broadcast_in_dim3A_198 : vector<64x1xf32> to vector<64x2048xf32>
    %eq3A_200 = arith.cmpf oeq, %select_n3A_194, %eq3A_199 : vector<64x2048xf32>
    %jit3A_201 = arith.constant 1073741824 : i32
    %broadcast_in_dim3A_202 = vector.broadcast %jit3A_201 : i32 to vector<64x2048xi32>
    %select_n3A_203 = arith.select %eq3A_200, %select_n3A_195, %broadcast_in_dim3A_202 : vector<64x2048xi1>, vector<64x2048xi32>
    %reduce_min3A_204 = arith.constant dense<2147483647> : vector<64xi32>
    %reduce_min3A_205 = vector.multi_reduction <minsi>, %select_n3A_203, %reduce_min3A_204 [1] : vector<64x2048xi32> to vector<64xi32>
    %broadcast_in_dim3A_206 = vector.shape_cast %reduce_min3A_205 : vector<64xi32> to vector<64x1xi32>
    %concatenate3A = tpu.concatenate %broadcast_in_dim3A, %broadcast_in_dim3A_68, %broadcast_in_dim3A_91, %broadcast_in_dim3A_114, %broadcast_in_dim3A_137, %broadcast_in_dim3A_160, %broadcast_in_dim3A_180, %broadcast_in_dim3A_198 in 1 : vector<64x1xf32>, vector<64x1xf32>, vector<64x1xf32>, vector<64x1xf32>, vector<64x1xf32>, vector<64x1xf32>, vector<64x1xf32>, vector<64x1xf32> -> vector<64x8xf32>
    %concatenate3A_207 = tpu.concatenate %broadcast_in_dim3A_54, %broadcast_in_dim3A_76, %broadcast_in_dim3A_99, %broadcast_in_dim3A_122, %broadcast_in_dim3A_145, %broadcast_in_dim3A_168, %broadcast_in_dim3A_188, %broadcast_in_dim3A_206 in 1 : vector<64x1xi32>, vector<64x1xi32>, vector<64x1xi32>, vector<64x1xi32>, vector<64x1xi32>, vector<64x1xi32>, vector<64x1xi32>, vector<64x1xi32> -> vector<64x8xi32>
    %slice3A = vector.extract_strided_slice %concatenate3A {offsets = [0, 0], sizes = [64, 1], strides = [1, 1]} : vector<64x8xf32> to vector<64x1xf32>
    %sub3A = vector.broadcast %slice3A : vector<64x1xf32> to vector<64x8xf32>
    %sub3A_208 = arith.subf %sub3A, %concatenate3A : vector<64x8xf32>
    %exp3A = math.exp %sub3A_208 : vector<64x8xf32>
    %reduce_sum3A = arith.constant dense<0.000000e+00> : vector<64xf32>
    %reduce_sum3A_209 = vector.multi_reduction <add>, %exp3A, %reduce_sum3A [1] : vector<64x8xf32> to vector<64xf32>
    %broadcast_in_dim3A_210 = vector.shape_cast %reduce_sum3A_209 : vector<64xf32> to vector<64x1xf32>
    %div3A = vector.broadcast %broadcast_in_dim3A_210 : vector<64x1xf32> to vector<64x8xf32>
    %div3A_211 = arith.divf %exp3A, %div3A : vector<64x8xf32>
    %swap3A = arith.constant 0 : index
    %swap3A_212 = arith.constant 0 : index
    %swap3A_213 = vector.load %arg7[%swap3A, %swap3A_212] : memref<64x8xi32, #tpu.memory_space<vmem>>, vector<64x8xi32>
    tpu.vector_store %arg7[%swap3A, %swap3A_212], %concatenate3A_207 {strides = array<i32>} : memref<64x8xi32, #tpu.memory_space<vmem>>, vector<64x8xi32>,
    %swap3A_214 = arith.constant 0 : index
    %swap3A_215 = arith.constant 0 : index
    %swap3A_216 = vector.load %arg8[%swap3A_214, %swap3A_215] : memref<64x8xf32, #tpu.memory_space<vmem>>, vector<64x8xf32>
    tpu.vector_store %arg8[%swap3A_214, %swap3A_215], %div3A_211 {strides = array<i32>} : memref<64x8xf32, #tpu.memory_space<vmem>>, vector<64x8xf32>,
    return
  }
  func.func @transform_0(%arg0: i32) -> (i32, i32, i32) {
    %jit3A = arith.constant 4 : i32
    %div3A = arith.divsi %arg0, %jit3A : i32
    %sign3A = arith.constant 0 : i32
    %sign3A_0 = arith.cmpi sgt, %arg0, %sign3A : i32
    %sign3A_1 = arith.extui %sign3A_0 : i1 to i32
    %sign3A_2 = arith.constant 0 : i32
    %sign3A_3 = arith.cmpi slt, %arg0, %sign3A_2 : i32
    %sign3A_4 = arith.extui %sign3A_3 : i1 to i32
    %sign3A_5 = arith.subi %sign3A_1, %sign3A_4 : i32
    %sign3A_6 = arith.constant 0 : i32
    %sign3A_7 = arith.cmpi sgt, %jit3A, %sign3A_6 : i32
    %sign3A_8 = arith.extui %sign3A_7 : i1 to i32
    %sign3A_9 = arith.constant 0 : i32
    %sign3A_10 = arith.cmpi slt, %jit3A, %sign3A_9 : i32
    %sign3A_11 = arith.extui %sign3A_10 : i1 to i32
    %sign3A_12 = arith.subi %sign3A_8, %sign3A_11 : i32
    %ne3A = arith.cmpi ne, %sign3A_5, %sign3A_12 : i32
    %rem3A = arith.remsi %arg0, %jit3A : i32
    %ne3A_13 = arith.constant 0 : i32
    %ne3A_14 = arith.cmpi ne, %rem3A, %ne3A_13 : i32
    %and3A = arith.andi %ne3A, %ne3A_14 : i1
    %sub3A = arith.constant 1 : i32
    %sub3A_15 = arith.subi %div3A, %sub3A : i32
    %select_n3A = arith.select %and3A, %sub3A_15, %div3A : i32
    %jit3A_16 = arith.constant 4 : i32
    %eq3A = arith.constant 0 : i32
    %eq3A_17 = arith.cmpi eq, %jit3A_16, %eq3A : i32
    %jit3A_18 = arith.constant 1 : i32
    %select_n3A_19 = arith.select %eq3A_17, %jit3A_18, %jit3A_16 : i32
    %rem3A_20 = arith.remsi %arg0, %select_n3A_19 : i32
    %ne3A_21 = arith.constant 0 : i32
    %ne3A_22 = arith.cmpi ne, %rem3A_20, %ne3A_21 : i32
    %lt3A = arith.constant 0 : i32
    %lt3A_23 = arith.cmpi slt, %rem3A_20, %lt3A : i32
    %lt3A_24 = arith.constant 0 : i32
    %lt3A_25 = arith.cmpi slt, %select_n3A_19, %lt3A_24 : i32
    %ne3A_26 = arith.xori %lt3A_23, %lt3A_25 : i1
    %and3A_27 = arith.andi %ne3A_26, %ne3A_22 : i1
    %add3A = arith.addi %rem3A_20, %select_n3A_19 : i32
    %select_n3A_28 = arith.select %and3A_27, %add3A, %rem3A_20 : i32
    %c0_i32 = arith.constant 0 : i32
    %c0_i32_29 = arith.constant 0 : i32
    return %select_n3A, %select_n3A_28, %c0_i32 : i32, i32, i32
  }
  func.func @transform_1(%arg0: i32) -> (i32, i32, i32) {
    %jit3A = arith.constant 4 : i32
    %div3A = arith.divsi %arg0, %jit3A : i32
    %sign3A = arith.constant 0 : i32
    %sign3A_0 = arith.cmpi sgt, %arg0, %sign3A : i32
    %sign3A_1 = arith.extui %sign3A_0 : i1 to i32
    %sign3A_2 = arith.constant 0 : i32
    %sign3A_3 = arith.cmpi slt, %arg0, %sign3A_2 : i32
    %sign3A_4 = arith.extui %sign3A_3 : i1 to i32
    %sign3A_5 = arith.subi %sign3A_1, %sign3A_4 : i32
    %sign3A_6 = arith.constant 0 : i32
    %sign3A_7 = arith.cmpi sgt, %jit3A, %sign3A_6 : i32
    %sign3A_8 = arith.extui %sign3A_7 : i1 to i32
    %sign3A_9 = arith.constant 0 : i32
    %sign3A_10 = arith.cmpi slt, %jit3A, %sign3A_9 : i32
    %sign3A_11 = arith.extui %sign3A_10 : i1 to i32
    %sign3A_12 = arith.subi %sign3A_8, %sign3A_11 : i32
    %ne3A = arith.cmpi ne, %sign3A_5, %sign3A_12 : i32
    %rem3A = arith.remsi %arg0, %jit3A : i32
    %ne3A_13 = arith.constant 0 : i32
    %ne3A_14 = arith.cmpi ne, %rem3A, %ne3A_13 : i32
    %and3A = arith.andi %ne3A, %ne3A_14 : i1
    %sub3A = arith.constant 1 : i32
    %sub3A_15 = arith.subi %div3A, %sub3A : i32
    %select_n3A = arith.select %and3A, %sub3A_15, %div3A : i32
    %jit3A_16 = arith.constant 4 : i32
    %eq3A = arith.constant 0 : i32
    %eq3A_17 = arith.cmpi eq, %jit3A_16, %eq3A : i32
    %jit3A_18 = arith.constant 1 : i32
    %select_n3A_19 = arith.select %eq3A_17, %jit3A_18, %jit3A_16 : i32
    %rem3A_20 = arith.remsi %arg0, %select_n3A_19 : i32
    %ne3A_21 = arith.constant 0 : i32
    %ne3A_22 = arith.cmpi ne, %rem3A_20, %ne3A_21 : i32
    %lt3A = arith.constant 0 : i32
    %lt3A_23 = arith.cmpi slt, %rem3A_20, %lt3A : i32
    %lt3A_24 = arith.constant 0 : i32
    %lt3A_25 = arith.cmpi slt, %select_n3A_19, %lt3A_24 : i32
    %ne3A_26 = arith.xori %lt3A_23, %lt3A_25 : i1
    %and3A_27 = arith.andi %ne3A_26, %ne3A_22 : i1
    %add3A = arith.addi %rem3A_20, %select_n3A_19 : i32
    %select_n3A_28 = arith.select %and3A_27, %add3A, %rem3A_20 : i32
    %c0_i32 = arith.constant 0 : i32
    %c0_i32_29 = arith.constant 0 : i32
    return %select_n3A, %select_n3A_28, %c0_i32 : i32, i32, i32
  }
  func.func @transform_2(%arg0: i32) -> (i32, i32, i32) {
    %jit3A = arith.constant 4 : i32
    %div3A = arith.divsi %arg0, %jit3A : i32
    %sign3A = arith.constant 0 : i32
    %sign3A_0 = arith.cmpi sgt, %arg0, %sign3A : i32
    %sign3A_1 = arith.extui %sign3A_0 : i1 to i32
    %sign3A_2 = arith.constant 0 : i32
    %sign3A_3 = arith.cmpi slt, %arg0, %sign3A_2 : i32
    %sign3A_4 = arith.extui %sign3A_3 : i1 to i32
    %sign3A_5 = arith.subi %sign3A_1, %sign3A_4 : i32
    %sign3A_6 = arith.constant 0 : i32
    %sign3A_7 = arith.cmpi sgt, %jit3A, %sign3A_6 : i32
    %sign3A_8 = arith.extui %sign3A_7 : i1 to i32
    %sign3A_9 = arith.constant 0 : i32
    %sign3A_10 = arith.cmpi slt, %jit3A, %sign3A_9 : i32
    %sign3A_11 = arith.extui %sign3A_10 : i1 to i32
    %sign3A_12 = arith.subi %sign3A_8, %sign3A_11 : i32
    %ne3A = arith.cmpi ne, %sign3A_5, %sign3A_12 : i32
    %rem3A = arith.remsi %arg0, %jit3A : i32
    %ne3A_13 = arith.constant 0 : i32
    %ne3A_14 = arith.cmpi ne, %rem3A, %ne3A_13 : i32
    %and3A = arith.andi %ne3A, %ne3A_14 : i1
    %sub3A = arith.constant 1 : i32
    %sub3A_15 = arith.subi %div3A, %sub3A : i32
    %select_n3A = arith.select %and3A, %sub3A_15, %div3A : i32
    %jit3A_16 = arith.constant 4 : i32
    %eq3A = arith.constant 0 : i32
    %eq3A_17 = arith.cmpi eq, %jit3A_16, %eq3A : i32
    %jit3A_18 = arith.constant 1 : i32
    %select_n3A_19 = arith.select %eq3A_17, %jit3A_18, %jit3A_16 : i32
    %rem3A_20 = arith.remsi %arg0, %select_n3A_19 : i32
    %ne3A_21 = arith.constant 0 : i32
    %ne3A_22 = arith.cmpi ne, %rem3A_20, %ne3A_21 : i32
    %lt3A = arith.constant 0 : i32
    %lt3A_23 = arith.cmpi slt, %rem3A_20, %lt3A : i32
    %lt3A_24 = arith.constant 0 : i32
    %lt3A_25 = arith.cmpi slt, %select_n3A_19, %lt3A_24 : i32
    %ne3A_26 = arith.xori %lt3A_23, %lt3A_25 : i1
    %and3A_27 = arith.andi %ne3A_26, %ne3A_22 : i1
    %add3A = arith.addi %rem3A_20, %select_n3A_19 : i32
    %select_n3A_28 = arith.select %and3A_27, %add3A, %rem3A_20 : i32
    %c0_i32 = arith.constant 0 : i32
    %c0_i32_29 = arith.constant 0 : i32
    return %select_n3A, %select_n3A_28, %c0_i32 : i32, i32, i32
  }
  func.func @transform_3(%arg0: i32) -> (i32, i32, i32) {
    %jit3A = arith.constant 4 : i32
    %div3A = arith.divsi %arg0, %jit3A : i32
    %sign3A = arith.constant 0 : i32
    %sign3A_0 = arith.cmpi sgt, %arg0, %sign3A : i32
    %sign3A_1 = arith.extui %sign3A_0 : i1 to i32
    %sign3A_2 = arith.constant 0 : i32
    %sign3A_3 = arith.cmpi slt, %arg0, %sign3A_2 : i32
    %sign3A_4 = arith.extui %sign3A_3 : i1 to i32
    %sign3A_5 = arith.subi %sign3A_1, %sign3A_4 : i32
    %sign3A_6 = arith.constant 0 : i32
    %sign3A_7 = arith.cmpi sgt, %jit3A, %sign3A_6 : i32
    %sign3A_8 = arith.extui %sign3A_7 : i1 to i32
    %sign3A_9 = arith.constant 0 : i32
    %sign3A_10 = arith.cmpi slt, %jit3A, %sign3A_9 : i32
    %sign3A_11 = arith.extui %sign3A_10 : i1 to i32
    %sign3A_12 = arith.subi %sign3A_8, %sign3A_11 : i32
    %ne3A = arith.cmpi ne, %sign3A_5, %sign3A_12 : i32
    %rem3A = arith.remsi %arg0, %jit3A : i32
    %ne3A_13 = arith.constant 0 : i32
    %ne3A_14 = arith.cmpi ne, %rem3A, %ne3A_13 : i32
    %and3A = arith.andi %ne3A, %ne3A_14 : i1
    %sub3A = arith.constant 1 : i32
    %sub3A_15 = arith.subi %div3A, %sub3A : i32
    %select_n3A = arith.select %and3A, %sub3A_15, %div3A : i32
    %jit3A_16 = arith.constant 4 : i32
    %eq3A = arith.constant 0 : i32
    %eq3A_17 = arith.cmpi eq, %jit3A_16, %eq3A : i32
    %jit3A_18 = arith.constant 1 : i32
    %select_n3A_19 = arith.select %eq3A_17, %jit3A_18, %jit3A_16 : i32
    %rem3A_20 = arith.remsi %arg0, %select_n3A_19 : i32
    %ne3A_21 = arith.constant 0 : i32
    %ne3A_22 = arith.cmpi ne, %rem3A_20, %ne3A_21 : i32
    %lt3A = arith.constant 0 : i32
    %lt3A_23 = arith.cmpi slt, %rem3A_20, %lt3A : i32
    %lt3A_24 = arith.constant 0 : i32
    %lt3A_25 = arith.cmpi slt, %select_n3A_19, %lt3A_24 : i32
    %ne3A_26 = arith.xori %lt3A_23, %lt3A_25 : i1
    %and3A_27 = arith.andi %ne3A_26, %ne3A_22 : i1
    %add3A = arith.addi %rem3A_20, %select_n3A_19 : i32
    %select_n3A_28 = arith.select %and3A_27, %add3A, %rem3A_20 : i32
    %c0_i32 = arith.constant 0 : i32
    %c0_i32_29 = arith.constant 0 : i32
    return %select_n3A, %select_n3A_28, %c0_i32 : i32, i32, i32
  }
  func.func @transform_4(%arg0: i32) -> (i32, i32, i32) {
    %jit3A = arith.constant 4 : i32
    %div3A = arith.divsi %arg0, %jit3A : i32
    %sign3A = arith.constant 0 : i32
    %sign3A_0 = arith.cmpi sgt, %arg0, %sign3A : i32
    %sign3A_1 = arith.extui %sign3A_0 : i1 to i32
    %sign3A_2 = arith.constant 0 : i32
    %sign3A_3 = arith.cmpi slt, %arg0, %sign3A_2 : i32
    %sign3A_4 = arith.extui %sign3A_3 : i1 to i32
    %sign3A_5 = arith.subi %sign3A_1, %sign3A_4 : i32
    %sign3A_6 = arith.constant 0 : i32
    %sign3A_7 = arith.cmpi sgt, %jit3A, %sign3A_6 : i32
    %sign3A_8 = arith.extui %sign3A_7 : i1 to i32
    %sign3A_9 = arith.constant 0 : i32
    %sign3A_10 = arith.cmpi slt, %jit3A, %sign3A_9 : i32
    %sign3A_11 = arith.extui %sign3A_10 : i1 to i32
    %sign3A_12 = arith.subi %sign3A_8, %sign3A_11 : i32
    %ne3A = arith.cmpi ne, %sign3A_5, %sign3A_12 : i32
    %rem3A = arith.remsi %arg0, %jit3A : i32
    %ne3A_13 = arith.constant 0 : i32
    %ne3A_14 = arith.cmpi ne, %rem3A, %ne3A_13 : i32
    %and3A = arith.andi %ne3A, %ne3A_14 : i1
    %sub3A = arith.constant 1 : i32
    %sub3A_15 = arith.subi %div3A, %sub3A : i32
    %select_n3A = arith.select %and3A, %sub3A_15, %div3A : i32
    %jit3A_16 = arith.constant 4 : i32
    %eq3A = arith.constant 0 : i32
    %eq3A_17 = arith.cmpi eq, %jit3A_16, %eq3A : i32
    %jit3A_18 = arith.constant 1 : i32
    %select_n3A_19 = arith.select %eq3A_17, %jit3A_18, %jit3A_16 : i32
    %rem3A_20 = arith.remsi %arg0, %select_n3A_19 : i32
    %ne3A_21 = arith.constant 0 : i32
    %ne3A_22 = arith.cmpi ne, %rem3A_20, %ne3A_21 : i32
    %lt3A = arith.constant 0 : i32
    %lt3A_23 = arith.cmpi slt, %rem3A_20, %lt3A : i32
    %lt3A_24 = arith.constant 0 : i32
    %lt3A_25 = arith.cmpi slt, %select_n3A_19, %lt3A_24 : i32
    %ne3A_26 = arith.xori %lt3A_23, %lt3A_25 : i1
    %and3A_27 = arith.andi %ne3A_26, %ne3A_22 : i1
    %add3A = arith.addi %rem3A_20, %select_n3A_19 : i32
    %select_n3A_28 = arith.select %and3A_27, %add3A, %rem3A_20 : i32
    %c0_i32 = arith.constant 0 : i32
    %c0_i32_29 = arith.constant 0 : i32
    return %select_n3A, %select_n3A_28, %c0_i32 : i32, i32, i32
  }
  func.func @transform_5(%arg0: i32) -> (i32, i32, i32) {
    %jit3A = arith.constant 4 : i32
    %div3A = arith.divsi %arg0, %jit3A : i32
    %sign3A = arith.constant 0 : i32
    %sign3A_0 = arith.cmpi sgt, %arg0, %sign3A : i32
    %sign3A_1 = arith.extui %sign3A_0 : i1 to i32
    %sign3A_2 = arith.constant 0 : i32
    %sign3A_3 = arith.cmpi slt, %arg0, %sign3A_2 : i32
    %sign3A_4 = arith.extui %sign3A_3 : i1 to i32
    %sign3A_5 = arith.subi %sign3A_1, %sign3A_4 : i32
    %sign3A_6 = arith.constant 0 : i32
    %sign3A_7 = arith.cmpi sgt, %jit3A, %sign3A_6 : i32
    %sign3A_8 = arith.extui %sign3A_7 : i1 to i32
    %sign3A_9 = arith.constant 0 : i32
    %sign3A_10 = arith.cmpi slt, %jit3A, %sign3A_9 : i32
    %sign3A_11 = arith.extui %sign3A_10 : i1 to i32
    %sign3A_12 = arith.subi %sign3A_8, %sign3A_11 : i32
    %ne3A = arith.cmpi ne, %sign3A_5, %sign3A_12 : i32
    %rem3A = arith.remsi %arg0, %jit3A : i32
    %ne3A_13 = arith.constant 0 : i32
    %ne3A_14 = arith.cmpi ne, %rem3A, %ne3A_13 : i32
    %and3A = arith.andi %ne3A, %ne3A_14 : i1
    %sub3A = arith.constant 1 : i32
    %sub3A_15 = arith.subi %div3A, %sub3A : i32
    %select_n3A = arith.select %and3A, %sub3A_15, %div3A : i32
    %jit3A_16 = arith.constant 4 : i32
    %eq3A = arith.constant 0 : i32
    %eq3A_17 = arith.cmpi eq, %jit3A_16, %eq3A : i32
    %jit3A_18 = arith.constant 1 : i32
    %select_n3A_19 = arith.select %eq3A_17, %jit3A_18, %jit3A_16 : i32
    %rem3A_20 = arith.remsi %arg0, %select_n3A_19 : i32
    %ne3A_21 = arith.constant 0 : i32
    %ne3A_22 = arith.cmpi ne, %rem3A_20, %ne3A_21 : i32
    %lt3A = arith.constant 0 : i32
    %lt3A_23 = arith.cmpi slt, %rem3A_20, %lt3A : i32
    %lt3A_24 = arith.constant 0 : i32
    %lt3A_25 = arith.cmpi slt, %select_n3A_19, %lt3A_24 : i32
    %ne3A_26 = arith.xori %lt3A_23, %lt3A_25 : i1
    %and3A_27 = arith.andi %ne3A_26, %ne3A_22 : i1
    %add3A = arith.addi %rem3A_20, %select_n3A_19 : i32
    %select_n3A_28 = arith.select %and3A_27, %add3A, %rem3A_20 : i32
    %c0_i32 = arith.constant 0 : i32
    %c0_i32_29 = arith.constant 0 : i32
    return %select_n3A, %select_n3A_28, %c0_i32 : i32, i32, i32
  }
  func.func @transform_6(%arg0: i32) -> (i32, i32) {
    %c0_i32 = arith.constant 0 : i32
    %c0_i32_0 = arith.constant 0 : i32
    return %arg0, %c0_i32 : i32, i32
  }
  func.func @transform_7(%arg0: i32) -> (i32, i32) {
    %c0_i32 = arith.constant 0 : i32
    %c0_i32_0 = arith.constant 0 : i32
    return %arg0, %c0_i32 : i32, i32
  }
}

</mosaic_0001>

<sc_bundles>
// kernel: kernel.5.cloned.1.call-start
scs
__scs_entry_jumppad:
0x0: {  	(pc) =	sbr.rel $0x88, $3  }
0x1: {  	(tag) =	ssettag $0x0;
	lr =	simm.s32 $0x1  }
0x2: {  	[smem:$0x3F9E] =	sst lr;
	_ =	strace $0xD0000000  }
0x3: {  	_ = 	snop  }
0x4: {  	_ = 	snop  }
0x5: {  	_ = 	snop  }
0x6: {  	_ = 	snop  }
0x7: {  	_ = 	snop  }
__scs_overlays_trampoline_lowered:
0x8: {  	[smem:$0x3FAD] =	sst s0  }
0x9: {  	[smem:$0x3FAE] =	sst s1  }
0xa: {  	[smem:$0x3FAF] =	sst s2  }
0xb: {  	[smem:$0x3FB0] =	sst s3  }
0xc: {  	[smem:$0x3FB1] =	sst s4  }
0xd: {  	[smem:$0x3FB2] =	sst s5  }
0xe: {  	[smem:$0x3FB3] =	sst s6  }
0xf: {  	[smem:$0x3FB4] =	sst s7  }
0x10: {  	[smem:$0x3FB5] =	sst s8  }
0x11: {  	[smem:$0x3FB6] =	sst s9;
	s0 =	simm.s32 @!p0 $0x0  }
0x12: {  	s1 =	sld [smem:$0x3F9C];
	s0 =	simm.s32 @p0 $0x1  }
0x13: {  	[smem:$0x3FB7] =	sst s0;
	s0 =	simm.s32 @!p1 $0x0  }
0x14: {  	s2 =	sld [smem:$0x3F9B];
	s0 =	simm.s32 @p1 $0x1  }
0x15: {  	[smem:$0x3FB8] =	sst s0;
	s0 =	simm.s32 @!p2 $0x0  }
0x16: {  	s3 =	sld [smem:$0x3FDB];
	s0 =	simm.s32 @p2 $0x1  }
0x17: {  	s4 =	simm.s32 $0x1BF5;
	[smem:$0x3FBA] =	sst s0  }
0x18: {  	s0 =	sld [smem:$0x3F9D];
	_ =	swait.ge [sflag:s4], $0x0  }
0x19: {  	s7 =	sld [smem:$0x3F9E]  }
0x1a: {  	s8 =	sadd.s32 $0xFFFFE003, lr  }
0x1b: {  	s9 =	sadd.s32 $0xFFFFFEF7, lr;
	s5 =	simm.s32 $0xFFFFFFFF;
	p2 =	slt.u32 s8, $0xFFFFF086  }
0x1c: {  	p1 =	slt.u32 s9, $0xF7A;
	s5 =	simm.s32 @!p2 $0x0  }
0x1d: {  	s5 =	simm.s32 @p1 $0x1;
	p0 =	seq.s32 s7, s2  }
0x1e: {  	s7 =	smul.u32 @!p0 $0xF7A, s2;
	p2 =	seq.s32 @!p0 s5, $0x0  }
0x1f: {  	s9 =	smul.u32 $0xF7A, s1;
	s8 =	simm.s32 @!p0 $0x1BF5;
	p2 =	por !p2, p0  }
0x20: {  	[sflag:s8] =	ssyncset.s32 @!p0 $0xFFFFF086;
	s6 =	sadd.s32 @!p0 s3, s7;
	s7 =	simm.s32 @!p0 $0x108  }
0x21: {  	s3 =	sadd.s32 s3, s9;
	s6 =	sadd.s32 @!p0 $0x88, s6;
	s7 =	simm.s32 @p2 $0x1082  }
0x22: {  	[simem:s7], [sflag:s8] =	dma.local @!p0 [hbm:s6], $0xF7A  }
0x23: {  	s9 =	sor.u32 $0xD0000000, s2;
	s6 =	simm.s32 $0x108;
	_ =	swait.ge @!p0 [sflag:s8], $0x0  }
0x24: {  	s3 =	sadd.s32 $0x88, s3;
	s6 =	simm.s32 @!p1 $0x1082;
	[sflag:s4] =	ssyncset.s32 $0xFFFFF086  }
0x25: {  	[simem:s6], [sflag:s4] =	dma.local [hbm:s3], $0xF7A  }
0x26: {  	[smem:$0x3F9E] =	sst s1;
	(tag) =	ssettag s2;
	_ =	strace s9  }
0x27: {  	s1 =	sld [smem:$0x3FAE]  }
0x28: {  	s2 =	sld [smem:$0x3FAF]  }
0x29: {  	s4 =	sld [smem:$0x3FB1]  }
0x2a: {  	p0 =	seq.s32 s5, $0x0;
	s5 =	sld [smem:$0x3FB2]  }
0x2b: {  	s6 =	sld [smem:$0x3FB3]  }
0x2c: {  	s7 =	sld [smem:$0x3FB4]  }
0x2d: {  	s3 =	simm.s32 $0x108;
	s8 =	sld [smem:$0x3FB5]  }
0x2e: {  	s3 =	simm.s32 @!p0 $0x1082;
	s9 =	sld [smem:$0x3FB6]  }
0x2f: {  	lr =	sadd.s32 s0, s3;
	s0 =	sld [smem:$0x3FAD]  }
0x30: {  	s3 =	sld [smem:$0x3FB0]  }
0x31: {  	[smem:$0x3FB9] =	sst s10  }
0x32: {  	s10 =	sld [smem:$0x3FB7];
	_ =	sdelay $0x3  }
0x33: {  	p0 =	seq.s32 s10, $0x1;
	s10 =	sld [smem:$0x3FB9];
	_ =	sdelay $0x3  }
0x34: {  	[smem:$0x3FB9] =	sst s10  }
0x35: {  	s10 =	sld [smem:$0x3FB8];
	_ =	sdelay $0x3  }
0x36: {  	p1 =	seq.s32 s10, $0x1;
	s10 =	sld [smem:$0x3FB9];
	_ =	sdelay $0x3  }
0x37: {  	[smem:$0x3FB9] =	sst s10  }
0x38: {  	s10 =	sld [smem:$0x3FBA]  }
0x39: {  	_ = 	snop;
	(pc) =	sbr.ind lr, $3  }
0x3a: {  	_ = 	snop  }
0x3b: {  	_ = 	snop  }
0x3c: {  	p2 =	seq.s32 s10, $0x1;
	s10 =	sld [smem:$0x3FB9]  }
0x3d: {  	_ =	shalt  }
0x3e: {  	_ =	shalt  }
0x3f: {  	_ =	shalt  }
0x40: {  	_ =	shalt  }
0x41: {  	_ =	shalt  }
0x42: {  	_ =	shalt  }
0x43: {  	_ =	shalt  }
0x44: {  	_ =	shalt  }
0x45: {  	_ =	shalt  }
0x46: {  	_ =	shalt  }
0x47: {  	_ =	shalt  }
0x48: {  	_ =	shalt  }
0x49: {  	_ =	shalt  }
0x4a: {  	_ =	shalt  }
0x4b: {  	_ =	shalt  }
0x4c: {  	_ =	shalt  }
0x4d: {  	_ =	shalt  }
0x4e: {  	_ =	shalt  }
0x4f: {  	_ =	shalt  }
0x50: {  	_ =	shalt  }
0x51: {  	_ =	shalt  }
0x52: {  	_ =	shalt  }
0x53: {  	_ =	shalt  }
0x54: {  	_ =	shalt  }
0x55: {  	_ =	shalt  }
0x56: {  	_ =	shalt  }
0x57: {  	_ =	shalt  }
0x58: {  	_ =	shalt  }
0x59: {  	_ =	shalt  }
0x5a: {  	_ =	shalt  }
0x5b: {  	_ =	shalt  }
0x5c: {  	_ =	shalt  }
0x5d: {  	_ =	shalt  }
0x5e: {  	_ =	shalt  }
0x5f: {  	_ =	shalt  }
0x60: {  	_ =	shalt  }
0x61: {  	_ =	shalt  }
0x62: {  	_ =	shalt  }
0x63: {  	_ =	shalt  }
0x64: {  	_ =	shalt  }
0x65: {  	_ =	shalt  }
0x66: {  	_ =	shalt  }
0x67: {  	_ =	shalt  }
0x68: {  	_ =	shalt  }
0x69: {  	_ =	shalt  }
0x6a: {  	_ =	shalt  }
0x6b: {  	_ =	shalt  }
0x6c: {  	_ =	shalt  }
0x6d: {  	_ =	shalt  }
0x6e: {  	_ =	shalt  }
0x6f: {  	_ =	shalt  }
0x70: {  	_ =	shalt  }
0x71: {  	_ =	shalt  }
0x72: {  	_ =	shalt  }
0x73: {  	_ =	shalt  }
0x74: {  	_ =	shalt  }
0x75: {  	_ =	shalt  }
0x76: {  	_ =	shalt  }
0x77: {  	_ =	shalt  }
0x78: {  	_ =	shalt  }
0x79: {  	_ =	shalt  }
0x7a: {  	_ =	shalt  }
0x7b: {  	_ =	shalt  }
0x7c: {  	_ =	shalt  }
0x7d: {  	_ =	shalt  }
0x7e: {  	_ =	shalt  }
0x7f: {  	_ =	shalt  }
0x80: {  	_ =	shalt  }
0x81: {  	_ =	shalt  }
0x82: {  	_ =	shalt  }
0x83: {  	_ =	shalt  }
0x84: {  	_ =	shalt  }
0x85: {  	_ =	shalt  }
0x86: {  	_ =	shalt  }
0x87: {  	_ =	shalt  }
.Lfunc_end0:
.L_simem_size_0:
called_computation_lowered:
.L_overlay_start_0:
0x88: {  	s2 =	sld [smem:$0x3FD9]  }
0x89: {  	s3 =	sld [smem:$0x3FFE];
	_ =	sdelay $0x1  }
0x8a: {  	s1 =	srdreg.scid  }
0x8b: {  	s0 =	sand.u32 $0x1, s1  }
0x8c: {  	s14 =	sshll.u32 s0, $0xA;
	s2 =	sadd.s32 s3, s2  }
0x8d: {  	s2 =	sadd.s32 s2, s14  }
0x8e: {  	[smem:$0x3FC5] =	sst s2  }
0x8f: {  	_ = 	snop  }
0x90: {  	s2 =	sld [smem:$0x3FD0];
	_ =	sdelay $0x2  }
0x91: {  	s15 =	simm.s32 $0xA;
	s4 =	simm.s32 $0x10  }
0x92: {  	[smem:s4], [sflag:s15] =	dma.local [hbm:s2], $0x1  }
0x93: {  	_ =	swait.eq [sflag:s15], $0x1  }
0x94: {  	[sflag:s15] =	ssyncset.done $0x0  }
0x95: {  	[sflag:s15] =	ssyncadd.s32 $0xFFFFFFFF  }
0x96: {  	s16 =	sld [smem:$0x10];
	(tm) =	ssettm $0x1  }
0x97: {  	s17 =	sld [smem:$0x3FFB];
	_ =	sdelay $0x3  }
0x98: {  	_ =	strace s17  }
0x99: {  	s3 =	sld [smem:$0x3FFC];
	_ =	sdelay $0x3  }
0x9a: {  	_ =	strace s3  }
0x9b: {  	s3 =	sld [smem:$0x3FFD];
	_ =	sdelay $0x3  }
0x9c: {  	_ =	strace s3  }
0x9d: {  	_ =	strace $0x8FFFFFFF  }
0x9e: {  	s18 =	sld [smem:$0x3FDB];
	_ =	sdelay $0x1  }
0x9f: {  	s19 =	simm.s32 $_scs_section_size  }
0xa0: {  	s5 =	simm.s32 $_size__tile_overlayer_lowered;
	s6 =	simm.s32 $_tile_overlayer_lowered  }
0xa1: {  	s22 =	simm.s32 $0x1BFF;
	s21 =	sshll.u32 s6, $0x1;
	s3 =	sadd.s32 s19, s18  }
0xa2: {  	s7 =	simm.s32 $0x0;
	s20 =	sshll.u32 s5, $0x1;
	s5 =	sadd.s32 s21, s3  }
0xa3: {  	[timem:s7], [sflag:s22] =	dma.local [hbm:s5], s20  }
0xa4: {  	_ =	swait.ge [sflag:s22], s20  }
0xa5: {  	s4 =	ssub.s32 $0x0, s20;
	[sflag:s22] =	ssyncset.done $0x0  }
0xa6: {  	[sflag:s22] =	ssyncadd.s32 s4;
	_ =	sdelay $0x1  }
0xa7: {  	s23 =	simm.s32 $0x1B8B  }
0xa8: {  	_ =	swait.ge [sflag:s23], $0x1  }
0xa9: {  	[sflag:s23] =	ssyncset.done $0x0  }
0xaa: {  	s25 =	simm.s32 $0x1B8E;
	s24 =	sld [smem:$0x3FFE];
	[sflag:s23] =	ssyncadd.s32 $0xFFFFFFFF  }
0xab: {  	s26 =	simm.s32 $execute0_lowered;
	[smem:$0x3FD2] =	sst s25  }
0xac: {  	s5 =	sshll.u32 s26, $0x1;
	_ =	strace $0x80000046;
	[dreg:$0x1] =	wrdreg $0xFFFFFFFF  }
0xad: {  	s28 =	simm.s32 $_size_execute0_lowered;
	s3 =	sadd.s32 s3, s5;
	[dreg:$0x0] =	wrdreg $0x0  }
0xae: {  	s5 =	sshll.u32 s28, $0x1;
	[dreg:$0x2] =	wrdreg s3  }
0xaf: {  	[dreg:$0x3] =	wrdreg s5  }
0xb0: {  	[dreg:$0x4] =	wrdreg $0xC0  }
0xb1: {  	_ =	task [dreg:s7], $0x5FFFF  }
0xb2: {  	[dreg:$0x1] =	wrdreg $0xFFFFFFFF  }
0xb3: {  	[dreg:$0x0] =	wrdreg $0x60  }
0xb4: {  	[dreg:$0x2] =	wrdreg s24  }
0xb5: {  	[dreg:$0x3] =	wrdreg s16  }
0xb6: {  	[dreg:$0x4] =	wrdreg $0x9  }
0xb7: {  	_ =	task.clear_ibuf [dreg:s7], $0x5FFFF;
	_ =	strace $0x90000046  }
0xb8: {  	s29 =	simm.s32 $0x9;
	_ =	strace $0x80000048  }
0xb9: {  	_ =	swait.ge [sflag:s29], $0x1  }
0xba: {  	[sflag:s29] =	ssyncadd.s32 $0xFFFFFFFF  }
0xbb: {  	_ =	strace $0x90000048  }
0xbc: {  	_ =	sfence  }
0xbd: {  	s30 =	sld [smem:$0x0];
	_ =	sdelay $0x2  }
0xbe: {  	s31 =	sshll.u32 s1, $0xD;
	s1 =	sshrl.u32 s1, $0x2  }
0xbf: {  	s3 =	sand.u32 $0x4000, s31;
	s1 =	sadd.s32 s1, s30  }
0xc0: {  	s0 =	sor.u32 s3, s0;
	s1 =	sshll.u32 s1, $0x11  }
0xc1: {  	s0 =	sor.u32 s1, s0  }
0xc2: {  	s0 =	sadd.s32 $0x8F2B, s0  }
0xc3: {  	[sflag:s0] =	ssyncadd.remote.s32 $0x1  }
0xc4: {  	_ =	sfence.sel $0xFFFF  }
0xc5: {  	[dreg:$0x0] =	wrdreg $0xFFFFFFFF;
	(pc) =	sbr.abs _section_cstart, $3  }
0xc6: {  	[dreg:$0x1] =	wrdreg $0xFFFFFFFF  }
0xc7: {  	_ =	task.clear_ibuf [dreg:s7], $0x2FFFF;
	_ =	strace $0x9FFFFFFF  }
0xc8: {  	(tm) =	ssettm $0x7FFFFFFF  }
0xc9: {  	_ =	shalt  }
tec
execute0_lowered:
.L_overlay_start_1:
0x0: {  	(tag) =	ssettag $0x1  }
0x1: {  	s1 =	srdreg.scid;
	s3 =	rddreg [dreg:$0x0]  }
0x2: {  	s0 =	stileid.u32;
	s4 =	rddreg [dreg:$0x1]  }
0x3: {  	s18 =	simm.s32 $0x800;
	s19 =	simm.s32 $0x1000;
	s20 =	simm.s32 $0x1080  }
0x4: {  	s21 =	simm.s32 $0x100;
	s23 =	simm.s32 $0x1100;
	s24 =	simm.s32 $0x180  }
0x5: {  	s25 =	simm.s32 $0x1180;
	s26 =	simm.s32 $0x200;
	s10 =	simm.s32 $0x300  }
0x6: {  	s11 =	simm.s32 $0x1300;
	s12 =	simm.s32 $0x380;
	s13 =	simm.s32 $0x1380  }
0x7: {  	s14 =	simm.s32 $0x400;
	s1 =	sand.u32 $0x1, s1;
	s2 =	sshll.u32 s0, $0x1  }
0x8: {  	s15 =	simm.s32 $0x1400;
	s5 =	sor.u32 s1, s2;
	s2 =	simm.s32 $0x0  }
0x9: {  	s16 =	simm.s32 $0x480;
	s17 =	simm.s32 $0x1480;
	[smem:$0x7FF] =	sst s2  }
0xa: {  	s28 =	simm.s32 $0x1700;
	_ =	strace $0x80000047;
	[dreg:$0x6] =	wrdreg s18  }
0xb: {  	s29 =	simm.s32 $0x780;
	s30 =	simm.s32 $0x1780;
	[dreg:$0x7] =	wrdreg s19  }
0xc: {  	s31 =	simm.s32 $0x1;
	s1 =	ssub.s32 $0x2, s1;
	[dreg:$0x8] =	wrdreg s20  }
0xd: {  	s6 =	sshll.u32 s5, $0x8;
	s5 =	sshll.u32 s5, $0x5;
	[dreg:$0x9] =	wrdreg s21  }
0xe: {  	s22 =	sshrl.u32 s1, $0x1;
	s6 =	sadd.s32 s6, s3;
	[dreg:$0xa] =	wrdreg s23  }
0xf: {  	s4 =	sadd.s32 s4, s5;
	s3 =	sadd.s32 $0x2200, s3;
	[dreg:$0xb] =	wrdreg s24  }
0x10: {  	s1 =	ssub.s32 s1, s22;
	s5 =	simm.s32 $0x2;
	[dreg:$0xc] =	wrdreg s25  }
0x11: {  	[dreg:$0xd] =	wrdreg s26;
	s18 =	simm.s32 $0x500;
	s19 =	simm.s32 $0x1500  }
0x12: {  	s20 =	simm.s32 $0x580;
	s21 =	simm.s32 $0x1580;
	s22 =	simm.s32 $0x600  }
0x13: {  	s23 =	simm.s32 $0x1600;
	s24 =	simm.s32 $0x680;
	s25 =	simm.s32 $0x1680  }
0x14: {  	s26 =	simm.s32 $0x700;
	s7 =	sadd.s32 $0x17800, s6;
	[dreg:$0x5] =	wrdreg s4  }
0x15: {  	s6 =	sadd.s32 $0x200, s6;
	s4 =	smax.u32 s1, $0x1;
	[dreg:$0x3] =	wrdreg s7  }
0x16: {  	s1 =	simm.s32 $0x1800;
	[dreg:$0x4] =	wrdreg s6;
	s6 =	simm.s32 $0x80  }
.LBB2_1:
0x17: {  	s0 =	rddreg [dreg:$0x3]  }
0x18: {  	[tilespmem:s2], [sflag:$0x2] =	stream.linear.gather [hbm4b:s0+s2], $0x800, $0x38;
	[tilespmem:$0x1900] =	vst v63  }
0x19: {  	_ =	swait.ge [sflag:s5], $0x800  }
0x1a: {  	s9 =	rddreg [dreg:$0x4];
	[sflag:s5] =	ssyncset.done $0x0  }
0x1b: {  	s7 =	rddreg [dreg:$0x6];
	[sflag:s5] =	ssyncadd.s32 $0xFFFFF800  }
0x1c: {  	[tilespmem:s7], [sflag:$0x2] =	stream.linear.gather [hbm4b:s9+s2], $0x800, $0x38;
	[tilespmem:$0x1900] =	vst v63  }
0x1d: {  	_ =	swait.ge [sflag:s5], $0x800  }
0x1e: {  	s8 =	rddreg [dreg:$0x7]  }
0x1f: {  	[sflag:s5] =	ssyncset.done $0x0;
	s9 =	rddreg [dreg:$0x8]  }
0x20: {  	s0 =	rddreg [dreg:$0x9];
	[sflag:s5] =	ssyncadd.s32 $0xFFFFF800  }
0x21: {  	[tilespmem:s8], [sflag:$0x1] =	stream.indirect.gather [hbm4b:s3+s6], $0x1, s2, s6, $0xb8;
	[tilespmem:$0x1900] =	vst v63  }
0x22: {  	s7 =	rddreg [dreg:$0xa]  }
0x23: {  	[tilespmem:s9], [sflag:$0x1] =	stream.indirect.gather [hbm4b:s3+s6], $0x1, s6, s6, $0xb8;
	[tilespmem:$0x1900] =	vst v63  }
0x24: {  	s8 =	rddreg [dreg:$0xb]  }
0x25: {  	[tilespmem:s7], [sflag:$0x1] =	stream.indirect.gather [hbm4b:s3+s6], $0x1, s0, s6, $0xb8;
	[tilespmem:$0x1900] =	vst v63  }
0x26: {  	s9 =	rddreg [dreg:$0xc]  }
0x27: {  	[tilespmem:s9], [sflag:$0x1] =	stream.indirect.gather [hbm4b:s3+s6], $0x1, s8, s6, $0xb8;
	[tilespmem:$0x1900] =	vst v63  }
0x28: {  	s7 =	rddreg [dreg:$0xd];
	s9 =	simm.s32 $0x1200  }
0x29: {  	[tilespmem:s9], [sflag:$0x1] =	stream.indirect.gather [hbm4b:s3+s6], $0x1, s7, s6, $0xb8;
	[tilespmem:$0x1900] =	vst v63  }
0x2a: {  	s8 =	simm.s32 $0x1280;
	s7 =	simm.s32 $0x280  }
0x2b: {  	[tilespmem:s8], [sflag:$0x1] =	stream.indirect.gather [hbm4b:s3+s6], $0x1, s7, s6, $0xb8;
	[tilespmem:$0x1900] =	vst v63  }
0x2c: {  	_ = 	snop  }
0x2d: {  	[tilespmem:s11], [sflag:$0x1] =	stream.indirect.gather [hbm4b:s3+s6], $0x1, s10, s6, $0xb8;
	[tilespmem:$0x1900] =	vst v63  }
0x2e: {  	_ = 	snop  }
0x2f: {  	[tilespmem:s13], [sflag:$0x1] =	stream.indirect.gather [hbm4b:s3+s6], $0x1, s12, s6, $0xb8;
	[tilespmem:$0x1900] =	vst v63  }
0x30: {  	_ = 	snop  }
0x31: {  	[tilespmem:s15], [sflag:$0x1] =	stream.indirect.gather [hbm4b:s3+s6], $0x1, s14, s6, $0xb8;
	[tilespmem:$0x1900] =	vst v63  }
0x32: {  	_ = 	snop  }
0x33: {  	[tilespmem:s17], [sflag:$0x1] =	stream.indirect.gather [hbm4b:s3+s6], $0x1, s16, s6, $0xb8;
	[tilespmem:$0x1900] =	vst v63  }
0x34: {  	_ = 	snop  }
0x35: {  	[tilespmem:s19], [sflag:$0x1] =	stream.indirect.gather [hbm4b:s3+s6], $0x1, s18, s6, $0xb8;
	[tilespmem:$0x1900] =	vst v63  }
0x36: {  	_ = 	snop  }
0x37: {  	[tilespmem:s21], [sflag:$0x1] =	stream.indirect.gather [hbm4b:s3+s6], $0x1, s20, s6, $0xb8;
	[tilespmem:$0x1900] =	vst v63  }
0x38: {  	_ = 	snop  }
0x39: {  	[tilespmem:s23], [sflag:$0x1] =	stream.indirect.gather [hbm4b:s3+s6], $0x1, s22, s6, $0xb8;
	[tilespmem:$0x1900] =	vst v63  }
0x3a: {  	_ = 	snop  }
0x3b: {  	[tilespmem:s25], [sflag:$0x1] =	stream.indirect.gather [hbm4b:s3+s6], $0x1, s24, s6, $0xb8;
	[tilespmem:$0x1900] =	vst v63  }
0x3c: {  	_ = 	snop  }
0x3d: {  	[tilespmem:s28], [sflag:$0x1] =	stream.indirect.gather [hbm4b:s3+s6], $0x1, s26, s6, $0xb8;
	[tilespmem:$0x1900] =	vst v63  }
0x3e: {  	_ = 	snop  }
0x3f: {  	[tilespmem:s30], [sflag:$0x1] =	stream.indirect.gather [hbm4b:s3+s6], $0x1, s29, s6, $0xb8;
	[tilespmem:$0x1900] =	vst v63  }
0x40: {  	_ =	swait.ge [sflag:s31], $0x80  }
0x41: {  	[sflag:s31] =	ssyncset.done $0x0  }
0x42: {  	[sflag:s31] =	ssyncadd.s32 $0xFFFFFF80  }
0x43: {  	_ =	swait.ge [sflag:s31], $0x80  }
0x44: {  	[sflag:s31] =	ssyncset.done $0x0  }
0x45: {  	[sflag:s31] =	ssyncadd.s32 $0xFFFFFF80  }
0x46: {  	_ =	swait.ge [sflag:s31], $0x80  }
0x47: {  	[sflag:s31] =	ssyncset.done $0x0  }
0x48: {  	[sflag:s31] =	ssyncadd.s32 $0xFFFFFF80  }
0x49: {  	_ =	swait.ge [sflag:s31], $0x80  }
0x4a: {  	[sflag:s31] =	ssyncset.done $0x0  }
0x4b: {  	[sflag:s31] =	ssyncadd.s32 $0xFFFFFF80  }
0x4c: {  	_ =	swait.ge [sflag:s31], $0x80  }
0x4d: {  	[sflag:s31] =	ssyncset.done $0x0  }
0x4e: {  	[sflag:s31] =	ssyncadd.s32 $0xFFFFFF80  }
0x4f: {  	_ =	swait.ge [sflag:s31], $0x80  }
0x50: {  	[sflag:s31] =	ssyncset.done $0x0  }
0x51: {  	[sflag:s31] =	ssyncadd.s32 $0xFFFFFF80  }
0x52: {  	_ =	swait.ge [sflag:s31], $0x80  }
0x53: {  	[sflag:s31] =	ssyncset.done $0x0  }
0x54: {  	[sflag:s31] =	ssyncadd.s32 $0xFFFFFF80  }
0x55: {  	_ =	swait.ge [sflag:s31], $0x80  }
0x56: {  	[sflag:s31] =	ssyncset.done $0x0  }
0x57: {  	[sflag:s31] =	ssyncadd.s32 $0xFFFFFF80  }
0x58: {  	_ =	swait.ge [sflag:s31], $0x80  }
0x59: {  	[sflag:s31] =	ssyncset.done $0x0  }
0x5a: {  	[sflag:s31] =	ssyncadd.s32 $0xFFFFFF80  }
0x5b: {  	_ =	swait.ge [sflag:s31], $0x80  }
0x5c: {  	[sflag:s31] =	ssyncset.done $0x0  }
0x5d: {  	[sflag:s31] =	ssyncadd.s32 $0xFFFFFF80  }
0x5e: {  	_ =	swait.ge [sflag:s31], $0x80  }
0x5f: {  	[sflag:s31] =	ssyncset.done $0x0  }
0x60: {  	[sflag:s31] =	ssyncadd.s32 $0xFFFFFF80  }
0x61: {  	_ =	swait.ge [sflag:s31], $0x80  }
0x62: {  	[sflag:s31] =	ssyncset.done $0x0  }
0x63: {  	[sflag:s31] =	ssyncadd.s32 $0xFFFFFF80  }
0x64: {  	_ =	swait.ge [sflag:s31], $0x80  }
0x65: {  	[sflag:s31] =	ssyncset.done $0x0  }
0x66: {  	[sflag:s31] =	ssyncadd.s32 $0xFFFFFF80  }
0x67: {  	_ =	swait.ge [sflag:s31], $0x80  }
0x68: {  	[sflag:s31] =	ssyncset.done $0x0  }
0x69: {  	[sflag:s31] =	ssyncadd.s32 $0xFFFFFF80  }
0x6a: {  	_ =	swait.ge [sflag:s31], $0x80  }
0x6b: {  	[sflag:s31] =	ssyncset.done $0x0  }
0x6c: {  	[sflag:s31] =	ssyncadd.s32 $0xFFFFFF80  }
0x6d: {  	_ =	swait.ge [sflag:s31], $0x80  }
0x6e: {  	[sflag:s31] =	ssyncset.done $0x0  }
0x6f: {  	[sflag:s31] =	ssyncadd.s32 $0xFFFFFF80  }
0x70: {  	v60 =	vld [tilespmem:$0x800]  }
0x71: {  	v16 =	vld [tilespmem:$0x1000]  }
0x72: {  	v13 =	vld [tilespmem:$0x900]  }
0x73: {  	v12 =	vld [tilespmem:$0x1100]  }
0x74: {  	v45 =	vld [tilespmem:$0xA00]  }
0x75: {  	v19 =	vld [tilespmem:$0x1200]  }
0x76: {  	v56 =	vld [tilespmem:$0xB00]  }
0x77: {  	v0 =	vld [tilespmem:$0xE00]  }
0x78: {  	v53 =	vld [tilespmem:$0x1600]  }
0x79: {  	v54 =	vld [tilespmem:$0xF00]  }
0x7a: {  	v26 =	vld [tilespmem:$0x1300]  }
0x7b: {  	v50 =	vld [tilespmem:$0xC00]  }
0x7c: {  	v32 =	vld [tilespmem:$0x1400];
	[tilespmem:$0x1F870] =	vst v0  }
0x7d: {  	v46 =	vld [tilespmem:$0xD00];
	[tilespmem:$0x1F880] =	vst v53  }
0x7e: {  	v61 =	vld [tilespmem:$0x1500];
	[tilespmem:$0x1F890] =	vst v54  }
0x7f: {  	v0 =	vld [tilespmem:$0x1700]  }
0x80: {  	v62 =	vld [tilespmem:$0x1420];
	_ =	sdelay $0x4  }
0x81: {  	[tilespmem:$0x1F8E0] =	vst v62;
	v62 =	vld [tilespmem:$0x1350];
	_ =	sdelay $0x4  }
0x82: {  	[tilespmem:$0x1FA70] =	vst v62;
	v62 =	vld [tilespmem:$0xC60];
	_ =	sdelay $0x3  }
0x83: {  	v6 =	vld [tilespmem:$0x810]  }
0x84: {  	[tilespmem:$0x1FB00] =	vst v62;
	v62 =	vld [tilespmem:$0xE60]  }
0x85: {  	v3 =	vld [tilespmem:$0x1010]  }
0x86: {  	v1 =	vld [tilespmem:$0x910]  }
0x87: {  	v9 =	vld [tilespmem:$0xA10]  }
0x88: {  	v8 =	vld [tilespmem:$0x1210]  }
0x89: {  	[tilespmem:$0x1FBC0] =	vst v62;
	v62 =	vld [tilespmem:$0xA70]  }
0x8a: {  	v25 =	vld [tilespmem:$0xB10]  }
0x8b: {  	v24 =	vld [tilespmem:$0x1310]  }
0x8c: {  	v33 =	vld [tilespmem:$0xC10]  }
0x8d: {  	v31 =	vld [tilespmem:$0x1410]  }
0x8e: {  	[tilespmem:$0x1FB20] =	vst v62;
	v62 =	vld [tilespmem:$0x1270]  }
0x8f: {  	v52 =	vld [tilespmem:$0xD10]  }
0x90: {  	v44 =	vld [tilespmem:$0x1510]  }
0x91: {  	v2 =	vld [tilespmem:$0xE10]  }
0x92: {  	v55 =	vld [tilespmem:$0x1610]  }
0x93: {  	[tilespmem:$0x1FB30] =	vst v62;
	v62 =	vld [tilespmem:$0xB70]  }
0x94: {  	v57 =	vld [tilespmem:$0xF10]  }
0x95: {  	v58 =	vld [tilespmem:$0x1710]  }
0x96: {  	v21 =	vld [tilespmem:$0x820]  }
0x97: {  	v14 =	vld [tilespmem:$0x1020]  }
0x98: {  	[tilespmem:$0x1FB80] =	vst v62;
	v62 =	vld [tilespmem:$0x1370]  }
0x99: {  	v15 =	vld [tilespmem:$0x920]  }
0x9a: {  	v10 =	vld [tilespmem:$0x1120]  }
0x9b: {  	v30 =	vld [tilespmem:$0xA20]  }
0x9c: {  	v27 =	vld [tilespmem:$0x1220]  }
0x9d: {  	[tilespmem:$0x1FB90] =	vst v62;
	v62 =	vld [tilespmem:$0xC70]  }
0x9e: {  	v53 =	vld [tilespmem:$0xB20]  }
0x9f: {  	v41 =	vld [tilespmem:$0x1320]  }
0xa0: {  	v59 =	vld [tilespmem:$0xC20]  }
0xa1: {  	v63 =	vld [tilespmem:$0xD20]  }
0xa2: {  	[tilespmem:$0x1FBE0] =	vst v62;
	v62 =	vld [tilespmem:$0x1470]  }
0xa3: {  	v4 =	vld [tilespmem:$0x1520]  }
0xa4: {  	v5 =	vld [tilespmem:$0xE20]  }
0xa5: {  	v7 =	vld [tilespmem:$0x1620]  }
0xa6: {  	v11 =	vld [tilespmem:$0xF20]  }
0xa7: {  	[tilespmem:$0x1FBF0] =	vst v62;
	v62 =	vld [tilespmem:$0xD70]  }
0xa8: {  	v17 =	vld [tilespmem:$0x1720]  }
0xa9: {  	v23 =	vld [tilespmem:$0xA30]  }
0xaa: {  	v20 =	vld [tilespmem:$0x1230]  }
0xab: {  	v37 =	vld [tilespmem:$0xB30]  }
0xac: {  	[tilespmem:$0x1FC40] =	vst v62;
	v62 =	vld [tilespmem:$0x1570]  }
0xad: {  	v34 =	vld [tilespmem:$0x1330]  }
0xae: {  	v18 =	vld [tilespmem:$0xD30]  }
0xaf: {  	v22 =	vld [tilespmem:$0x1530]  }
0xb0: {  	v28 =	vld [tilespmem:$0xE30]  }
0xb1: {  	[tilespmem:$0x1FC50] =	vst v62;
	v62 =	vld [tilespmem:$0xE70]  }
0xb2: {  	v29 =	vld [tilespmem:$0x1630]  }
0xb3: {  	v35 =	vld [tilespmem:$0xF30]  }
0xb4: {  	v36 =	vld [tilespmem:$0x1730]  }
0xb5: {  	v54 =	vld [tilespmem:$0xB40]  }
0xb6: {  	[tilespmem:$0x1FC60] =	vst v62;
	v62 =	vld [tilespmem:$0x1670]  }
0xb7: {  	v40 =	vld [tilespmem:$0x1340]  }
0xb8: {  	v38 =	vld [tilespmem:$0x1440]  }
0xb9: {  	v39 =	vld [tilespmem:$0xD40]  }
0xba: {  	v42 =	vld [tilespmem:$0x1540]  }
0xbb: {  	[tilespmem:$0x1FC70] =	vst v62;
	v62 =	vld [tilespmem:$0xF70]  }
0xbc: {  	v43 =	vld [tilespmem:$0xE40]  }
0xbd: {  	v47 =	vld [tilespmem:$0x1640]  }
0xbe: {  	v48 =	vld [tilespmem:$0xF40]  }
0xbf: {  	v49 =	vld [tilespmem:$0x1740]  }
0xc0: {  	[tilespmem:$0x1FD40] =	vst v62;
	v62 =	vld [tilespmem:$0x1770]  }
0xc1: {  	v51 =	vld [tilespmem:$0xA50]  }
0xc2: {  	v16 =	vmul.f32 v16, v60;
	v60 =	vld [tilespmem:$0x10B0]  }
0xc3: {  	v12 =	vmul.f32 v12, v13;
	v19 =	vmul.f32 v19, v45;
	v45 =	vld [tilespmem:$0x11B0]  }
0xc4: {  	v26 =	vmul.f32 v26, v56;
	v56 =	vld [tilespmem:$0xAB0]  }
0xc5: {  	v12 =	vadd.f32 v12, v16;
	[tilespmem:$0x1FD50] =	vst v62;
	v62 =	vld [tilespmem:$0x880]  }
0xc6: {  	v32 =	vmul.f32 v32, v50;
	v50 =	vld [tilespmem:$0xBB0]  }
0xc7: {  	v12 =	vadd.f32 v19, v12;
	v19 =	vmul.f32 v61, v46;
	v61 =	vld [tilespmem:$0xCB0]  }
0xc8: {  	v46 =	vld [tilespmem:$0x14B0]  }
0xc9: {  	[tilespmem:$0x1F8A0] =	vst v0;
	v0 =	vld [tilespmem:$0x1110]  }
0xca: {  	[tilespmem:$0x1FC00] =	vst v62;
	v62 =	vld [tilespmem:$0x1080]  }
0xcb: {  	[tilespmem:$0x1F950] =	vst v7;
	v7 =	vld [tilespmem:$0x830]  }
0xcc: {  	[tilespmem:$0x1F900] =	vst v4;
	v4 =	vld [tilespmem:$0x1030]  }
0xcd: {  	[tilespmem:$0x1F940] =	vst v5;
	v5 =	vld [tilespmem:$0x930]  }
0xce: {  	[tilespmem:$0x1F8B0] =	vst v2;
	v2 =	vld [tilespmem:$0x1130]  }
0xcf: {  	[tilespmem:$0x1FC10] =	vst v62;
	v62 =	vld [tilespmem:$0x980]  }
0xd0: {  	[tilespmem:$0x1F980] =	vst v11;
	v11 =	vld [tilespmem:$0xC30]  }
0xd1: {  	[tilespmem:$0x1F8C0] =	vst v55;
	v55 =	vld [tilespmem:$0x1430]  }
0xd2: {  	[tilespmem:$0x1F970] =	vst v22;
	v22 =	vld [tilespmem:$0x840]  }
0xd3: {  	[tilespmem:$0x1F990] =	vst v17;
	v17 =	vld [tilespmem:$0x1040]  }
0xd4: {  	[tilespmem:$0x1FC20] =	vst v62;
	v62 =	vld [tilespmem:$0x1180]  }
0xd5: {  	[tilespmem:$0x1F960] =	vst v18;
	v18 =	vld [tilespmem:$0x940]  }
0xd6: {  	[tilespmem:$0x1F9B0] =	vst v29;
	v29 =	vld [tilespmem:$0xA40]  }
0xd7: {  	[tilespmem:$0x1F9A0] =	vst v28;
	v28 =	vld [tilespmem:$0x1240]  }
0xd8: {  	[tilespmem:$0x1FA00] =	vst v35;
	v35 =	vld [tilespmem:$0xC40]  }
0xd9: {  	[tilespmem:$0x1FC30] =	vst v62;
	v62 =	vld [tilespmem:$0xA80]  }
0xda: {  	[tilespmem:$0x1F910] =	vst v57;
	v57 =	vld [tilespmem:$0x850]  }
0xdb: {  	[tilespmem:$0x1FA50] =	vst v47;
	v47 =	vld [tilespmem:$0x1050]  }
0xdc: {  	[tilespmem:$0x1FAE0] =	vst v48;
	v48 =	vld [tilespmem:$0x950]  }
0xdd: {  	[tilespmem:$0x1F9F0] =	vst v42;
	v42 =	vld [tilespmem:$0x1150]  }
0xde: {  	[tilespmem:$0x1FC80] =	vst v62;
	v62 =	vld [tilespmem:$0x1280]  }
0xdf: {  	[tilespmem:$0x1F920] =	vst v58;
	v58 =	vld [tilespmem:$0x1250]  }
0xe0: {  	[tilespmem:$0x1F8D0] =	vst v59;
	v59 =	vld [tilespmem:$0xB50]  }
0xe1: {  	[tilespmem:$0x1F8F0] =	vst v63;
	v63 =	vld [tilespmem:$0xC50]  }
0xe2: {  	[tilespmem:$0x1FA10] =	vst v36;
	v36 =	vld [tilespmem:$0x1450]  }
0xe3: {  	[tilespmem:$0x1FC90] =	vst v62;
	v62 =	vld [tilespmem:$0xB80]  }
0xe4: {  	[tilespmem:$0x1F9D0] =	vst v38;
	v38 =	vld [tilespmem:$0xD50]  }
0xe5: {  	[tilespmem:$0x1F9E0] =	vst v39;
	v39 =	vld [tilespmem:$0x1550]  }
0xe6: {  	[tilespmem:$0x1FA40] =	vst v43;
	v43 =	vld [tilespmem:$0xE50]  }
0xe7: {  	[tilespmem:$0x1FAF0] =	vst v49;
	v49 =	vld [tilespmem:$0x1650]  }
0xe8: {  	[tilespmem:$0x1FD00] =	vst v62;
	v62 =	vld [tilespmem:$0x1380]  }
0xe9: {  	[tilespmem:$0x1FA20] =	vst v51;
	v51 =	vld [tilespmem:$0xF50]  }
0xea: {  	[tilespmem:$0x1FE80] =	vst v60;
	v60 =	vld [tilespmem:$0x9B0]  }
0xeb: {  	[tilespmem:$0x1FED0] =	vst v56;
	v56 =	vld [tilespmem:$0x12B0]  }
0xec: {  	[tilespmem:$0x1FF00] =	vst v50;
	v50 =	vld [tilespmem:$0x13B0]  }
0xed: {  	[tilespmem:$0x1FD10] =	vst v62;
	v62 =	vld [tilespmem:$0xC80]  }
0xee: {  	v24 =	vmul.f32 v24, v25;
	v25 =	vld [tilespmem:$0xDB0]  }
0xef: {  	v26 =	vadd.f32 v26, v12;
	v12 =	vmul.f32 v14, v21;
	v14 =	vld [tilespmem:$0xEB0]  }
0xf0: {  	v21 =	vld [tilespmem:$0x16B0]  }
0xf1: {  	v13 =	vmul.f32 v10, v15;
	v10 =	vld [tilespmem:$0x10C0]  }
0xf2: {  	[tilespmem:$0x1FD60] =	vst v62;
	v62 =	vld [tilespmem:$0x1480]  }
0xf3: {  	v33 =	vmul.f32 v31, v33;
	v31 =	vld [tilespmem:$0x1F8B0]  }
0xf4: {  	v16 =	vmul.f32 v8, v9;
	v9 =	vld [tilespmem:$0x1F8E0]  }
0xf5: {  	v15 =	vmul.f32 v44, v52;
	v52 =	vmul.f32 v20, v23;
	v23 =	vld [tilespmem:$0x1F910]  }
0xf6: {  	v8 =	vadd.f32 v13, v12;
	v12 =	vld [tilespmem:$0x1F8F0]  }
0xf7: {  	[tilespmem:$0x1FD70] =	vst v62;
	v62 =	vld [tilespmem:$0xD80]  }
0xf8: {  	v13 =	vld [tilespmem:$0x1F900]  }
0xf9: {  	[tilespmem:$0x1F930] =	vst v11;
	v11 =	vld [tilespmem:$0x1140]  }
0xfa: {  	[tilespmem:$0x1FA30] =	vst v58;
	v58 =	vld [tilespmem:$0x1750]  }
0xfb: {  	[tilespmem:$0x1FAB0] =	vst v39;
	v39 =	vld [tilespmem:$0x860]  }
0xfc: {  	[tilespmem:$0x1FDA0] =	vst v62;
	v62 =	vld [tilespmem:$0x1580]  }
0xfd: {  	[tilespmem:$0x1FAA0] =	vst v38;
	v38 =	vld [tilespmem:$0x1060]  }
0xfe: {  	[tilespmem:$0x1FA90] =	vst v36;
	v36 =	vld [tilespmem:$0x960]  }
0xff: {  	[tilespmem:$0x1F9C0] =	vst v35;
	v35 =	vld [tilespmem:$0x1160]  }
0x100: {  	[tilespmem:$0x1FA80] =	vst v63;
	v63 =	vld [tilespmem:$0xA60]  }
0x101: {  	[tilespmem:$0x1FDB0] =	vst v62;
	v62 =	vld [tilespmem:$0xE80]  }
0x102: {  	[tilespmem:$0x1FB40] =	vst v43;
	v43 =	vld [tilespmem:$0xB60]  }
0x103: {  	[tilespmem:$0x1FA60] =	vst v59;
	v59 =	vld [tilespmem:$0x1360]  }
0x104: {  	[tilespmem:$0x1FB50] =	vst v49;
	v49 =	vld [tilespmem:$0x1460]  }
0x105: {  	[tilespmem:$0x1FBA0] =	vst v51;
	v51 =	vld [tilespmem:$0xD60]  }
0x106: {  	[tilespmem:$0x1FDC0] =	vst v62;
	v62 =	vld [tilespmem:$0x1680]  }
0x107: {  	v0 =	vmul.f32 v0, v1;
	v1 =	vadd.f32 v32, v26;
	v26 =	vld [tilespmem:$0x1F870]  }
0x108: {  	v32 =	vld [tilespmem:$0x1F880]  }
0x109: {  	[tilespmem:$0x1FF70] =	vst v25;
	v25 =	vmul.f32 v27, v30;
	v30 =	vld [tilespmem:$0x17B0]  }
0x10a: {  	[tilespmem:$0x1FFC0] =	vst v14;
	v14 =	vld [tilespmem:$0x9C0]  }
0x10b: {  	[tilespmem:$0x1FDD0] =	vst v62;
	v62 =	vld [tilespmem:$0xF80]  }
0x10c: {  	v27 =	vmul.f32 v4, v7;
	v7 =	vld [tilespmem:$0xAC0]  }
0x10d: {  	v20 =	vmul.f32 v17, v22;
	v17 =	vld [tilespmem:$0x12C0]  }
0x10e: {  	v28 =	vmul.f32 v28, v29;
	v29 =	vld [tilespmem:$0x1F940]  }
0x10f: {  	v3 =	vmul.f32 v3, v6;
	v45 =	vmul.f32 v45, v60;
	v60 =	vld [tilespmem:$0xBE0]  }
0x110: {  	[tilespmem:$0x1FE00] =	vst v62;
	v62 =	vld [tilespmem:$0x1780]  }
0x111: {  	v46 =	vmul.f32 v46, v61;
	v61 =	vld [tilespmem:$0x1FF70];
	v0 =	vadd.f32 v0, v3  }
0x112: {  	v1 =	vadd.f32 v19, v1;
	v19 =	vld [tilespmem:$0x15B0]  }
0x113: {  	v0 =	vadd.f32 v16, v0;
	v16 =	vld [tilespmem:$0x1F890]  }
0x114: {  	[tilespmem:$0x1FBB0] =	vst v58;
	v58 =	vld [tilespmem:$0x1260]  }
0x115: {  	[tilespmem:$0x1FE10] =	vst v62;
	v62 =	vld [tilespmem:$0x890]  }
0x116: {  	[tilespmem:$0x1FAD0] =	vst v59;
	v59 =	vld [tilespmem:$0x1560]  }
0x117: {  	[tilespmem:$0x1FB10] =	vst v49;
	v49 =	vld [tilespmem:$0x1660]  }
0x118: {  	[tilespmem:$0x1FB60] =	vst v51;
	v51 =	vld [tilespmem:$0xF60]  }
0x119: {  	[tilespmem:$0x1FAC0] =	vst v43;
	v43 =	vld [tilespmem:$0x1170]  }
0x11a: {  	[tilespmem:$0x1FCA0] =	vst v62;
	v62 =	vld [tilespmem:$0x1090]  }
0x11b: {  	v6 =	vmul.f32 v32, v26;
	v26 =	vld [tilespmem:$0xFB0]  }
0x11c: {  	v32 =	vld [tilespmem:$0x1F8C0]  }
0x11d: {  	v22 =	vmul.f32 v11, v18;
	v11 =	vld [tilespmem:$0xBC0]  }
0x11e: {  	[tilespmem:$0x1FFE0] =	vst v30;
	v30 =	vld [tilespmem:$0x1F950]  }
0x11f: {  	[tilespmem:$0x1FCB0] =	vst v62;
	v62 =	vld [tilespmem:$0x990]  }
0x120: {  	v2 =	vmul.f32 v2, v5;
	v18 =	vld [tilespmem:$0x13C0]  }
0x121: {  	v0 =	vadd.f32 v24, v0;
	v24 =	vld [tilespmem:$0x1F8A0]  }
0x122: {  	v44 =	vadd.f32 v2, v27;
	v27 =	vadd.f32 v22, v20;
	v20 =	vld [tilespmem:$0x14C0]  }
0x123: {  	v22 =	vld [tilespmem:$0x15C0]  }
0x124: {  	[tilespmem:$0x1FCC0] =	vst v62;
	v62 =	vld [tilespmem:$0x1190]  }
0x125: {  	v0 =	vadd.f32 v33, v0;
	v33 =	vadd.f32 v25, v8;
	v8 =	vld [tilespmem:$0x1F8D0]  }
0x126: {  	[tilespmem:$0x1FB70] =	vst v59;
	v59 =	vld [tilespmem:$0x1760]  }
0x127: {  	[tilespmem:$0x1FBD0] =	vst v49;
	v49 =	vld [tilespmem:$0x1070]  }
0x128: {  	[tilespmem:$0x1FCE0] =	vst v51;
	v51 =	vld [tilespmem:$0x970]  }
0x129: {  	[tilespmem:$0x1FCD0] =	vst v62;
	v62 =	vld [tilespmem:$0xA90]  }
0x12a: {  	v0 =	vadd.f32 v15, v0;
	v15 =	vld [tilespmem:$0x8C0]  }
0x12b: {  	v41 =	vmul.f32 v41, v53;
	[tilespmem:$0x1FFD0] =	vst v26;
	v26 =	vld [tilespmem:$0x1F930]  }
0x12c: {  	v4 =	vmul.f32 v32, v31;
	v32 =	vld [tilespmem:$0x1F960]  }
0x12d: {  	v53 =	vadd.f32 v41, v33;
	v33 =	vld [tilespmem:$0x1F970]  }
0x12e: {  	[tilespmem:$0x1FD20] =	vst v62;
	v62 =	vld [tilespmem:$0x1290]  }
0x12f: {  	v41 =	vld [tilespmem:$0x1F990]  }
0x130: {  	v31 =	vmul.f32 v30, v29;
	v29 =	vld [tilespmem:$0x1FA00]  }
0x131: {  	v30 =	vld [tilespmem:$0x1FA10]  }
0x132: {  	v1 =	vadd.f32 v6, v1;
	v6 =	vmul.f32 v24, v16;
	v24 =	vld [tilespmem:$0x1F920]  }
0x133: {  	[tilespmem:$0x1FD30] =	vst v62;
	v62 =	vld [tilespmem:$0xB90]  }
0x134: {  	v16 =	vmul.f32 v34, v37;
	v37 =	vmul.f32 v40, v54;
	v40 =	vld [tilespmem:$0x1F980]  }
0x135: {  	v54 =	vld [tilespmem:$0x1F9C0]  }
0x136: {  	v34 =	vadd.f32 v28, v27;
	v27 =	vld [tilespmem:$0x1F9E0]  }
0x137: {  	v28 =	vld [tilespmem:$0x1F9F0]  }
0x138: {  	[tilespmem:$0x1FD80] =	vst v62;
	v62 =	vld [tilespmem:$0x1390]  }
0x139: {  	v0 =	vadd.f32 v4, v0;
	v4 =	vld [tilespmem:$0x11C0]  }
0x13a: {  	v1 =	vadd.f32 v6, v1;
	v6 =	vmul.f32 v13, v12;
	v12 =	vld [tilespmem:$0xCC0]  }
0x13b: {  	v5 =	vmul.f32 v9, v8;
	v9 =	vld [tilespmem:$0xFC0]  }
0x13c: {  	v13 =	vmul.f32 v42, v48;
	v42 =	vld [tilespmem:$0x1FA60]  }
0x13d: {  	[tilespmem:$0x1FD90] =	vst v62;
	v62 =	vld [tilespmem:$0xC90]  }
0x13e: {  	[tilespmem:$0x1FCF0] =	vst v59;
	v59 =	vld [tilespmem:$0x870]  }
0x13f: {  	[tilespmem:$0x1FFF0] =	vst v1;
	v1 =	vadd.f32 v52, v44;
	v44 =	vld [tilespmem:$0x1F9A0]  }
0x140: {  	v52 =	vld [tilespmem:$0x1F9B0]  }
0x141: {  	v2 =	vmul.f32 v55, v26;
	v55 =	vld [tilespmem:$0x1F9D0]  }
0x142: {  	v57 =	vmul.f32 v47, v57;
	[tilespmem:$0x1FDE0] =	vst v62;
	v62 =	vld [tilespmem:$0x1490]  }
0x143: {  	v8 =	vmul.f32 v41, v40;
	v40 =	vld [tilespmem:$0x1FA50]  }
0x144: {  	v25 =	vmul.f32 v24, v23;
	v24 =	vadd.f32 v13, v57;
	v57 =	vld [tilespmem:$0x1FAA0]  }
0x145: {  	v1 =	vadd.f32 v16, v1;
	v16 =	vld [tilespmem:$0xDC0]  }
0x146: {  	v4 =	vmul.f32 v4, v14;
	v14 =	vld [tilespmem:$0x16E0]  }
0x147: {  	v3 =	vadd.f32 v5, v53;
	[tilespmem:$0x1FDF0] =	vst v62;
	v62 =	vld [tilespmem:$0xD90]  }
0x148: {  	v5 =	vadd.f32 v25, v0;
	v0 =	vadd.f32 v37, v34;
	v37 =	vmul.f32 v38, v39;
	v39 =	vld [tilespmem:$0x1FA40]  }
0x149: {  	v3 =	vadd.f32 v6, v3;
	v38 =	vmul.f32 v35, v36;
	v35 =	vld [tilespmem:$0x11D0]  }
0x14a: {  	v36 =	vld [tilespmem:$0xAD0]  }
0x14b: {  	v3 =	vadd.f32 v31, v3;
	v31 =	vld [tilespmem:$0x1FA20]  }
0x14c: {  	v10 =	vmul.f32 v10, v15;
	[tilespmem:$0x1FE20] =	vst v62;
	v62 =	vld [tilespmem:$0x1590]  }
0x14d: {  	v1 =	vadd.f32 v2, v1;
	v2 =	vmul.f32 v33, v32;
	v32 =	vld [tilespmem:$0x1FA30]  }
0x14e: {  	v4 =	vadd.f32 v4, v10;
	v10 =	vld [tilespmem:$0x17E0]  }
0x14f: {  	v53 =	vmul.f32 v52, v44;
	v44 =	vld [tilespmem:$0x1FA70]  }
0x150: {  	v6 =	vmul.f32 v55, v54;
	v54 =	vld [tilespmem:$0x1FA90]  }
0x151: {  	[tilespmem:$0x1FE30] =	vst v62;
	v62 =	vld [tilespmem:$0xE90]  }
0x152: {  	v52 =	vmul.f32 v58, v63;
	v58 =	vld [tilespmem:$0x1FAB0]  }
0x153: {  	v48 =	vadd.f32 v38, v37;
	v37 =	vld [tilespmem:$0x12D0]  }
0x154: {  	v38 =	vld [tilespmem:$0xBD0]  }
0x155: {  	v1 =	vadd.f32 v2, v1;
	v2 =	vadd.f32 v8, v3;
	v3 =	vld [tilespmem:$0xEC0]  }
0x156: {  	[tilespmem:$0x1FEB0] =	vst v62;
	v62 =	vld [tilespmem:$0x1690]  }
0x157: {  	v8 =	vld [tilespmem:$0x16C0]  }
0x158: {  	v0 =	vadd.f32 v6, v0;
	v6 =	vmul.f32 v30, v29;
	v30 =	vld [tilespmem:$0x8D0]  }
0x159: {  	v29 =	vld [tilespmem:$0xDD0]  }
0x15a: {  	v23 =	vadd.f32 v53, v1;
	v53 =	vld [tilespmem:$0x1FA80]  }
0x15b: {  	[tilespmem:$0x1FEC0] =	vst v62;
	v62 =	vld [tilespmem:$0xF90]  }
0x15c: {  	v41 =	vmul.f32 v40, v39;
	v39 =	vld [tilespmem:$0x1FAC0]  }
0x15d: {  	v40 =	vld [tilespmem:$0x1FAD0]  }
0x15e: {  	v1 =	vmul.f32 v28, v27;
	v28 =	vld [tilespmem:$0x16D0]  }
0x15f: {  	v33 =	vmul.f32 v32, v31;
	v32 =	vld [tilespmem:$0x10D0]  }
0x160: {  	[tilespmem:$0x1FF10] =	vst v62;
	v62 =	vld [tilespmem:$0x1790]  }
0x161: {  	v31 =	vld [tilespmem:$0x15D0]  }
0x162: {  	v34 =	vadd.f32 v1, v0;
	v1 =	vld [tilespmem:$0x17C0]  }
0x163: {  	v6 =	vadd.f32 v6, v23;
	v23 =	vadd.f32 v52, v48;
	v48 =	vld [tilespmem:$0x1FAF0]  }
0x164: {  	v47 =	vmul.f32 v44, v42;
	v44 =	vmul.f32 v43, v51;
	v51 =	vld [tilespmem:$0x1FB00]  }
0x165: {  	[tilespmem:$0x1FF20] =	vst v62;
	v62 =	vld [tilespmem:$0x8A0]  }
0x166: {  	v52 =	vld [tilespmem:$0x1FB10]  }
0x167: {  	v63 =	vmul.f32 v58, v57;
	v58 =	vld [tilespmem:$0x1FB40]  }
0x168: {  	v42 =	vmul.f32 v49, v59;
	v59 =	vld [tilespmem:$0x1FB50]  }
0x169: {  	v43 =	vld [tilespmem:$0x1FB70]  }
0x16a: {  	[tilespmem:$0x1FE40] =	vst v62;
	v62 =	vld [tilespmem:$0x10A0]  }
0x16b: {  	v24 =	vadd.f32 v33, v24;
	v33 =	vld [tilespmem:$0xCD0]  }
0x16c: {  	v26 =	vadd.f32 v41, v34;
	v34 =	vld [tilespmem:$0x9D0]  }
0x16d: {  	v25 =	vadd.f32 v44, v42;
	v42 =	vld [tilespmem:$0x1FB60]  }
0x16e: {  	v24 =	vadd.f32 v47, v24;
	v47 =	vld [tilespmem:$0x1FAE0]  }
0x16f: {  	[tilespmem:$0x1FE50] =	vst v62;
	v62 =	vld [tilespmem:$0x9A0]  }
0x170: {  	v55 =	vmul.f32 v54, v53;
	v54 =	vld [tilespmem:$0x1FB20]  }
0x171: {  	v41 =	vmul.f32 v40, v39;
	v39 =	vld [tilespmem:$0x13D0]  }
0x172: {  	v24 =	vadd.f32 v55, v24;
	v55 =	vld [tilespmem:$0x1FB30]  }
0x173: {  	v40 =	vld [tilespmem:$0x14D0]  }
0x174: {  	[tilespmem:$0x1FE60] =	vst v62;
	v62 =	vld [tilespmem:$0x11A0]  }
0x175: {  	v53 =	vmul.f32 v52, v51;
	v51 =	vld [tilespmem:$0x1FBA0]  }
0x176: {  	v52 =	vld [tilespmem:$0x1FBB0]  }
0x177: {  	v57 =	vmul.f32 v55, v54;
	v54 =	vld [tilespmem:$0x1FBC0]  }
0x178: {  	v55 =	vld [tilespmem:$0x1FBD0]  }
0x179: {  	v23 =	vadd.f32 v41, v23;
	[tilespmem:$0x1FE70] =	vst v62;
	v62 =	vld [tilespmem:$0xAA0]  }
0x17a: {  	v49 =	vmul.f32 v48, v47;
	v47 =	vld [tilespmem:$0x1FB80]  }
0x17b: {  	v27 =	vadd.f32 v53, v23;
	v44 =	vmul.f32 v43, v42;
	v48 =	vld [tilespmem:$0x1FB90]  }
0x17c: {  	v24 =	vadd.f32 v63, v24;
	v63 =	vmul.f32 v59, v58;
	v58 =	vld [tilespmem:$0x1FBE0]  }
0x17d: {  	v27 =	vadd.f32 v44, v27;
	v25 =	vadd.f32 v57, v25;
	v57 =	vmul.f32 v55, v54;
	v59 =	vld [tilespmem:$0x1FBF0]  }
0x17e: {  	[tilespmem:$0x1FE90] =	vst v62;
	v62 =	vld [tilespmem:$0x12A0]  }
0x17f: {  	v42 =	vadd.f32 v57, v27;
	v27 =	vld [tilespmem:$0xED0]  }
0x180: {  	v53 =	vmul.f32 v52, v51;
	v52 =	vld [tilespmem:$0x1FC40]  }
0x181: {  	v55 =	vld [tilespmem:$0x1FC60]  }
0x182: {  	v57 =	vld [tilespmem:$0x1FC70]  }
0x183: {  	[tilespmem:$0x1FEA0] =	vst v62;
	v62 =	vld [tilespmem:$0xBA0]  }
0x184: {  	v43 =	vld [tilespmem:$0x1FC00]  }
0x185: {  	v44 =	vld [tilespmem:$0x1FC10]  }
0x186: {  	v23 =	vadd.f32 v49, v26;
	v49 =	vmul.f32 v48, v47;
	v48 =	vld [tilespmem:$0x1FC20]  }
0x187: {  	v24 =	vadd.f32 v63, v24;
	v63 =	vmul.f32 v59, v58;
	v58 =	vld [tilespmem:$0x1FC80]  }
0x188: {  	[tilespmem:$0x1FEE0] =	vst v62;
	v62 =	vld [tilespmem:$0x13A0]  }
0x189: {  	v59 =	vld [tilespmem:$0x1FC90]  }
0x18a: {  	v25 =	vadd.f32 v49, v25;
	v49 =	vld [tilespmem:$0x1FC30]  }
0x18b: {  	v24 =	vadd.f32 v53, v24;
	v53 =	vld [tilespmem:$0x1FC50]  }
0x18c: {  	v47 =	vmul.f32 v44, v43;
	v43 =	vmul.f32 v57, v55;
	v55 =	vld [tilespmem:$0x1FCE0]  }
0x18d: {  	[tilespmem:$0x1FEF0] =	vst v62;
	v62 =	vld [tilespmem:$0xCA0]  }
0x18e: {  	v25 =	vadd.f32 v63, v25;
	v63 =	vmul.f32 v59, v58;
	v58 =	vld [tilespmem:$0x1FD00]  }
0x18f: {  	v51 =	vmul.f32 v49, v48;
	v59 =	vld [tilespmem:$0x1FD10]  }
0x190: {  	v49 =	vld [tilespmem:$0x1FCA0]  }
0x191: {  	v41 =	vadd.f32 v51, v47;
	v51 =	vld [tilespmem:$0x1FCB0]  }
0x192: {  	[tilespmem:$0x1FF30] =	vst v62;
	v62 =	vld [tilespmem:$0x14A0]  }
0x193: {  	v54 =	vmul.f32 v53, v52;
	v52 =	vld [tilespmem:$0x1FCC0]  }
0x194: {  	v53 =	vld [tilespmem:$0x1FCD0]  }
0x195: {  	v57 =	vld [tilespmem:$0x1FCF0]  }
0x196: {  	v26 =	vadd.f32 v54, v25;
	v25 =	vld [tilespmem:$0xFD0]  }
0x197: {  	[tilespmem:$0x1FF40] =	vst v62;
	v62 =	vld [tilespmem:$0xDA0]  }
0x198: {  	v41 =	vadd.f32 v63, v41;
	v63 =	vmul.f32 v59, v58;
	v58 =	vld [tilespmem:$0x1FD60]  }
0x199: {  	v59 =	vld [tilespmem:$0x1FD70];
	v47 =	vmul.f32 v51, v49;
	v54 =	vmul.f32 v53, v52  }
0x19a: {  	v49 =	vmul.f32 v57, v55;
	v55 =	vld [tilespmem:$0x1FD50]  }
0x19b: {  	v47 =	vadd.f32 v54, v47;
	v54 =	vld [tilespmem:$0x1FD40]  }
0x19c: {  	[tilespmem:$0x1FF50] =	vst v62;
	v62 =	vld [tilespmem:$0x15A0]  }
0x19d: {  	v43 =	vadd.f32 v43, v26;
	v26 =	vld [tilespmem:$0x17D0]  }
0x19e: {  	v41 =	vadd.f32 v63, v41;
	v63 =	vmul.f32 v59, v58;
	v58 =	vld [tilespmem:$0x1FDB0]  }
0x19f: {  	v52 =	vld [tilespmem:$0x1FD20]  }
0x1a0: {  	v53 =	vld [tilespmem:$0x1FD30];
	v57 =	vmul.f32 v55, v54  }
0x1a1: {  	[tilespmem:$0x1FF60] =	vst v62;
	v62 =	vld [tilespmem:$0xEA0]  }
0x1a2: {  	v43 =	vadd.f32 v57, v43;
	v57 =	vld [tilespmem:$0x1FDA0]  }
0x1a3: {  	v54 =	vld [tilespmem:$0x1FD80]  }
0x1a4: {  	v55 =	vld [tilespmem:$0x1FD90]  }
0x1a5: {  	v41 =	vadd.f32 v63, v41;
	v63 =	vld [tilespmem:$0x1FDC0]  }
0x1a6: {  	[tilespmem:$0x1FF80] =	vst v62;
	v62 =	vld [tilespmem:$0x16A0]  }
0x1a7: {  	v48 =	vmul.f32 v53, v52;
	v53 =	vld [tilespmem:$0x1FDD0]  }
0x1a8: {  	v59 =	vmul.f32 v58, v57;
	v57 =	vld [tilespmem:$0x1FE00]  }
0x1a9: {  	v47 =	vadd.f32 v48, v47;
	v48 =	vmul.f32 v55, v54;
	v54 =	vld [tilespmem:$0x1FDE0]  }
0x1aa: {  	v55 =	vld [tilespmem:$0x1FDF0]  }
0x1ab: {  	[tilespmem:$0x1FF90] =	vst v62;
	v62 =	vld [tilespmem:$0xFA0]  }
0x1ac: {  	v58 =	vld [tilespmem:$0x1FE10]  }
0x1ad: {  	v53 =	vmul.f32 v53, v63;
	v41 =	vadd.f32 v59, v41;
	v59 =	vld [tilespmem:$0x1FE20]  }
0x1ae: {  	v63 =	vld [tilespmem:$0x1FE30]  }
0x1af: {  	v41 =	vadd.f32 v53, v41;
	v53 =	vld [tilespmem:$0x1FE80];
	v47 =	vadd.f32 v48, v47;
	v48 =	vmul.f32 v55, v54  }
0x1b0: {  	[tilespmem:$0x1FFA0] =	vst v62;
	v62 =	vld [tilespmem:$0x17A0]  }
0x1b1: {  	v47 =	vadd.f32 v48, v47;
	v48 =	vld [tilespmem:$0x1FE40]  }
0x1b2: {  	v44 =	vmul.f32 v58, v57;
	v58 =	vld [tilespmem:$0x1FE50]  }
0x1b3: {  	v55 =	vmul.f32 v63, v59;
	v59 =	vld [tilespmem:$0x1FE60]  }
0x1b4: {  	v63 =	vld [tilespmem:$0x1FE70]  }
0x1b5: {  	[tilespmem:$0x1FFB0] =	vst v62;
	v62 =	vld [tilespmem:$0x8B0]  }
0x1b6: {  	v51 =	vld [tilespmem:$0x9E0]  }
0x1b7: {  	v42 =	vadd.f32 v49, v42;
	v49 =	vld [tilespmem:$0x10E0]  }
0x1b8: {  	v47 =	vadd.f32 v55, v47;
	v55 =	vld [tilespmem:$0x1FE90]  }
0x1b9: {  	v13 =	vmul.f32 v63, v59;
	v63 =	vld [tilespmem:$0x1FEC0]  }
0x1ba: {  	v48 =	vmul.f32 v58, v48;
	v58 =	vld [tilespmem:$0x1FEA0];
	v53 =	vmul.f32 v53, v62  }
0x1bb: {  	v62 =	vld [tilespmem:$0x1FEB0]  }
0x1bc: {  	v45 =	vadd.f32 v45, v53;
	v53 =	vld [tilespmem:$0x1FED0]  }
0x1bd: {  	v52 =	vld [tilespmem:$0x8E0]  }
0x1be: {  	v57 =	vld [tilespmem:$0xAE0]  }
0x1bf: {  	v54 =	vld [tilespmem:$0x11E0]  }
0x1c0: {  	v0 =	vld [tilespmem:$0x1FF10];
	v48 =	vadd.f32 v13, v48;
	v55 =	vmul.f32 v58, v55  }
0x1c1: {  	v13 =	vld [tilespmem:$0x1FF20];
	v62 =	vmul.f32 v63, v62;
	v63 =	vmul.f32 v56, v53  }
0x1c2: {  	v41 =	vadd.f32 v44, v41;
	v44 =	vadd.f32 v55, v48;
	v48 =	vld [tilespmem:$0x1FEE0]  }
0x1c3: {  	v45 =	vadd.f32 v63, v45;
	v63 =	vld [tilespmem:$0x1FF00]  }
0x1c4: {  	v55 =	vld [tilespmem:$0x1FEF0]  }
0x1c5: {  	v59 =	vld [tilespmem:$0x12E0]  }
0x1c6: {  	v58 =	vld [tilespmem:$0x13E0]  }
0x1c7: {  	v47 =	vadd.f32 v62, v47;
	v62 =	vmul.f32 v13, v0;
	v13 =	vld [tilespmem:$0x1FF40]  }
0x1c8: {  	v50 =	vmul.f32 v50, v63;
	v63 =	vld [tilespmem:$0x1FF30]  }
0x1c9: {  	v48 =	vmul.f32 v55, v48;
	v55 =	vld [tilespmem:$0x14E0]  }
0x1ca: {  	v19 =	vmul.f32 v19, v61;
	v61 =	vld [tilespmem:$0x1FFB0]  }
0x1cb: {  	v56 =	vld [tilespmem:$0xCE0]  }
0x1cc: {  	v0 =	vld [tilespmem:$0x1FF50]  }
0x1cd: {  	v44 =	vadd.f32 v48, v44;
	v48 =	vmul.f32 v13, v63;
	v13 =	vld [tilespmem:$0x1FF60]  }
0x1ce: {  	v53 =	vld [tilespmem:$0xDE0]  }
0x1cf: {  	v15 =	vadd.f32 v62, v47;
	v62 =	vld [tilespmem:$0x1FF80]  }
0x1d0: {  	v47 =	vmul.f32 v32, v30;
	v30 =	vld [tilespmem:$0x9F0]  }
0x1d1: {  	v32 =	vld [tilespmem:$0x1FFD0]  }
0x1d2: {  	v0 =	vmul.f32 v13, v0;
	v13 =	vld [tilespmem:$0x1FF90]  }
0x1d3: {  	v45 =	vadd.f32 v50, v45;
	v50 =	vld [tilespmem:$0xEE0]  }
0x1d4: {  	v44 =	vadd.f32 v48, v44;
	v48 =	vld [tilespmem:$0x1FFA0]  }
0x1d5: {  	v45 =	vadd.f32 v46, v45;
	v46 =	vld [tilespmem:$0xFE0]  }
0x1d6: {  	v63 =	vld [tilespmem:$0x15E0]  }
0x1d7: {  	v7 =	vmul.f32 v17, v7;
	v17 =	vmul.f32 v13, v62;
	v62 =	vld [tilespmem:$0x1FFC0]  }
0x1d8: {  	v3 =	vmul.f32 v8, v3;
	v19 =	vadd.f32 v19, v45;
	v45 =	vld [tilespmem:$0x8F0]  }
0x1d9: {  	v0 =	vadd.f32 v0, v44;
	v44 =	vmul.f32 v61, v48;
	v48 =	vmul.f32 v35, v34;
	v34 =	vld [tilespmem:$0x1FFE0]  }
0x1da: {  	v1 =	vmul.f32 v1, v9;
	v61 =	vmul.f32 v20, v12;
	v20 =	vld [tilespmem:$0xAF0]  }
0x1db: {  	v39 =	vmul.f32 v39, v38;
	v13 =	vmul.f32 v18, v11;
	v11 =	vld [tilespmem:$0x10F0]  }
0x1dc: {  	v4 =	vadd.f32 v7, v4;
	v59 =	vmul.f32 v59, v57;
	v21 =	vmul.f32 v21, v62;
	v62 =	vld [tilespmem:$0x11F0]  }
0x1dd: {  	v35 =	vmul.f32 v37, v36;
	v36 =	vmul.f32 v22, v16;
	v37 =	vld [tilespmem:$0x12F0];
	v0 =	vadd.f32 v17, v0  }
0x1de: {  	v4 =	vadd.f32 v13, v4;
	v17 =	vadd.f32 v48, v47;
	v47 =	vmul.f32 v49, v52;
	v49 =	vld [tilespmem:$0x13F0]  }
0x1df: {  	v13 =	vmul.f32 v34, v32;
	v48 =	vmul.f32 v54, v51;
	v51 =	vld [tilespmem:$0xCF0]  }
0x1e0: {  	v54 =	vmul.f32 v40, v33;
	v0 =	vadd.f32 v44, v0;
	v4 =	vadd.f32 v61, v4;
	v44 =	vld [tilespmem:$0xBF0]  }
0x1e1: {  	v52 =	vld [tilespmem:$0x1FFF0];
	v17 =	vadd.f32 v35, v17;
	v11 =	vmul.f32 v11, v45;
	v12 =	vmul.f32 v62, v30  }
0x1e2: {  	[tilespmem:$0x1810] =	vst v5;
	v20 =	vmul.f32 v37, v20;
	v7 =	vadd.f32 v48, v47;
	v61 =	vld [tilespmem:$0x14F0];
	v4 =	vadd.f32 v36, v4  }
0x1e3: {  	[tilespmem:$0x1820] =	vst v2;
	v33 =	vld [tilespmem:$0xDF0];
	v37 =	vmul.f32 v31, v29;
	v17 =	vadd.f32 v39, v17;
	v62 =	vadd.f32 v12, v11  }
0x1e4: {  	[tilespmem:$0x1830] =	vst v6;
	v35 =	vmul.f32 v58, v60;
	v7 =	vadd.f32 v59, v7;
	v36 =	vld [tilespmem:$0x15F0];
	v19 =	vadd.f32 v21, v19  }
0x1e5: {  	[tilespmem:$0x1840] =	vst v23;
	v45 =	vld [tilespmem:$0x16F0];
	v34 =	vadd.f32 v54, v17;
	v38 =	vmul.f32 v49, v44;
	v5 =	vadd.f32 v20, v62  }
0x1e6: {  	[tilespmem:$0x1850] =	vst v24;
	v39 =	vld [tilespmem:$0xEF0];
	v3 =	vadd.f32 v3, v4;
	v40 =	vadd.f32 v35, v7;
	v44 =	vmul.f32 v55, v56  }
0x1e7: {  	[tilespmem:$0x1860] =	vst v42;
	v48 =	vld [tilespmem:$0xFF0];
	v54 =	vmul.f32 v14, v50;
	v47 =	vmul.f32 v61, v51;
	v5 =	vadd.f32 v38, v5  }
0x1e8: {  	[tilespmem:$0x1800] =	vst v52;
	v52 =	vld [tilespmem:$0x17F0];
	v49 =	vmul.f32 v28, v27;
	v51 =	vmul.f32 v63, v53;
	v4 =	vadd.f32 v44, v40  }
0x1e9: {  	[tilespmem:$0x1870] =	vst v43;
	v2 =	vadd.f32 v37, v34;
	v53 =	vmul.f32 v36, v33;
	v5 =	vadd.f32 v47, v5  }
0x1ea: {  	[tilespmem:$0x1880] =	vst v41;
	v13 =	vadd.f32 v13, v19;
	v55 =	vmul.f32 v26, v25;
	v4 =	vadd.f32 v51, v4  }
0x1eb: {  	[tilespmem:$0x1890] =	vst v15;
	v56 =	vmul.f32 v45, v39;
	v2 =	vadd.f32 v49, v2;
	v5 =	vadd.f32 v53, v5  }
0x1ec: {  	[tilespmem:$0x18A0] =	vst v0;
	v59 =	vmul.f32 v10, v46;
	v57 =	vadd.f32 v1, v3;
	v58 =	vadd.f32 v54, v4  }
0x1ed: {  	[tilespmem:$0x18B0] =	vst v13;
	v61 =	vmul.f32 v52, v48;
	v2 =	vadd.f32 v55, v2;
	v60 =	vadd.f32 v56, v5  }
0x1ee: {  	[tilespmem:$0x18C0] =	vst v57;
	v62 =	vadd.f32 v59, v58  }
0x1ef: {  	[tilespmem:$0x18D0] =	vst v2;
	v63 =	vadd.f32 v61, v60  }
0x1f0: {  	p0 =	sne.s32 s4, $0x1;
	[tilespmem:$0x18E0] =	vst v62  }
.Ltmp0:
0x1f1: {  	s9 =	rddreg [dreg:$0x5];
	[tilespmem:$0x18F0] =	vst v63;
	(pc) =	sbr.rel @p0 .LBB2_1-.Ltmp0, $4  }
0x1f2: {  	[hbm4b:s9+s2] =	stream.linear.scatter [tilespmem:s1], [sflag:$0x2], $0x100, $0x38;
	[tilespmem:$0x1900] =	vst v63  }
0x1f3: {  	_ =	swait.ge [sflag:s5], $0x100  }
0x1f4: {  	[sflag:s5] =	ssyncset.done $0x0  }
0x1f5: {  	s4 =	sadd.s32 $0xFFFFFFFF, s4;
	[sflag:s5] =	ssyncadd.s32 $0xFFFFFF00  }
0x1f6: {  	_ =	sfence.sel $0x180000  }
0x1f7: {  	[bflag:$0x0] =	sbarrier.arrive $0xFFFF  }
0x1f8: {  	_ =	strace $0x90000047  }
0x1f9: {  	s0 =	stileid.u32;
	[bflag:$0x2] =	sbarrier.arrive $0xFFFF  }
0x1fa: {  	p0 =	sne.s32 s0, $0x0;
	s0 =	rddreg [dreg:$0x2]  }
0x1fb: {  	s0 =	sadd.s32 @!p0 $0x100000, s0  }
0x1fc: {  	[sflag:s0] =	ssyncadd.tile.s32 @!p0 $0x1;
	_ =	shalt  }
.Lfunc_end2:
_tile_overlayer_lowered:
.L_overlay_start_2:
0x1fd: {  	(tag) =	ssettag $0x2  }
0x1fe: {  	s0 =	rddreg [dreg:$0x0];
	s2 =	stileid.u32  }
0x1ff: {  	s1 =	rddreg [dreg:$0x1];
	p0 =	sne.s32 s2, $0x0  }
0x200: {  	s3 =	rddreg [dreg:$0x2];
	[bflag:$0x3] =	sbarrier.arrive $0xFFFF;
	s2 =	simm.s32 @!p0 $0x1C02  }
0x201: {  	[timem:s3], [sflag:s2] =	dma.local @!p0 [hbm:s0], s1  }
0x202: {  	s0 =	simm.s32 @!p0 $0x2  }
0x203: {  	_ =	swait.ge @!p0 [sflag:s0], s1  }
0x204: {  	s1 =	ssub.s32 @!p0 $0x0, s1;
	[sflag:s0] =	ssyncset.done @!p0 $0x0  }
0x205: {  	[sflag:s0] =	ssyncadd.s32 @!p0 s1  }
0x206: {  	[bflag:$0x3] =	sbarrier.arrive $0xFFFF  }
0x207: {  	_ =	shalt  }

</sc_bundles>
